<compile_context>
chip_gen: v7x
topology: tpu7x:2x2x1
jax: 0.10.2.dev20260603
libtpu: 0.0.44.dev20260713+nightly
codegen_flags: <defaults>
</compile_context>

<pallas_src>
import functools

import numpy as np
import jax
import jax.numpy as jnp
from jax import lax
from jax.experimental import pallas as pl
from jax.experimental.pallas import tpu as pltpu
from jax.experimental.pallas import tpu_sc as plsc

_VOCAB = 1000000
_EMB = 64
_SEQ = 2048
_BATCH = 4
_NTOK = _BATCH * _SEQ

_NC = 2
_NS = 16
_NW = _NC * _NS
_LANES = 16

_WCOLS = 512
_NWIN = -(-_VOCAB // _WCOLS)
_WPT = (-(-_NWIN // _NW) + 1) // 2 * 2
_LAST_COL0 = -(-(_VOCAB - _WCOLS) // 128) * 128
_OUT_ROWS = _NTOK


def _pe_host(seq: int, d: int) -> np.ndarray:
    pos = np.arange(seq, dtype=np.float64)[:, None]
    index = np.arange(d, dtype=np.float64)[None, :]
    tmp = pos / np.power(10000.0, index / float(d))
    pe = np.zeros((seq, d), dtype=np.float64)
    pe[:, 0::2] = np.sin(tmp[:, 0::2])
    pe[:, 1::2] = np.cos(tmp[:, 1::2])
    return pe.astype(np.float32)


_PE = _pe_host(_SEQ, _EMB)

_mesh = plsc.VectorSubcoreMesh(core_axis_name="c", subcore_axis_name="s")


@functools.partial(
    pl.kernel,
    mesh=_mesh,
    compiler_params=pltpu.CompilerParams(needs_layout_passes=False),
    out_type=jax.ShapeDtypeStruct((_OUT_ROWS, 128), jnp.float32),
    scratch_types=[
        pltpu.VMEM((_NTOK,), jnp.int32),
        pltpu.VMEM((_NTOK,), jnp.int32),
        pltpu.VMEM((_NTOK,), jnp.int32),
        pltpu.VMEM((_NTOK,), jnp.int32),
        pltpu.VMEM((_EMB, _WCOLS), jnp.float32),
        pltpu.VMEM((_EMB, _WCOLS), jnp.float32),
        pltpu.VMEM((2 * _LANES, 128), jnp.float32),
        pltpu.VMEM((2, _LANES), jnp.int32),
        pltpu.SemaphoreType.DMA,
        pltpu.SemaphoreType.DMA,
        pltpu.SemaphoreType.DMA,
    ],
)
def _gather_sc(tablet_hbm, idx_hbm, out_hbm, idx_v, vlist, tlist, wpack,
               win0, win1, staging, srow, sem0, sem1, sem2):
    wid = lax.axis_index("s") * _NC + lax.axis_index("c")

    def fire(k, win, sem):
        w_glob = wid + _NW * k
        col0 = jnp.minimum(w_glob * _WCOLS, _LAST_COL0)
        col0 = pl.multiple_of(col0, 128)
        pltpu.async_copy(tablet_hbm.at[:, pl.ds(col0, _WCOLS)], win, sem)

    fire(0, win0, sem0)
    fire(1, win1, sem1)

    pltpu.sync_copy(idx_hbm, idx_v)

    lane = lax.broadcasted_iota(jnp.int32, (_LANES,), 0)

    def bucket_body(c, cnt):
        v = idx_v[pl.ds(c * _LANES, _LANES)]
        m = ((v >> 9) & (_NW - 1)) == wid
        plsc.store_compressed(vlist.at[pl.ds(cnt, _LANES)], v, mask=m)
        plsc.store_compressed(
            tlist.at[pl.ds(cnt, _LANES)], c * _LANES + lane, mask=m
        )
        npop = plsc.all_reduce_population_count(m)
        return cnt + npop[0]

    cnt = lax.fori_loop(0, _NTOK // _LANES, bucket_body, 0)
    nchunks = (cnt + _LANES - 1) // _LANES

    def process(k, win, sem, gb):
        pltpu.make_async_copy(
            tablet_hbm.at[:, pl.ds(0, _WCOLS)], win, sem
        ).wait()
        w_glob = wid + _NW * k
        dma_col0 = jnp.minimum(w_glob * _WCOLS, _LAST_COL0)

        def sub_body(c, nw):
            valid = (c * _LANES + lane) < cnt
            v = vlist[pl.ds(c * _LANES, _LANES)]
            t = tlist[pl.ds(c * _LANES, _LANES)]
            m = valid & ((v >> 9) == w_glob)
            packed = (v - dma_col0) | (t << 10)
            plsc.store_compressed(wpack.at[pl.ds(nw, _LANES)], packed, mask=m)
            npop = plsc.all_reduce_population_count(m)
            return nw + npop[0]

        nw = lax.fori_loop(0, nchunks, sub_body, 0)

        def batch_body(b, g):
            slot = g % 2

            @pl.when(g >= 2)
            def _():
                pltpu.make_async_copy(
                    out_hbm.at[pl.ds(0, _LANES)],
                    staging.at[pl.ds(0, _LANES)],
                    sem2,
                ).wait()

            msk = (b * _LANES + lane) < nw
            p = wpack[pl.ds(b * _LANES, _LANES)]
            jv = p & 1023
            tv = p >> 10
            jv = jnp.where(msk, jv, jv[0])
            tv = jnp.where(msk, tv, tv[0])
            srot = slot * _LANES + lane
            for e in range(_EMB):
                g_vals = plsc.load_gather(
                    win, [jnp.full((_LANES,), e, jnp.int32), jv]
                )
                plsc.store_scatter(
                    staging,
                    [srot, jnp.full((_LANES,), e, jnp.int32)],
                    g_vals,
                )
            srow[slot, :] = tv
            pltpu.async_copy(
                staging.at[pl.ds(slot * _LANES, _LANES)],
                out_hbm.at[srow.at[slot]],
                sem2,
            )
            return g + 1

        return lax.fori_loop(0, (nw + _LANES - 1) // _LANES, batch_body, gb)

    def step(i, gb):
        gb = process(2 * i, win0, sem0, gb)

        @pl.when(2 * i + 2 < _WPT)
        def _():
            fire(2 * i + 2, win0, sem0)

        gb = process(2 * i + 1, win1, sem1, gb)

        @pl.when(2 * i + 3 < _WPT)
        def _():
            fire(2 * i + 3, win1, sem1)

        return gb

    gb = lax.fori_loop(0, _WPT // 2, step, 0)

    def drain_body(i, carry):
        pltpu.make_async_copy(
            out_hbm.at[pl.ds(0, _LANES)],
            staging.at[pl.ds(0, _LANES)],
            sem2,
        ).wait()
        return carry

    lax.fori_loop(0, jnp.minimum(gb, 2), drain_body, 0)


def _epilogue_body(raw_ref, idx_ref, pe_ref, out_ref):
    rows = raw_ref[:, :_EMB]
    m = (idx_ref[0, 0, :] != 0).astype(jnp.float32).reshape(-1, 1)
    out_ref[0, :, :] = jnp.transpose(rows * m + pe_ref[...], (1, 0))


_EPI_BLK = 256


def _epilogue(raw, idx3, pe):
    return pl.pallas_call(
        _epilogue_body,
        grid=(_NTOK // _EPI_BLK,),
        in_specs=[
            pl.BlockSpec((_EPI_BLK, 128), lambda b: (b, 0)),
            pl.BlockSpec((1, 1, _EPI_BLK), lambda b: (b, 0, 0)),
            pl.BlockSpec((_EPI_BLK, _EMB), lambda b: (b % (_SEQ // _EPI_BLK), 0)),
        ],
        out_specs=pl.BlockSpec(
            (1, _EMB, _EPI_BLK),
            lambda b: (b // (_SEQ // _EPI_BLK), 0, b % (_SEQ // _EPI_BLK)),
        ),
        out_shape=jax.ShapeDtypeStruct((_BATCH, _EMB, _SEQ), jnp.float32),
    )(raw, idx3, pe)


def kernel(input, table):
    idx_flat = input.reshape(_NTOK)
    raw = _gather_sc(table.T, idx_flat)
    idx3 = idx_flat.reshape(_NTOK // _EPI_BLK, 1, _EPI_BLK)
    pe = jnp.asarray(_PE)
    out_t = _epilogue(raw, idx3, pe)
    return jnp.transpose(out_t, (0, 2, 1))

# --- scband reference (transcript-rebuilt; emitter-appended) ---
"""Pipeline reference for scband-transformer-embedding-1529008358136 (READ-ONLY COPY).

The authoritative reference and input builder live on the scoring server;
editing this copy changes nothing except your own understanding.
"""

import jax, jax.numpy as jnp
import numpy as np

VOCAB = 1000000
EMB = 64
SEQ = 2048
BATCH = 4


def _positional_encoding(seq_len, d):
    # Intended sinusoidal PE (the original torch code accidentally overwrites
    # `index` with pos; we implement the clearly-intended formula so it runs):
    pos = jnp.arange(seq_len, dtype=jnp.float32)[:, None]
    index = jnp.arange(d, dtype=jnp.float32)[None, :]
    tmp = pos / jnp.power(10000.0, index / float(d))
    pe = jnp.zeros((seq_len, d), dtype=jnp.float32)
    pe = pe.at[:, 0::2].set(jnp.sin(tmp[:, 0::2]))
    pe = pe.at[:, 1::2].set(jnp.cos(tmp[:, 1::2]))
    return pe


def setup_inputs(seed: int = 0) -> dict:
    key = jax.random.key(seed)
    k1, k2 = jax.random.split(key)
    indices = jax.random.randint(k1, (BATCH, SEQ), 0, VOCAB, dtype=jnp.int32)
    table = jax.random.normal(k2, (VOCAB, EMB), dtype=jnp.float32)
    return {"input": indices, "table": table}


def reference(input, table):
    # TokenEmbedding with padding_idx=0: row 0 acts as a zero embedding
    tbl = table.at[0].set(0.0)
    tok = jnp.take(tbl, input, axis=0)  # [B, S, E] gather
    pe = _positional_encoding(SEQ, EMB)  # [S, E]
    out = tok + pe[None, :, :]
    # nn.Dropout in eval mode is identity
    return out

if __name__ == "__main__":
    import jax
    _d = setup_inputs()
    print(jax.jit(kernel)(*tuple(_d.values())))

</pallas_src>

<mosaic_0001>
#map = affine_map<(d0, d1) -> (0, 0)>
#map1 = affine_map<(d0, d1) -> (0)>
module attributes {stable_mosaic.version = 14 : i64} {
  func.func @_gather_sc(%arg0: i32, %arg1: i32, %arg2: memref<64x1000000xf32, #tpu.memory_space<hbm>>, %arg3: memref<8192xi32, #tpu.memory_space<hbm>>, %arg4: memref<8192x128xf32, #tpu.memory_space<hbm>>, %arg5: memref<8192xi32, #tpu.memory_space<vmem>>, %arg6: memref<8192xi32, #tpu.memory_space<vmem>>, %arg7: memref<8192xi32, #tpu.memory_space<vmem>>, %arg8: memref<8192xi32, #tpu.memory_space<vmem>>, %arg9: memref<64x512xf32, #tpu.memory_space<vmem>>, %arg10: memref<64x512xf32, #tpu.memory_space<vmem>>, %arg11: memref<32x128xf32, #tpu.memory_space<vmem>>, %arg12: memref<2x16xi32, #tpu.memory_space<vmem>>, %arg13: memref<!tpu.dma_semaphore, #tpu.memory_space<semaphore_mem>>, %arg14: memref<!tpu.dma_semaphore, #tpu.memory_space<semaphore_mem>>, %arg15: memref<!tpu.dma_semaphore, #tpu.memory_space<semaphore_mem>>) attributes {dimension_semantics = [#tpu.dimension_semantics<core_parallel>, #tpu.dimension_semantics<subcore_parallel>], iteration_bounds = array<i64: 2, 16>, scalar_prefetch = 0 : i64, scratch_operands = 11 : i64, tpu.core_type = #tpu.core_type<sc_vector_subcore>, window_params = [{transform_indices = #map}, {transform_indices = #map1}, {transform_indices = #map}]} {
    %mul3A = arith.constant 2 : i32
    %mul3A_0 = arith.muli %arg1, %mul3A : i32
    %add3A = arith.addi %mul3A_0, %arg0 : i32
    %add3A_1 = arith.constant 0 : i32
    %add3A_2 = arith.addi %add3A, %add3A_1 : i32
    %mul3A_3 = arith.constant 512 : i32
    %mul3A_4 = arith.muli %add3A_2, %mul3A_3 : i32
    %min3A = arith.constant 999552 : i32
    %min3A_5 = arith.minsi %mul3A_4, %min3A : i32
    %multiple_of3A = tpu.assume_multiple %min3A_5, 128 : i32
    %dma_start3A = arith.constant 0 : i32
    %dma_start3A_6 = tpu.memref_slice %arg2[%dma_start3A, %multiple_of3A] : memref<64x1000000xf32, #tpu.memory_space<hbm>> -> memref<64x512xf32, #tpu.memory_space<hbm>>
    %dma_start3A_7 = arith.constant 0 : i32
    %dma_start3A_8 = tpu.memref_slice %arg2[%dma_start3A_7, %multiple_of3A] : memref<64x1000000xf32, #tpu.memory_space<hbm>> -> memref<64x512xf32, #tpu.memory_space<hbm>>
    tpu.enqueue_dma source(%dma_start3A_8 : memref<64x512xf32, #tpu.memory_space<hbm>>) target(%arg9 : memref<64x512xf32, #tpu.memory_space<vmem>>) target_semaphore(%arg13 : memref<!tpu.dma_semaphore, #tpu.memory_space<semaphore_mem>>)
    %add3A_9 = arith.constant 32 : i32
    %add3A_10 = arith.addi %add3A, %add3A_9 : i32
    %mul3A_11 = arith.constant 512 : i32
    %mul3A_12 = arith.muli %add3A_10, %mul3A_11 : i32
    %min3A_13 = arith.constant 999552 : i32
    %min3A_14 = arith.minsi %mul3A_12, %min3A_13 : i32
    %multiple_of3A_15 = tpu.assume_multiple %min3A_14, 128 : i32
    %dma_start3A_16 = arith.constant 0 : i32
    %dma_start3A_17 = tpu.memref_slice %arg2[%dma_start3A_16, %multiple_of3A_15] : memref<64x1000000xf32, #tpu.memory_space<hbm>> -> memref<64x512xf32, #tpu.memory_space<hbm>>
    %dma_start3A_18 = arith.constant 0 : i32
    %dma_start3A_19 = tpu.memref_slice %arg2[%dma_start3A_18, %multiple_of3A_15] : memref<64x1000000xf32, #tpu.memory_space<hbm>> -> memref<64x512xf32, #tpu.memory_space<hbm>>
    tpu.enqueue_dma source(%dma_start3A_19 : memref<64x512xf32, #tpu.memory_space<hbm>>) target(%arg10 : memref<64x512xf32, #tpu.memory_space<vmem>>) target_semaphore(%arg14 : memref<!tpu.dma_semaphore, #tpu.memory_space<semaphore_mem>>)
    "tpu.region"() ({
      %run_scoped3A = tpu.sem_alloc : memref<!tpu.dma_semaphore, #tpu.memory_space<semaphore_mem>>
      tpu.enqueue_dma source(%arg3 : memref<8192xi32, #tpu.memory_space<hbm>>) target(%arg5 : memref<8192xi32, #tpu.memory_space<vmem>>) target_semaphore(%run_scoped3A : memref<!tpu.dma_semaphore, #tpu.memory_space<semaphore_mem>>)
      tpu.wait_dma2 semaphore(%run_scoped3A : memref<!tpu.dma_semaphore, #tpu.memory_space<semaphore_mem>>) src(%arg3 : memref<8192xi32, #tpu.memory_space<hbm>>) dst(%arg5 : memref<8192xi32, #tpu.memory_space<vmem>>)
      tpu.yield
    }) : () -> ()
    %iota3A = tpu.iota {dimensions = array<i32: 0>} : vector<16xi32>
    %scan3A = arith.constant 0 : i32
    %scan3A_20 = arith.constant 0 : i32
    %scan3A_21 = arith.constant 512 : i32
    %scan3A_22 = arith.addi %scan3A_20, %scan3A_21 : i32
    %scan3A_23 = arith.constant 1 : i32
    %scan3A_24 = scf.for %scan3A_64 = %scan3A_20 to %scan3A_22 step %scan3A_23 iter_args(%scan3A_65 = %scan3A) -> (i32)  : i32 {
      %mul3A_66 = arith.constant 16 : i32
      %mul3A_67 = arith.muli %scan3A_64, %mul3A_66 : i32
      %get3A = arith.index_cast %mul3A_67 : i32 to index
      %get3A_68 = tpu.vector_load %arg5[%get3A] {strides = array<i32>} : memref<8192xi32, #tpu.memory_space<vmem>>, vector<16xi32>,
      %shift_right_arithmetic3A = arith.constant 9 : i32
      %shift_right_arithmetic3A_69 = vector.broadcast %shift_right_arithmetic3A : i32 to vector<16xi32>
      %shift_right_arithmetic3A_70 = arith.shrsi %get3A_68, %shift_right_arithmetic3A_69 : vector<16xi32>
      %and3A_71 = arith.constant 31 : i32
      %and3A_72 = vector.broadcast %and3A_71 : i32 to vector<16xi32>
      %and3A_73 = arith.andi %shift_right_arithmetic3A_70, %and3A_72 : vector<16xi32>
      %eq3A = vector.broadcast %add3A : i32 to vector<16xi32>
      %eq3A_74 = arith.cmpi eq, %and3A_73, %eq3A : vector<16xi32>
      %swap3A = arith.index_cast %scan3A_65 : i32 to index
      %swap3A_75 = tpu.vector_load %arg6[%swap3A] masked %eq3A_74 {strides = array<i32>} : memref<8192xi32, #tpu.memory_space<vmem>>, vector<16xi32>, vector<16xi1>
      tpu.vector_store %arg6[%swap3A], %get3A_68 masked %eq3A_74 {strides = array<i32>} : memref<8192xi32, #tpu.memory_space<vmem>>, vector<16xi32>, vector<16xi1>
      %mul3A_76 = arith.constant 16 : i32
      %mul3A_77 = arith.muli %scan3A_64, %mul3A_76 : i32
      %add3A_78 = vector.broadcast %mul3A_77 : i32 to vector<16xi32>
      %add3A_79 = arith.addi %add3A_78, %iota3A : vector<16xi32>
      %swap3A_80 = arith.index_cast %scan3A_65 : i32 to index
      %swap3A_81 = tpu.vector_load %arg7[%swap3A_80] masked %eq3A_74 {strides = array<i32>} : memref<8192xi32, #tpu.memory_space<vmem>>, vector<16xi32>, vector<16xi1>
      tpu.vector_store %arg7[%swap3A_80], %add3A_79 masked %eq3A_74 {strides = array<i32>} : memref<8192xi32, #tpu.memory_space<vmem>>, vector<16xi32>, vector<16xi1>
      %all_reduce_population_count3A = tpu.all_reduce %eq3A_74 {dim = 0 : i64, kind = #tpu.reduction_kind<sum>} : vector<16xi1> -> vector<16xi32>
      %slice3A = vector.extract_strided_slice %all_reduce_population_count3A {offsets = [0], sizes = [1], strides = [1]} : vector<16xi32> to vector<1xi32>
      %squeeze3A = vector.extract %slice3A[0] : i32 from vector<1xi32>
      %add3A_82 = arith.addi %scan3A_65, %squeeze3A : i32
      scf.yield %add3A_82 : i32
    }
    %scan3A_25 = arith.constant 512 : i32
    %add3A_26 = arith.constant 16 : i32
    %add3A_27 = arith.addi %scan3A_24, %add3A_26 : i32
    %sub3A = arith.constant 1 : i32
    %sub3A_28 = arith.subi %add3A_27, %sub3A : i32
    %jit3A = arith.constant 16 : i32
    %div3A = arith.divsi %sub3A_28, %jit3A : i32
    %sign3A = arith.constant 0 : i32
    %sign3A_29 = arith.cmpi sgt, %sub3A_28, %sign3A : i32
    %sign3A_30 = arith.extui %sign3A_29 : i1 to i32
    %sign3A_31 = arith.constant 0 : i32
    %sign3A_32 = arith.cmpi slt, %sub3A_28, %sign3A_31 : i32
    %sign3A_33 = arith.extui %sign3A_32 : i1 to i32
    %sign3A_34 = arith.subi %sign3A_30, %sign3A_33 : i32
    %sign3A_35 = arith.constant 0 : i32
    %sign3A_36 = arith.cmpi sgt, %jit3A, %sign3A_35 : i32
    %sign3A_37 = arith.extui %sign3A_36 : i1 to i32
    %sign3A_38 = arith.constant 0 : i32
    %sign3A_39 = arith.cmpi slt, %jit3A, %sign3A_38 : i32
    %sign3A_40 = arith.extui %sign3A_39 : i1 to i32
    %sign3A_41 = arith.subi %sign3A_37, %sign3A_40 : i32
    %ne3A = arith.cmpi ne, %sign3A_34, %sign3A_41 : i32
    %rem3A = arith.remsi %sub3A_28, %jit3A : i32
    %ne3A_42 = arith.constant 0 : i32
    %ne3A_43 = arith.cmpi ne, %rem3A, %ne3A_42 : i32
    %and3A = arith.andi %ne3A, %ne3A_43 : i1
    %sub3A_44 = arith.constant 1 : i32
    %sub3A_45 = arith.subi %div3A, %sub3A_44 : i32
    %select_n3A = arith.select %and3A, %sub3A_45, %div3A : i32
    %scan3A_46 = arith.constant 0 : i32
    %scan3A_47 = arith.constant 0 : i32
    %scan3A_48 = arith.constant 31 : i32
    %scan3A_49 = arith.addi %scan3A_47, %scan3A_48 : i32
    %scan3A_50 = arith.constant 1 : i32
    %scan3A_51 = scf.for %scan3A_64 = %scan3A_47 to %scan3A_49 step %scan3A_50 iter_args(%scan3A_65 = %scan3A_46) -> (i32)  : i32 {
      %mul3A_66 = arith.constant 2 : i32
      %mul3A_67 = arith.muli %mul3A_66, %scan3A_64 : i32
      %dma_wait3A = arith.constant 0 : i32
      %dma_wait3A_68 = arith.constant 0 : i32
      %dma_wait3A_69 = tpu.memref_slice %arg2[%dma_wait3A, %dma_wait3A_68] : memref<64x1000000xf32, #tpu.memory_space<hbm>> -> memref<64x512xf32, #tpu.memory_space<hbm>>
      %dma_wait3A_70 = arith.constant 0 : i32
      %dma_wait3A_71 = arith.constant 0 : i32
      %dma_wait3A_72 = tpu.memref_slice %arg2[%dma_wait3A_70, %dma_wait3A_71] : memref<64x1000000xf32, #tpu.memory_space<hbm>> -> memref<64x512xf32, #tpu.memory_space<hbm>>
      tpu.wait_dma2 semaphore(%arg13 : memref<!tpu.dma_semaphore, #tpu.memory_space<semaphore_mem>>) src(%dma_wait3A_72 : memref<64x512xf32, #tpu.memory_space<hbm>>) dst(%arg9 : memref<64x512xf32, #tpu.memory_space<vmem>>)
      %mul3A_73 = arith.constant 32 : i32
      %mul3A_74 = arith.muli %mul3A_73, %mul3A_67 : i32
      %add3A_75 = arith.addi %add3A, %mul3A_74 : i32
      %mul3A_76 = arith.constant 512 : i32
      %mul3A_77 = arith.muli %add3A_75, %mul3A_76 : i32
      %min3A_78 = arith.constant 999552 : i32
      %min3A_79 = arith.minsi %mul3A_77, %min3A_78 : i32
      %while3A_80 = arith.constant 0 : i32
      %while3A_81 = arith.constant 0 : i32
      %while3A_82 = arith.subi %select_n3A, %while3A_80 : i32
      %while3A_83 = arith.addi %while3A_80, %while3A_82 : i32
      %while3A_84 = arith.constant 1 : i32
      %while3A_85 = arith.divsi %while3A_82, %while3A_84 : i32
      %while3A_86 = arith.muli %while3A_85, %while3A_84 : i32
      %while3A_87 = arith.addi %while3A_80, %while3A_86 : i32
      %while3A_88 = arith.constant 1 : i32
      %while3A_89 = scf.for %while3A_214 = %while3A_80 to %while3A_87 step %while3A_88 iter_args(%while3A_215 = %while3A_81) -> (i32)  : i32 {
        %mul3A_216 = arith.constant 16 : i32
        %mul3A_217 = arith.muli %while3A_214, %mul3A_216 : i32
        %add3A_218 = vector.broadcast %mul3A_217 : i32 to vector<16xi32>
        %add3A_219 = arith.addi %add3A_218, %iota3A : vector<16xi32>
        %lt3A_220 = vector.broadcast %scan3A_24 : i32 to vector<16xi32>
        %lt3A_221 = arith.cmpi slt, %add3A_219, %lt3A_220 : vector<16xi32>
        %mul3A_222 = arith.constant 16 : i32
        %mul3A_223 = arith.muli %while3A_214, %mul3A_222 : i32
        %get3A = arith.index_cast %mul3A_223 : i32 to index
        %get3A_224 = tpu.vector_load %arg6[%get3A] {strides = array<i32>} : memref<8192xi32, #tpu.memory_space<vmem>>, vector<16xi32>,
        %mul3A_225 = arith.constant 16 : i32
        %mul3A_226 = arith.muli %while3A_214, %mul3A_225 : i32
        %get3A_227 = arith.index_cast %mul3A_226 : i32 to index
        %get3A_228 = tpu.vector_load %arg7[%get3A_227] {strides = array<i32>} : memref<8192xi32, #tpu.memory_space<vmem>>, vector<16xi32>,
        %shift_right_arithmetic3A = arith.constant 9 : i32
        %shift_right_arithmetic3A_229 = vector.broadcast %shift_right_arithmetic3A : i32 to vector<16xi32>
        %shift_right_arithmetic3A_230 = arith.shrsi %get3A_224, %shift_right_arithmetic3A_229 : vector<16xi32>
        %eq3A = vector.broadcast %add3A_75 : i32 to vector<16xi32>
        %eq3A_231 = arith.cmpi eq, %shift_right_arithmetic3A_230, %eq3A : vector<16xi32>
        %and3A_232 = arith.andi %lt3A_221, %eq3A_231 : vector<16xi1>
        %sub3A_233 = vector.broadcast %min3A_79 : i32 to vector<16xi32>
        %sub3A_234 = arith.subi %get3A_224, %sub3A_233 : vector<16xi32>
        %shift_left3A = arith.constant 10 : i32
        %shift_left3A_235 = vector.broadcast %shift_left3A : i32 to vector<16xi32>
        %shift_left3A_236 = arith.shli %get3A_228, %shift_left3A_235 : vector<16xi32>
        %or3A = arith.ori %sub3A_234, %shift_left3A_236 : vector<16xi32>
        %swap3A = arith.index_cast %while3A_215 : i32 to index
        %swap3A_237 = tpu.vector_load %arg8[%swap3A] masked %and3A_232 {strides = array<i32>} : memref<8192xi32, #tpu.memory_space<vmem>>, vector<16xi32>, vector<16xi1>
        tpu.vector_store %arg8[%swap3A], %or3A masked %and3A_232 {strides = array<i32>} : memref<8192xi32, #tpu.memory_space<vmem>>, vector<16xi32>, vector<16xi1>
        %all_reduce_population_count3A = tpu.all_reduce %and3A_232 {dim = 0 : i64, kind = #tpu.reduction_kind<sum>} : vector<16xi1> -> vector<16xi32>
        %slice3A = vector.extract_strided_slice %all_reduce_population_count3A {offsets = [0], sizes = [1], strides = [1]} : vector<16xi32> to vector<1xi32>
        %squeeze3A = vector.extract %slice3A[0] : i32 from vector<1xi32>
        %add3A_238 = arith.addi %while3A_215, %squeeze3A : i32
        scf.yield %add3A_238 : i32
      }
      %while3A_90 = arith.constant 1 : i32
      %while3A_91 = scf.for %while3A_214 = %while3A_87 to %while3A_83 step %while3A_90 iter_args(%while3A_215 = %while3A_89) -> (i32)  : i32 {
        %mul3A_216 = arith.constant 16 : i32
        %mul3A_217 = arith.muli %while3A_214, %mul3A_216 : i32
        %add3A_218 = vector.broadcast %mul3A_217 : i32 to vector<16xi32>
        %add3A_219 = arith.addi %add3A_218, %iota3A : vector<16xi32>
        %lt3A_220 = vector.broadcast %scan3A_24 : i32 to vector<16xi32>
        %lt3A_221 = arith.cmpi slt, %add3A_219, %lt3A_220 : vector<16xi32>
        %mul3A_222 = arith.constant 16 : i32
        %mul3A_223 = arith.muli %while3A_214, %mul3A_222 : i32
        %get3A = arith.index_cast %mul3A_223 : i32 to index
        %get3A_224 = tpu.vector_load %arg6[%get3A] {strides = array<i32>} : memref<8192xi32, #tpu.memory_space<vmem>>, vector<16xi32>,
        %mul3A_225 = arith.constant 16 : i32
        %mul3A_226 = arith.muli %while3A_214, %mul3A_225 : i32
        %get3A_227 = arith.index_cast %mul3A_226 : i32 to index
        %get3A_228 = tpu.vector_load %arg7[%get3A_227] {strides = array<i32>} : memref<8192xi32, #tpu.memory_space<vmem>>, vector<16xi32>,
        %shift_right_arithmetic3A = arith.constant 9 : i32
        %shift_right_arithmetic3A_229 = vector.broadcast %shift_right_arithmetic3A : i32 to vector<16xi32>
        %shift_right_arithmetic3A_230 = arith.shrsi %get3A_224, %shift_right_arithmetic3A_229 : vector<16xi32>
        %eq3A = vector.broadcast %add3A_75 : i32 to vector<16xi32>
        %eq3A_231 = arith.cmpi eq, %shift_right_arithmetic3A_230, %eq3A : vector<16xi32>
        %and3A_232 = arith.andi %lt3A_221, %eq3A_231 : vector<16xi1>
        %sub3A_233 = vector.broadcast %min3A_79 : i32 to vector<16xi32>
        %sub3A_234 = arith.subi %get3A_224, %sub3A_233 : vector<16xi32>
        %shift_left3A = arith.constant 10 : i32
        %shift_left3A_235 = vector.broadcast %shift_left3A : i32 to vector<16xi32>
        %shift_left3A_236 = arith.shli %get3A_228, %shift_left3A_235 : vector<16xi32>
        %or3A = arith.ori %sub3A_234, %shift_left3A_236 : vector<16xi32>
        %swap3A = arith.index_cast %while3A_215 : i32 to index
        %swap3A_237 = tpu.vector_load %arg8[%swap3A] masked %and3A_232 {strides = array<i32>} : memref<8192xi32, #tpu.memory_space<vmem>>, vector<16xi32>, vector<16xi1>
        tpu.vector_store %arg8[%swap3A], %or3A masked %and3A_232 {strides = array<i32>} : memref<8192xi32, #tpu.memory_space<vmem>>, vector<16xi32>, vector<16xi1>
        %all_reduce_population_count3A = tpu.all_reduce %and3A_232 {dim = 0 : i64, kind = #tpu.reduction_kind<sum>} : vector<16xi1> -> vector<16xi32>
        %slice3A = vector.extract_strided_slice %all_reduce_population_count3A {offsets = [0], sizes = [1], strides = [1]} : vector<16xi32> to vector<1xi32>
        %squeeze3A = vector.extract %slice3A[0] : i32 from vector<1xi32>
        %add3A_238 = arith.addi %while3A_215, %squeeze3A : i32
        scf.yield %add3A_238 : i32
      }
      %add3A_92 = arith.constant 16 : i32
      %add3A_93 = arith.addi %while3A_91, %add3A_92 : i32
      %sub3A_94 = arith.constant 1 : i32
      %sub3A_95 = arith.subi %add3A_93, %sub3A_94 : i32
      %jit3A_96 = arith.constant 16 : i32
      %div3A_97 = arith.divsi %sub3A_95, %jit3A_96 : i32
      %sign3A_98 = arith.constant 0 : i32
      %sign3A_99 = arith.cmpi sgt, %sub3A_95, %sign3A_98 : i32
      %sign3A_100 = arith.extui %sign3A_99 : i1 to i32
      %sign3A_101 = arith.constant 0 : i32
      %sign3A_102 = arith.cmpi slt, %sub3A_95, %sign3A_101 : i32
      %sign3A_103 = arith.extui %sign3A_102 : i1 to i32
      %sign3A_104 = arith.subi %sign3A_100, %sign3A_103 : i32
      %sign3A_105 = arith.constant 0 : i32
      %sign3A_106 = arith.cmpi sgt, %jit3A_96, %sign3A_105 : i32
      %sign3A_107 = arith.extui %sign3A_106 : i1 to i32
      %sign3A_108 = arith.constant 0 : i32
      %sign3A_109 = arith.cmpi slt, %jit3A_96, %sign3A_108 : i32
      %sign3A_110 = arith.extui %sign3A_109 : i1 to i32
      %sign3A_111 = arith.subi %sign3A_107, %sign3A_110 : i32
      %ne3A_112 = arith.cmpi ne, %sign3A_104, %sign3A_111 : i32
      %rem3A_113 = arith.remsi %sub3A_95, %jit3A_96 : i32
      %ne3A_114 = arith.constant 0 : i32
      %ne3A_115 = arith.cmpi ne, %rem3A_113, %ne3A_114 : i32
      %and3A_116 = arith.andi %ne3A_112, %ne3A_115 : i1
      %sub3A_117 = arith.constant 1 : i32
      %sub3A_118 = arith.subi %div3A_97, %sub3A_117 : i32
      %select_n3A_119 = arith.select %and3A_116, %sub3A_118, %div3A_97 : i32
      %while3A_120 = arith.constant 0 : i32
      %while3A_121 = arith.subi %select_n3A_119, %while3A_120 : i32
      %while3A_122 = arith.addi %while3A_120, %while3A_121 : i32
      %while3A_123 = arith.constant 1 : i32
      %while3A_124 = arith.divsi %while3A_121, %while3A_123 : i32
      %while3A_125 = arith.muli %while3A_124, %while3A_123 : i32
      %while3A_126 = arith.addi %while3A_120, %while3A_125 : i32
      %while3A_127 = arith.constant 1 : i32
      %while3A_128 = scf.for %while3A_214 = %while3A_120 to %while3A_126 step %while3A_127 iter_args(%while3A_215 = %scan3A_65) -> (i32)  : i32 {
        %jit3A_216 = arith.constant 2 : i32
        %eq3A = arith.constant 0 : i32
        %eq3A_217 = arith.cmpi eq, %jit3A_216, %eq3A : i32
        %jit3A_218 = arith.constant 1 : i32
        %select_n3A_219 = arith.select %eq3A_217, %jit3A_218, %jit3A_216 : i32
        %rem3A_220 = arith.remsi %while3A_215, %select_n3A_219 : i32
        %ne3A_221 = arith.constant 0 : i32
        %ne3A_222 = arith.cmpi ne, %rem3A_220, %ne3A_221 : i32
        %lt3A_223 = arith.constant 0 : i32
        %lt3A_224 = arith.cmpi slt, %rem3A_220, %lt3A_223 : i32
        %lt3A_225 = arith.constant 0 : i32
        %lt3A_226 = arith.cmpi slt, %select_n3A_219, %lt3A_225 : i32
        %ne3A_227 = arith.xori %lt3A_224, %lt3A_226 : i1
        %and3A_228 = arith.andi %ne3A_227, %ne3A_222 : i1
        %add3A_229 = arith.addi %rem3A_220, %select_n3A_219 : i32
        %select_n3A_230 = arith.select %and3A_228, %add3A_229, %rem3A_220 : i32
        %ge3A = arith.constant 2 : i32
        %ge3A_231 = arith.cmpi sge, %while3A_215, %ge3A : i32
        %convert_element_type3A_232 = arith.extui %ge3A_231 : i1 to i32
        %cond3A_233 = arith.constant 0 : i32
        %cond3A_234 = arith.cmpi ne, %convert_element_type3A_232, %cond3A_233 : i32
        scf.if %cond3A_234 {
          %dma_wait3A_591 = arith.constant 0 : i32
          %dma_wait3A_592 = arith.constant 0 : i32
          %dma_wait3A_593 = tpu.memref_slice %arg11[%dma_wait3A_591, %dma_wait3A_592] : memref<32x128xf32, #tpu.memory_space<vmem>> -> memref<16x128xf32, #tpu.memory_space<vmem>>
          %dma_wait3A_594 = arith.constant 0 : i32
          %dma_wait3A_595 = arith.constant 0 : i32
          %dma_wait3A_596 = tpu.memref_slice %arg4[%dma_wait3A_594, %dma_wait3A_595] : memref<8192x128xf32, #tpu.memory_space<hbm>> -> memref<16x128xf32, #tpu.memory_space<hbm>>
          %dma_wait3A_597 = arith.constant 0 : i32
          %dma_wait3A_598 = arith.constant 0 : i32
          %dma_wait3A_599 = tpu.memref_slice %arg11[%dma_wait3A_597, %dma_wait3A_598] : memref<32x128xf32, #tpu.memory_space<vmem>> -> memref<16x128xf32, #tpu.memory_space<vmem>>
          %dma_wait3A_600 = arith.constant 0 : i32
          %dma_wait3A_601 = arith.constant 0 : i32
          %dma_wait3A_602 = tpu.memref_slice %arg4[%dma_wait3A_600, %dma_wait3A_601] : memref<8192x128xf32, #tpu.memory_space<hbm>> -> memref<16x128xf32, #tpu.memory_space<hbm>>
          tpu.wait_dma2 semaphore(%arg15 : memref<!tpu.dma_semaphore, #tpu.memory_space<semaphore_mem>>) src(%dma_wait3A_602 : memref<16x128xf32, #tpu.memory_space<hbm>>) dst(%dma_wait3A_599 : memref<16x128xf32, #tpu.memory_space<vmem>>)
        } else {
        }
        %mul3A_235 = arith.constant 16 : i32
        %mul3A_236 = arith.muli %while3A_214, %mul3A_235 : i32
        %add3A_237 = vector.broadcast %mul3A_236 : i32 to vector<16xi32>
        %add3A_238 = arith.addi %add3A_237, %iota3A : vector<16xi32>
        %lt3A_239 = vector.broadcast %while3A_91 : i32 to vector<16xi32>
        %lt3A_240 = arith.cmpi slt, %add3A_238, %lt3A_239 : vector<16xi32>
        %mul3A_241 = arith.constant 16 : i32
        %mul3A_242 = arith.muli %while3A_214, %mul3A_241 : i32
        %get3A = arith.index_cast %mul3A_242 : i32 to index
        %get3A_243 = tpu.vector_load %arg8[%get3A] {strides = array<i32>} : memref<8192xi32, #tpu.memory_space<vmem>>, vector<16xi32>,
        %and3A_244 = arith.constant 1023 : i32
        %and3A_245 = vector.broadcast %and3A_244 : i32 to vector<16xi32>
        %and3A_246 = arith.andi %get3A_243, %and3A_245 : vector<16xi32>
        %shift_right_arithmetic3A = arith.constant 10 : i32
        %shift_right_arithmetic3A_247 = vector.broadcast %shift_right_arithmetic3A : i32 to vector<16xi32>
        %shift_right_arithmetic3A_248 = arith.shrsi %get3A_243, %shift_right_arithmetic3A_247 : vector<16xi32>
        %slice3A = vector.extract_strided_slice %and3A_246 {offsets = [0], sizes = [1], strides = [1]} : vector<16xi32> to vector<1xi32>
        %squeeze3A = vector.extract %slice3A[0] : i32 from vector<1xi32>
        %broadcast_in_dim3A = vector.broadcast %squeeze3A : i32 to vector<16xi32>
        %select_n3A_249 = arith.select %lt3A_240, %and3A_246, %broadcast_in_dim3A : vector<16xi1>, vector<16xi32>
        %slice3A_250 = vector.extract_strided_slice %shift_right_arithmetic3A_248 {offsets = [0], sizes = [1], strides = [1]} : vector<16xi32> to vector<1xi32>
        %squeeze3A_251 = vector.extract %slice3A_250[0] : i32 from vector<1xi32>
        %broadcast_in_dim3A_252 = vector.broadcast %squeeze3A_251 : i32 to vector<16xi32>
        %select_n3A_253 = arith.select %lt3A_240, %shift_right_arithmetic3A_248, %broadcast_in_dim3A_252 : vector<16xi1>, vector<16xi32>
        %mul3A_254 = arith.constant 16 : i32
        %mul3A_255 = arith.muli %select_n3A_230, %mul3A_254 : i32
        %add3A_256 = vector.broadcast %mul3A_255 : i32 to vector<16xi32>
        %add3A_257 = arith.addi %add3A_256, %iota3A : vector<16xi32>
        %broadcast_in_dim3A_258 = arith.constant 0 : i32
        %broadcast_in_dim3A_259 = vector.broadcast %broadcast_in_dim3A_258 : i32 to vector<16xi32>
        %gather3A = tpu.vector_load_idx %arg9[%broadcast_in_dim3A_259, %select_n3A_249] : memref<64x512xf32, #tpu.memory_space<vmem>>[vector<16xi32>, vector<16xi32>], vector<16xf32>,
        %broadcast_in_dim3A_260 = arith.constant 0 : i32
        %broadcast_in_dim3A_261 = vector.broadcast %broadcast_in_dim3A_260 : i32 to vector<16xi32>
        tpu.vector_store_idx %arg11[%add3A_257, %broadcast_in_dim3A_261], %gather3A : memref<32x128xf32, #tpu.memory_space<vmem>>[vector<16xi32>, vector<16xi32>], vector<16xf32>,
        %broadcast_in_dim3A_262 = arith.constant 1 : i32
        %broadcast_in_dim3A_263 = vector.broadcast %broadcast_in_dim3A_262 : i32 to vector<16xi32>
        %gather3A_264 = tpu.vector_load_idx %arg9[%broadcast_in_dim3A_263, %select_n3A_249] : memref<64x512xf32, #tpu.memory_space<vmem>>[vector<16xi32>, vector<16xi32>], vector<16xf32>,
        %broadcast_in_dim3A_265 = arith.constant 1 : i32
        %broadcast_in_dim3A_266 = vector.broadcast %broadcast_in_dim3A_265 : i32 to vector<16xi32>
        tpu.vector_store_idx %arg11[%add3A_257, %broadcast_in_dim3A_266], %gather3A_264 : memref<32x128xf32, #tpu.memory_space<vmem>>[vector<16xi32>, vector<16xi32>], vector<16xf32>,
        %broadcast_in_dim3A_267 = arith.constant 2 : i32
        %broadcast_in_dim3A_268 = vector.broadcast %broadcast_in_dim3A_267 : i32 to vector<16xi32>
        %gather3A_269 = tpu.vector_load_idx %arg9[%broadcast_in_dim3A_268, %select_n3A_249] : memref<64x512xf32, #tpu.memory_space<vmem>>[vector<16xi32>, vector<16xi32>], vector<16xf32>,
        %broadcast_in_dim3A_270 = arith.constant 2 : i32
        %broadcast_in_dim3A_271 = vector.broadcast %broadcast_in_dim3A_270 : i32 to vector<16xi32>
        tpu.vector_store_idx %arg11[%add3A_257, %broadcast_in_dim3A_271], %gather3A_269 : memref<32x128xf32, #tpu.memory_space<vmem>>[vector<16xi32>, vector<16xi32>], vector<16xf32>,
        %broadcast_in_dim3A_272 = arith.constant 3 : i32
        %broadcast_in_dim3A_273 = vector.broadcast %broadcast_in_dim3A_272 : i32 to vector<16xi32>
        %gather3A_274 = tpu.vector_load_idx %arg9[%broadcast_in_dim3A_273, %select_n3A_249] : memref<64x512xf32, #tpu.memory_space<vmem>>[vector<16xi32>, vector<16xi32>], vector<16xf32>,
        %broadcast_in_dim3A_275 = arith.constant 3 : i32
        %broadcast_in_dim3A_276 = vector.broadcast %broadcast_in_dim3A_275 : i32 to vector<16xi32>
        tpu.vector_store_idx %arg11[%add3A_257, %broadcast_in_dim3A_276], %gather3A_274 : memref<32x128xf32, #tpu.memory_space<vmem>>[vector<16xi32>, vector<16xi32>], vector<16xf32>,
        %broadcast_in_dim3A_277 = arith.constant 4 : i32
        %broadcast_in_dim3A_278 = vector.broadcast %broadcast_in_dim3A_277 : i32 to vector<16xi32>
        %gather3A_279 = tpu.vector_load_idx %arg9[%broadcast_in_dim3A_278, %select_n3A_249] : memref<64x512xf32, #tpu.memory_space<vmem>>[vector<16xi32>, vector<16xi32>], vector<16xf32>,
        %broadcast_in_dim3A_280 = arith.constant 4 : i32
        %broadcast_in_dim3A_281 = vector.broadcast %broadcast_in_dim3A_280 : i32 to vector<16xi32>
        tpu.vector_store_idx %arg11[%add3A_257, %broadcast_in_dim3A_281], %gather3A_279 : memref<32x128xf32, #tpu.memory_space<vmem>>[vector<16xi32>, vector<16xi32>], vector<16xf32>,
        %broadcast_in_dim3A_282 = arith.constant 5 : i32
        %broadcast_in_dim3A_283 = vector.broadcast %broadcast_in_dim3A_282 : i32 to vector<16xi32>
        %gather3A_284 = tpu.vector_load_idx %arg9[%broadcast_in_dim3A_283, %select_n3A_249] : memref<64x512xf32, #tpu.memory_space<vmem>>[vector<16xi32>, vector<16xi32>], vector<16xf32>,
        %broadcast_in_dim3A_285 = arith.constant 5 : i32
        %broadcast_in_dim3A_286 = vector.broadcast %broadcast_in_dim3A_285 : i32 to vector<16xi32>
        tpu.vector_store_idx %arg11[%add3A_257, %broadcast_in_dim3A_286], %gather3A_284 : memref<32x128xf32, #tpu.memory_space<vmem>>[vector<16xi32>, vector<16xi32>], vector<16xf32>,
        %broadcast_in_dim3A_287 = arith.constant 6 : i32
        %broadcast_in_dim3A_288 = vector.broadcast %broadcast_in_dim3A_287 : i32 to vector<16xi32>
        %gather3A_289 = tpu.vector_load_idx %arg9[%broadcast_in_dim3A_288, %select_n3A_249] : memref<64x512xf32, #tpu.memory_space<vmem>>[vector<16xi32>, vector<16xi32>], vector<16xf32>,
        %broadcast_in_dim3A_290 = arith.constant 6 : i32
        %broadcast_in_dim3A_291 = vector.broadcast %broadcast_in_dim3A_290 : i32 to vector<16xi32>
        tpu.vector_store_idx %arg11[%add3A_257, %broadcast_in_dim3A_291], %gather3A_289 : memref<32x128xf32, #tpu.memory_space<vmem>>[vector<16xi32>, vector<16xi32>], vector<16xf32>,
        %broadcast_in_dim3A_292 = arith.constant 7 : i32
        %broadcast_in_dim3A_293 = vector.broadcast %broadcast_in_dim3A_292 : i32 to vector<16xi32>
        %gather3A_294 = tpu.vector_load_idx %arg9[%broadcast_in_dim3A_293, %select_n3A_249] : memref<64x512xf32, #tpu.memory_space<vmem>>[vector<16xi32>, vector<16xi32>], vector<16xf32>,
        %broadcast_in_dim3A_295 = arith.constant 7 : i32
        %broadcast_in_dim3A_296 = vector.broadcast %broadcast_in_dim3A_295 : i32 to vector<16xi32>
        tpu.vector_store_idx %arg11[%add3A_257, %broadcast_in_dim3A_296], %gather3A_294 : memref<32x128xf32, #tpu.memory_space<vmem>>[vector<16xi32>, vector<16xi32>], vector<16xf32>,
        %broadcast_in_dim3A_297 = arith.constant 8 : i32
        %broadcast_in_dim3A_298 = vector.broadcast %broadcast_in_dim3A_297 : i32 to vector<16xi32>
        %gather3A_299 = tpu.vector_load_idx %arg9[%broadcast_in_dim3A_298, %select_n3A_249] : memref<64x512xf32, #tpu.memory_space<vmem>>[vector<16xi32>, vector<16xi32>], vector<16xf32>,
        %broadcast_in_dim3A_300 = arith.constant 8 : i32
        %broadcast_in_dim3A_301 = vector.broadcast %broadcast_in_dim3A_300 : i32 to vector<16xi32>
        tpu.vector_store_idx %arg11[%add3A_257, %broadcast_in_dim3A_301], %gather3A_299 : memref<32x128xf32, #tpu.memory_space<vmem>>[vector<16xi32>, vector<16xi32>], vector<16xf32>,
        %broadcast_in_dim3A_302 = arith.constant 9 : i32
        %broadcast_in_dim3A_303 = vector.broadcast %broadcast_in_dim3A_302 : i32 to vector<16xi32>
        %gather3A_304 = tpu.vector_load_idx %arg9[%broadcast_in_dim3A_303, %select_n3A_249] : memref<64x512xf32, #tpu.memory_space<vmem>>[vector<16xi32>, vector<16xi32>], vector<16xf32>,
        %broadcast_in_dim3A_305 = arith.constant 9 : i32
        %broadcast_in_dim3A_306 = vector.broadcast %broadcast_in_dim3A_305 : i32 to vector<16xi32>
        tpu.vector_store_idx %arg11[%add3A_257, %broadcast_in_dim3A_306], %gather3A_304 : memref<32x128xf32, #tpu.memory_space<vmem>>[vector<16xi32>, vector<16xi32>], vector<16xf32>,
        %broadcast_in_dim3A_307 = arith.constant 10 : i32
        %broadcast_in_dim3A_308 = vector.broadcast %broadcast_in_dim3A_307 : i32 to vector<16xi32>
        %gather3A_309 = tpu.vector_load_idx %arg9[%broadcast_in_dim3A_308, %select_n3A_249] : memref<64x512xf32, #tpu.memory_space<vmem>>[vector<16xi32>, vector<16xi32>], vector<16xf32>,
        %broadcast_in_dim3A_310 = arith.constant 10 : i32
        %broadcast_in_dim3A_311 = vector.broadcast %broadcast_in_dim3A_310 : i32 to vector<16xi32>
        tpu.vector_store_idx %arg11[%add3A_257, %broadcast_in_dim3A_311], %gather3A_309 : memref<32x128xf32, #tpu.memory_space<vmem>>[vector<16xi32>, vector<16xi32>], vector<16xf32>,
        %broadcast_in_dim3A_312 = arith.constant 11 : i32
        %broadcast_in_dim3A_313 = vector.broadcast %broadcast_in_dim3A_312 : i32 to vector<16xi32>
        %gather3A_314 = tpu.vector_load_idx %arg9[%broadcast_in_dim3A_313, %select_n3A_249] : memref<64x512xf32, #tpu.memory_space<vmem>>[vector<16xi32>, vector<16xi32>], vector<16xf32>,
        %broadcast_in_dim3A_315 = arith.constant 11 : i32
        %broadcast_in_dim3A_316 = vector.broadcast %broadcast_in_dim3A_315 : i32 to vector<16xi32>
        tpu.vector_store_idx %arg11[%add3A_257, %broadcast_in_dim3A_316], %gather3A_314 : memref<32x128xf32, #tpu.memory_space<vmem>>[vector<16xi32>, vector<16xi32>], vector<16xf32>,
        %broadcast_in_dim3A_317 = arith.constant 12 : i32
        %broadcast_in_dim3A_318 = vector.broadcast %broadcast_in_dim3A_317 : i32 to vector<16xi32>
        %gather3A_319 = tpu.vector_load_idx %arg9[%broadcast_in_dim3A_318, %select_n3A_249] : memref<64x512xf32, #tpu.memory_space<vmem>>[vector<16xi32>, vector<16xi32>], vector<16xf32>,
        %broadcast_in_dim3A_320 = arith.constant 12 : i32
        %broadcast_in_dim3A_321 = vector.broadcast %broadcast_in_dim3A_320 : i32 to vector<16xi32>
        tpu.vector_store_idx %arg11[%add3A_257, %broadcast_in_dim3A_321], %gather3A_319 : memref<32x128xf32, #tpu.memory_space<vmem>>[vector<16xi32>, vector<16xi32>], vector<16xf32>,
        %broadcast_in_dim3A_322 = arith.constant 13 : i32
        %broadcast_in_dim3A_323 = vector.broadcast %broadcast_in_dim3A_322 : i32 to vector<16xi32>
        %gather3A_324 = tpu.vector_load_idx %arg9[%broadcast_in_dim3A_323, %select_n3A_249] : memref<64x512xf32, #tpu.memory_space<vmem>>[vector<16xi32>, vector<16xi32>], vector<16xf32>,
        %broadcast_in_dim3A_325 = arith.constant 13 : i32
        %broadcast_in_dim3A_326 = vector.broadcast %broadcast_in_dim3A_325 : i32 to vector<16xi32>
        tpu.vector_store_idx %arg11[%add3A_257, %broadcast_in_dim3A_326], %gather3A_324 : memref<32x128xf32, #tpu.memory_space<vmem>>[vector<16xi32>, vector<16xi32>], vector<16xf32>,
        %broadcast_in_dim3A_327 = arith.constant 14 : i32
        %broadcast_in_dim3A_328 = vector.broadcast %broadcast_in_dim3A_327 : i32 to vector<16xi32>
        %gather3A_329 = tpu.vector_load_idx %arg9[%broadcast_in_dim3A_328, %select_n3A_249] : memref<64x512xf32, #tpu.memory_space<vmem>>[vector<16xi32>, vector<16xi32>], vector<16xf32>,
        %broadcast_in_dim3A_330 = arith.constant 14 : i32
        %broadcast_in_dim3A_331 = vector.broadcast %broadcast_in_dim3A_330 : i32 to vector<16xi32>
        tpu.vector_store_idx %arg11[%add3A_257, %broadcast_in_dim3A_331], %gather3A_329 : memref<32x128xf32, #tpu.memory_space<vmem>>[vector<16xi32>, vector<16xi32>], vector<16xf32>,
        %broadcast_in_dim3A_332 = arith.constant 15 : i32
        %broadcast_in_dim3A_333 = vector.broadcast %broadcast_in_dim3A_332 : i32 to vector<16xi32>
        %gather3A_334 = tpu.vector_load_idx %arg9[%broadcast_in_dim3A_333, %select_n3A_249] : memref<64x512xf32, #tpu.memory_space<vmem>>[vector<16xi32>, vector<16xi32>], vector<16xf32>,
        %broadcast_in_dim3A_335 = arith.constant 15 : i32
        %broadcast_in_dim3A_336 = vector.broadcast %broadcast_in_dim3A_335 : i32 to vector<16xi32>
        tpu.vector_store_idx %arg11[%add3A_257, %broadcast_in_dim3A_336], %gather3A_334 : memref<32x128xf32, #tpu.memory_space<vmem>>[vector<16xi32>, vector<16xi32>], vector<16xf32>,
        %broadcast_in_dim3A_337 = arith.constant 16 : i32
        %broadcast_in_dim3A_338 = vector.broadcast %broadcast_in_dim3A_337 : i32 to vector<16xi32>
        %gather3A_339 = tpu.vector_load_idx %arg9[%broadcast_in_dim3A_338, %select_n3A_249] : memref<64x512xf32, #tpu.memory_space<vmem>>[vector<16xi32>, vector<16xi32>], vector<16xf32>,
        %broadcast_in_dim3A_340 = arith.constant 16 : i32
        %broadcast_in_dim3A_341 = vector.broadcast %broadcast_in_dim3A_340 : i32 to vector<16xi32>
        tpu.vector_store_idx %arg11[%add3A_257, %broadcast_in_dim3A_341], %gather3A_339 : memref<32x128xf32, #tpu.memory_space<vmem>>[vector<16xi32>, vector<16xi32>], vector<16xf32>,
        %broadcast_in_dim3A_342 = arith.constant 17 : i32
        %broadcast_in_dim3A_343 = vector.broadcast %broadcast_in_dim3A_342 : i32 to vector<16xi32>
        %gather3A_344 = tpu.vector_load_idx %arg9[%broadcast_in_dim3A_343, %select_n3A_249] : memref<64x512xf32, #tpu.memory_space<vmem>>[vector<16xi32>, vector<16xi32>], vector<16xf32>,
        %broadcast_in_dim3A_345 = arith.constant 17 : i32
        %broadcast_in_dim3A_346 = vector.broadcast %broadcast_in_dim3A_345 : i32 to vector<16xi32>
        tpu.vector_store_idx %arg11[%add3A_257, %broadcast_in_dim3A_346], %gather3A_344 : memref<32x128xf32, #tpu.memory_space<vmem>>[vector<16xi32>, vector<16xi32>], vector<16xf32>,
        %broadcast_in_dim3A_347 = arith.constant 18 : i32
        %broadcast_in_dim3A_348 = vector.broadcast %broadcast_in_dim3A_347 : i32 to vector<16xi32>
        %gather3A_349 = tpu.vector_load_idx %arg9[%broadcast_in_dim3A_348, %select_n3A_249] : memref<64x512xf32, #tpu.memory_space<vmem>>[vector<16xi32>, vector<16xi32>], vector<16xf32>,
        %broadcast_in_dim3A_350 = arith.constant 18 : i32
        %broadcast_in_dim3A_351 = vector.broadcast %broadcast_in_dim3A_350 : i32 to vector<16xi32>
        tpu.vector_store_idx %arg11[%add3A_257, %broadcast_in_dim3A_351], %gather3A_349 : memref<32x128xf32, #tpu.memory_space<vmem>>[vector<16xi32>, vector<16xi32>], vector<16xf32>,
        %broadcast_in_dim3A_352 = arith.constant 19 : i32
        %broadcast_in_dim3A_353 = vector.broadcast %broadcast_in_dim3A_352 : i32 to vector<16xi32>
        %gather3A_354 = tpu.vector_load_idx %arg9[%broadcast_in_dim3A_353, %select_n3A_249] : memref<64x512xf32, #tpu.memory_space<vmem>>[vector<16xi32>, vector<16xi32>], vector<16xf32>,
        %broadcast_in_dim3A_355 = arith.constant 19 : i32
        %broadcast_in_dim3A_356 = vector.broadcast %broadcast_in_dim3A_355 : i32 to vector<16xi32>
        tpu.vector_store_idx %arg11[%add3A_257, %broadcast_in_dim3A_356], %gather3A_354 : memref<32x128xf32, #tpu.memory_space<vmem>>[vector<16xi32>, vector<16xi32>], vector<16xf32>,
        %broadcast_in_dim3A_357 = arith.constant 20 : i32
        %broadcast_in_dim3A_358 = vector.broadcast %broadcast_in_dim3A_357 : i32 to vector<16xi32>
        %gather3A_359 = tpu.vector_load_idx %arg9[%broadcast_in_dim3A_358, %select_n3A_249] : memref<64x512xf32, #tpu.memory_space<vmem>>[vector<16xi32>, vector<16xi32>], vector<16xf32>,
        %broadcast_in_dim3A_360 = arith.constant 20 : i32
        %broadcast_in_dim3A_361 = vector.broadcast %broadcast_in_dim3A_360 : i32 to vector<16xi32>
        tpu.vector_store_idx %arg11[%add3A_257, %broadcast_in_dim3A_361], %gather3A_359 : memref<32x128xf32, #tpu.memory_space<vmem>>[vector<16xi32>, vector<16xi32>], vector<16xf32>,
        %broadcast_in_dim3A_362 = arith.constant 21 : i32
        %broadcast_in_dim3A_363 = vector.broadcast %broadcast_in_dim3A_362 : i32 to vector<16xi32>
        %gather3A_364 = tpu.vector_load_idx %arg9[%broadcast_in_dim3A_363, %select_n3A_249] : memref<64x512xf32, #tpu.memory_space<vmem>>[vector<16xi32>, vector<16xi32>], vector<16xf32>,
        %broadcast_in_dim3A_365 = arith.constant 21 : i32
        %broadcast_in_dim3A_366 = vector.broadcast %broadcast_in_dim3A_365 : i32 to vector<16xi32>
        tpu.vector_store_idx %arg11[%add3A_257, %broadcast_in_dim3A_366], %gather3A_364 : memref<32x128xf32, #tpu.memory_space<vmem>>[vector<16xi32>, vector<16xi32>], vector<16xf32>,
        %broadcast_in_dim3A_367 = arith.constant 22 : i32
        %broadcast_in_dim3A_368 = vector.broadcast %broadcast_in_dim3A_367 : i32 to vector<16xi32>
        %gather3A_369 = tpu.vector_load_idx %arg9[%broadcast_in_dim3A_368, %select_n3A_249] : memref<64x512xf32, #tpu.memory_space<vmem>>[vector<16xi32>, vector<16xi32>], vector<16xf32>,
        %broadcast_in_dim3A_370 = arith.constant 22 : i32
        %broadcast_in_dim3A_371 = vector.broadcast %broadcast_in_dim3A_370 : i32 to vector<16xi32>
        tpu.vector_store_idx %arg11[%add3A_257, %broadcast_in_dim3A_371], %gather3A_369 : memref<32x128xf32, #tpu.memory_space<vmem>>[vector<16xi32>, vector<16xi32>], vector<16xf32>,
        %broadcast_in_dim3A_372 = arith.constant 23 : i32
        %broadcast_in_dim3A_373 = vector.broadcast %broadcast_in_dim3A_372 : i32 to vector<16xi32>
        %gather3A_374 = tpu.vector_load_idx %arg9[%broadcast_in_dim3A_373, %select_n3A_249] : memref<64x512xf32, #tpu.memory_space<vmem>>[vector<16xi32>, vector<16xi32>], vector<16xf32>,
        %broadcast_in_dim3A_375 = arith.constant 23 : i32
        %broadcast_in_dim3A_376 = vector.broadcast %broadcast_in_dim3A_375 : i32 to vector<16xi32>
        tpu.vector_store_idx %arg11[%add3A_257, %broadcast_in_dim3A_376], %gather3A_374 : memref<32x128xf32, #tpu.memory_space<vmem>>[vector<16xi32>, vector<16xi32>], vector<16xf32>,
        %broadcast_in_dim3A_377 = arith.constant 24 : i32
        %broadcast_in_dim3A_378 = vector.broadcast %broadcast_in_dim3A_377 : i32 to vector<16xi32>
        %gather3A_379 = tpu.vector_load_idx %arg9[%broadcast_in_dim3A_378, %select_n3A_249] : memref<64x512xf32, #tpu.memory_space<vmem>>[vector<16xi32>, vector<16xi32>], vector<16xf32>,
        %broadcast_in_dim3A_380 = arith.constant 24 : i32
        %broadcast_in_dim3A_381 = vector.broadcast %broadcast_in_dim3A_380 : i32 to vector<16xi32>
        tpu.vector_store_idx %arg11[%add3A_257, %broadcast_in_dim3A_381], %gather3A_379 : memref<32x128xf32, #tpu.memory_space<vmem>>[vector<16xi32>, vector<16xi32>], vector<16xf32>,
        %broadcast_in_dim3A_382 = arith.constant 25 : i32
        %broadcast_in_dim3A_383 = vector.broadcast %broadcast_in_dim3A_382 : i32 to vector<16xi32>
        %gather3A_384 = tpu.vector_load_idx %arg9[%broadcast_in_dim3A_383, %select_n3A_249] : memref<64x512xf32, #tpu.memory_space<vmem>>[vector<16xi32>, vector<16xi32>], vector<16xf32>,
        %broadcast_in_dim3A_385 = arith.constant 25 : i32
        %broadcast_in_dim3A_386 = vector.broadcast %broadcast_in_dim3A_385 : i32 to vector<16xi32>
        tpu.vector_store_idx %arg11[%add3A_257, %broadcast_in_dim3A_386], %gather3A_384 : memref<32x128xf32, #tpu.memory_space<vmem>>[vector<16xi32>, vector<16xi32>], vector<16xf32>,
        %broadcast_in_dim3A_387 = arith.constant 26 : i32
        %broadcast_in_dim3A_388 = vector.broadcast %broadcast_in_dim3A_387 : i32 to vector<16xi32>
        %gather3A_389 = tpu.vector_load_idx %arg9[%broadcast_in_dim3A_388, %select_n3A_249] : memref<64x512xf32, #tpu.memory_space<vmem>>[vector<16xi32>, vector<16xi32>], vector<16xf32>,
        %broadcast_in_dim3A_390 = arith.constant 26 : i32
        %broadcast_in_dim3A_391 = vector.broadcast %broadcast_in_dim3A_390 : i32 to vector<16xi32>
        tpu.vector_store_idx %arg11[%add3A_257, %broadcast_in_dim3A_391], %gather3A_389 : memref<32x128xf32, #tpu.memory_space<vmem>>[vector<16xi32>, vector<16xi32>], vector<16xf32>,
        %broadcast_in_dim3A_392 = arith.constant 27 : i32
        %broadcast_in_dim3A_393 = vector.broadcast %broadcast_in_dim3A_392 : i32 to vector<16xi32>
        %gather3A_394 = tpu.vector_load_idx %arg9[%broadcast_in_dim3A_393, %select_n3A_249] : memref<64x512xf32, #tpu.memory_space<vmem>>[vector<16xi32>, vector<16xi32>], vector<16xf32>,
        %broadcast_in_dim3A_395 = arith.constant 27 : i32
        %broadcast_in_dim3A_396 = vector.broadcast %broadcast_in_dim3A_395 : i32 to vector<16xi32>
        tpu.vector_store_idx %arg11[%add3A_257, %broadcast_in_dim3A_396], %gather3A_394 : memref<32x128xf32, #tpu.memory_space<vmem>>[vector<16xi32>, vector<16xi32>], vector<16xf32>,
        %broadcast_in_dim3A_397 = arith.constant 28 : i32
        %broadcast_in_dim3A_398 = vector.broadcast %broadcast_in_dim3A_397 : i32 to vector<16xi32>
        %gather3A_399 = tpu.vector_load_idx %arg9[%broadcast_in_dim3A_398, %select_n3A_249] : memref<64x512xf32, #tpu.memory_space<vmem>>[vector<16xi32>, vector<16xi32>], vector<16xf32>,
        %broadcast_in_dim3A_400 = arith.constant 28 : i32
        %broadcast_in_dim3A_401 = vector.broadcast %broadcast_in_dim3A_400 : i32 to vector<16xi32>
        tpu.vector_store_idx %arg11[%add3A_257, %broadcast_in_dim3A_401], %gather3A_399 : memref<32x128xf32, #tpu.memory_space<vmem>>[vector<16xi32>, vector<16xi32>], vector<16xf32>,
        %broadcast_in_dim3A_402 = arith.constant 29 : i32
        %broadcast_in_dim3A_403 = vector.broadcast %broadcast_in_dim3A_402 : i32 to vector<16xi32>
        %gather3A_404 = tpu.vector_load_idx %arg9[%broadcast_in_dim3A_403, %select_n3A_249] : memref<64x512xf32, #tpu.memory_space<vmem>>[vector<16xi32>, vector<16xi32>], vector<16xf32>,
        %broadcast_in_dim3A_405 = arith.constant 29 : i32
        %broadcast_in_dim3A_406 = vector.broadcast %broadcast_in_dim3A_405 : i32 to vector<16xi32>
        tpu.vector_store_idx %arg11[%add3A_257, %broadcast_in_dim3A_406], %gather3A_404 : memref<32x128xf32, #tpu.memory_space<vmem>>[vector<16xi32>, vector<16xi32>], vector<16xf32>,
        %broadcast_in_dim3A_407 = arith.constant 30 : i32
        %broadcast_in_dim3A_408 = vector.broadcast %broadcast_in_dim3A_407 : i32 to vector<16xi32>
        %gather3A_409 = tpu.vector_load_idx %arg9[%broadcast_in_dim3A_408, %select_n3A_249] : memref<64x512xf32, #tpu.memory_space<vmem>>[vector<16xi32>, vector<16xi32>], vector<16xf32>,
        %broadcast_in_dim3A_410 = arith.constant 30 : i32
        %broadcast_in_dim3A_411 = vector.broadcast %broadcast_in_dim3A_410 : i32 to vector<16xi32>
        tpu.vector_store_idx %arg11[%add3A_257, %broadcast_in_dim3A_411], %gather3A_409 : memref<32x128xf32, #tpu.memory_space<vmem>>[vector<16xi32>, vector<16xi32>], vector<16xf32>,
        %broadcast_in_dim3A_412 = arith.constant 31 : i32
        %broadcast_in_dim3A_413 = vector.broadcast %broadcast_in_dim3A_412 : i32 to vector<16xi32>
        %gather3A_414 = tpu.vector_load_idx %arg9[%broadcast_in_dim3A_413, %select_n3A_249] : memref<64x512xf32, #tpu.memory_space<vmem>>[vector<16xi32>, vector<16xi32>], vector<16xf32>,
        %broadcast_in_dim3A_415 = arith.constant 31 : i32
        %broadcast_in_dim3A_416 = vector.broadcast %broadcast_in_dim3A_415 : i32 to vector<16xi32>
        tpu.vector_store_idx %arg11[%add3A_257, %broadcast_in_dim3A_416], %gather3A_414 : memref<32x128xf32, #tpu.memory_space<vmem>>[vector<16xi32>, vector<16xi32>], vector<16xf32>,
        %broadcast_in_dim3A_417 = arith.constant 32 : i32
        %broadcast_in_dim3A_418 = vector.broadcast %broadcast_in_dim3A_417 : i32 to vector<16xi32>
        %gather3A_419 = tpu.vector_load_idx %arg9[%broadcast_in_dim3A_418, %select_n3A_249] : memref<64x512xf32, #tpu.memory_space<vmem>>[vector<16xi32>, vector<16xi32>], vector<16xf32>,
        %broadcast_in_dim3A_420 = arith.constant 32 : i32
        %broadcast_in_dim3A_421 = vector.broadcast %broadcast_in_dim3A_420 : i32 to vector<16xi32>
        tpu.vector_store_idx %arg11[%add3A_257, %broadcast_in_dim3A_421], %gather3A_419 : memref<32x128xf32, #tpu.memory_space<vmem>>[vector<16xi32>, vector<16xi32>], vector<16xf32>,
        %broadcast_in_dim3A_422 = arith.constant 33 : i32
        %broadcast_in_dim3A_423 = vector.broadcast %broadcast_in_dim3A_422 : i32 to vector<16xi32>
        %gather3A_424 = tpu.vector_load_idx %arg9[%broadcast_in_dim3A_423, %select_n3A_249] : memref<64x512xf32, #tpu.memory_space<vmem>>[vector<16xi32>, vector<16xi32>], vector<16xf32>,
        %broadcast_in_dim3A_425 = arith.constant 33 : i32
        %broadcast_in_dim3A_426 = vector.broadcast %broadcast_in_dim3A_425 : i32 to vector<16xi32>
        tpu.vector_store_idx %arg11[%add3A_257, %broadcast_in_dim3A_426], %gather3A_424 : memref<32x128xf32, #tpu.memory_space<vmem>>[vector<16xi32>, vector<16xi32>], vector<16xf32>,
        %broadcast_in_dim3A_427 = arith.constant 34 : i32
        %broadcast_in_dim3A_428 = vector.broadcast %broadcast_in_dim3A_427 : i32 to vector<16xi32>
        %gather3A_429 = tpu.vector_load_idx %arg9[%broadcast_in_dim3A_428, %select_n3A_249] : memref<64x512xf32, #tpu.memory_space<vmem>>[vector<16xi32>, vector<16xi32>], vector<16xf32>,
        %broadcast_in_dim3A_430 = arith.constant 34 : i32
        %broadcast_in_dim3A_431 = vector.broadcast %broadcast_in_dim3A_430 : i32 to vector<16xi32>
        tpu.vector_store_idx %arg11[%add3A_257, %broadcast_in_dim3A_431], %gather3A_429 : memref<32x128xf32, #tpu.memory_space<vmem>>[vector<16xi32>, vector<16xi32>], vector<16xf32>,
        %broadcast_in_dim3A_432 = arith.constant 35 : i32
        %broadcast_in_dim3A_433 = vector.broadcast %broadcast_in_dim3A_432 : i32 to vector<16xi32>
        %gather3A_434 = tpu.vector_load_idx %arg9[%broadcast_in_dim3A_433, %select_n3A_249] : memref<64x512xf32, #tpu.memory_space<vmem>>[vector<16xi32>, vector<16xi32>], vector<16xf32>,
        %broadcast_in_dim3A_435 = arith.constant 35 : i32
        %broadcast_in_dim3A_436 = vector.broadcast %broadcast_in_dim3A_435 : i32 to vector<16xi32>
        tpu.vector_store_idx %arg11[%add3A_257, %broadcast_in_dim3A_436], %gather3A_434 : memref<32x128xf32, #tpu.memory_space<vmem>>[vector<16xi32>, vector<16xi32>], vector<16xf32>,
        %broadcast_in_dim3A_437 = arith.constant 36 : i32
        %broadcast_in_dim3A_438 = vector.broadcast %broadcast_in_dim3A_437 : i32 to vector<16xi32>
        %gather3A_439 = tpu.vector_load_idx %arg9[%broadcast_in_dim3A_438, %select_n3A_249] : memref<64x512xf32, #tpu.memory_space<vmem>>[vector<16xi32>, vector<16xi32>], vector<16xf32>,
        %broadcast_in_dim3A_440 = arith.constant 36 : i32
        %broadcast_in_dim3A_441 = vector.broadcast %broadcast_in_dim3A_440 : i32 to vector<16xi32>
        tpu.vector_store_idx %arg11[%add3A_257, %broadcast_in_dim3A_441], %gather3A_439 : memref<32x128xf32, #tpu.memory_space<vmem>>[vector<16xi32>, vector<16xi32>], vector<16xf32>,
        %broadcast_in_dim3A_442 = arith.constant 37 : i32
        %broadcast_in_dim3A_443 = vector.broadcast %broadcast_in_dim3A_442 : i32 to vector<16xi32>
        %gather3A_444 = tpu.vector_load_idx %arg9[%broadcast_in_dim3A_443, %select_n3A_249] : memref<64x512xf32, #tpu.memory_space<vmem>>[vector<16xi32>, vector<16xi32>], vector<16xf32>,
        %broadcast_in_dim3A_445 = arith.constant 37 : i32
        %broadcast_in_dim3A_446 = vector.broadcast %broadcast_in_dim3A_445 : i32 to vector<16xi32>
        tpu.vector_store_idx %arg11[%add3A_257, %broadcast_in_dim3A_446], %gather3A_444 : memref<32x128xf32, #tpu.memory_space<vmem>>[vector<16xi32>, vector<16xi32>], vector<16xf32>,
        %broadcast_in_dim3A_447 = arith.constant 38 : i32
        %broadcast_in_dim3A_448 = vector.broadcast %broadcast_in_dim3A_447 : i32 to vector<16xi32>
        %gather3A_449 = tpu.vector_load_idx %arg9[%broadcast_in_dim3A_448, %select_n3A_249] : memref<64x512xf32, #tpu.memory_space<vmem>>[vector<16xi32>, vector<16xi32>], vector<16xf32>,
        %broadcast_in_dim3A_450 = arith.constant 38 : i32
        %broadcast_in_dim3A_451 = vector.broadcast %broadcast_in_dim3A_450 : i32 to vector<16xi32>
        tpu.vector_store_idx %arg11[%add3A_257, %broadcast_in_dim3A_451], %gather3A_449 : memref<32x128xf32, #tpu.memory_space<vmem>>[vector<16xi32>, vector<16xi32>], vector<16xf32>,
        %broadcast_in_dim3A_452 = arith.constant 39 : i32
        %broadcast_in_dim3A_453 = vector.broadcast %broadcast_in_dim3A_452 : i32 to vector<16xi32>
        %gather3A_454 = tpu.vector_load_idx %arg9[%broadcast_in_dim3A_453, %select_n3A_249] : memref<64x512xf32, #tpu.memory_space<vmem>>[vector<16xi32>, vector<16xi32>], vector<16xf32>,
        %broadcast_in_dim3A_455 = arith.constant 39 : i32
        %broadcast_in_dim3A_456 = vector.broadcast %broadcast_in_dim3A_455 : i32 to vector<16xi32>
        tpu.vector_store_idx %arg11[%add3A_257, %broadcast_in_dim3A_456], %gather3A_454 : memref<32x128xf32, #tpu.memory_space<vmem>>[vector<16xi32>, vector<16xi32>], vector<16xf32>,
        %broadcast_in_dim3A_457 = arith.constant 40 : i32
        %broadcast_in_dim3A_458 = vector.broadcast %broadcast_in_dim3A_457 : i32 to vector<16xi32>
        %gather3A_459 = tpu.vector_load_idx %arg9[%broadcast_in_dim3A_458, %select_n3A_249] : memref<64x512xf32, #tpu.memory_space<vmem>>[vector<16xi32>, vector<16xi32>], vector<16xf32>,
        %broadcast_in_dim3A_460 = arith.constant 40 : i32
        %broadcast_in_dim3A_461 = vector.broadcast %broadcast_in_dim3A_460 : i32 to vector<16xi32>
        tpu.vector_store_idx %arg11[%add3A_257, %broadcast_in_dim3A_461], %gather3A_459 : memref<32x128xf32, #tpu.memory_space<vmem>>[vector<16xi32>, vector<16xi32>], vector<16xf32>,
        %broadcast_in_dim3A_462 = arith.constant 41 : i32
        %broadcast_in_dim3A_463 = vector.broadcast %broadcast_in_dim3A_462 : i32 to vector<16xi32>
        %gather3A_464 = tpu.vector_load_idx %arg9[%broadcast_in_dim3A_463, %select_n3A_249] : memref<64x512xf32, #tpu.memory_space<vmem>>[vector<16xi32>, vector<16xi32>], vector<16xf32>,
        %broadcast_in_dim3A_465 = arith.constant 41 : i32
        %broadcast_in_dim3A_466 = vector.broadcast %broadcast_in_dim3A_465 : i32 to vector<16xi32>
        tpu.vector_store_idx %arg11[%add3A_257, %broadcast_in_dim3A_466], %gather3A_464 : memref<32x128xf32, #tpu.memory_space<vmem>>[vector<16xi32>, vector<16xi32>], vector<16xf32>,
        %broadcast_in_dim3A_467 = arith.constant 42 : i32
        %broadcast_in_dim3A_468 = vector.broadcast %broadcast_in_dim3A_467 : i32 to vector<16xi32>
        %gather3A_469 = tpu.vector_load_idx %arg9[%broadcast_in_dim3A_468, %select_n3A_249] : memref<64x512xf32, #tpu.memory_space<vmem>>[vector<16xi32>, vector<16xi32>], vector<16xf32>,
        %broadcast_in_dim3A_470 = arith.constant 42 : i32
        %broadcast_in_dim3A_471 = vector.broadcast %broadcast_in_dim3A_470 : i32 to vector<16xi32>
        tpu.vector_store_idx %arg11[%add3A_257, %broadcast_in_dim3A_471], %gather3A_469 : memref<32x128xf32, #tpu.memory_space<vmem>>[vector<16xi32>, vector<16xi32>], vector<16xf32>,
        %broadcast_in_dim3A_472 = arith.constant 43 : i32
        %broadcast_in_dim3A_473 = vector.broadcast %broadcast_in_dim3A_472 : i32 to vector<16xi32>
        %gather3A_474 = tpu.vector_load_idx %arg9[%broadcast_in_dim3A_473, %select_n3A_249] : memref<64x512xf32, #tpu.memory_space<vmem>>[vector<16xi32>, vector<16xi32>], vector<16xf32>,
        %broadcast_in_dim3A_475 = arith.constant 43 : i32
        %broadcast_in_dim3A_476 = vector.broadcast %broadcast_in_dim3A_475 : i32 to vector<16xi32>
        tpu.vector_store_idx %arg11[%add3A_257, %broadcast_in_dim3A_476], %gather3A_474 : memref<32x128xf32, #tpu.memory_space<vmem>>[vector<16xi32>, vector<16xi32>], vector<16xf32>,
        %broadcast_in_dim3A_477 = arith.constant 44 : i32
        %broadcast_in_dim3A_478 = vector.broadcast %broadcast_in_dim3A_477 : i32 to vector<16xi32>
        %gather3A_479 = tpu.vector_load_idx %arg9[%broadcast_in_dim3A_478, %select_n3A_249] : memref<64x512xf32, #tpu.memory_space<vmem>>[vector<16xi32>, vector<16xi32>], vector<16xf32>,
        %broadcast_in_dim3A_480 = arith.constant 44 : i32
        %broadcast_in_dim3A_481 = vector.broadcast %broadcast_in_dim3A_480 : i32 to vector<16xi32>
        tpu.vector_store_idx %arg11[%add3A_257, %broadcast_in_dim3A_481], %gather3A_479 : memref<32x128xf32, #tpu.memory_space<vmem>>[vector<16xi32>, vector<16xi32>], vector<16xf32>,
        %broadcast_in_dim3A_482 = arith.constant 45 : i32
        %broadcast_in_dim3A_483 = vector.broadcast %broadcast_in_dim3A_482 : i32 to vector<16xi32>
        %gather3A_484 = tpu.vector_load_idx %arg9[%broadcast_in_dim3A_483, %select_n3A_249] : memref<64x512xf32, #tpu.memory_space<vmem>>[vector<16xi32>, vector<16xi32>], vector<16xf32>,
        %broadcast_in_dim3A_485 = arith.constant 45 : i32
        %broadcast_in_dim3A_486 = vector.broadcast %broadcast_in_dim3A_485 : i32 to vector<16xi32>
        tpu.vector_store_idx %arg11[%add3A_257, %broadcast_in_dim3A_486], %gather3A_484 : memref<32x128xf32, #tpu.memory_space<vmem>>[vector<16xi32>, vector<16xi32>], vector<16xf32>,
        %broadcast_in_dim3A_487 = arith.constant 46 : i32
        %broadcast_in_dim3A_488 = vector.broadcast %broadcast_in_dim3A_487 : i32 to vector<16xi32>
        %gather3A_489 = tpu.vector_load_idx %arg9[%broadcast_in_dim3A_488, %select_n3A_249] : memref<64x512xf32, #tpu.memory_space<vmem>>[vector<16xi32>, vector<16xi32>], vector<16xf32>,
        %broadcast_in_dim3A_490 = arith.constant 46 : i32
        %broadcast_in_dim3A_491 = vector.broadcast %broadcast_in_dim3A_490 : i32 to vector<16xi32>
        tpu.vector_store_idx %arg11[%add3A_257, %broadcast_in_dim3A_491], %gather3A_489 : memref<32x128xf32, #tpu.memory_space<vmem>>[vector<16xi32>, vector<16xi32>], vector<16xf32>,
        %broadcast_in_dim3A_492 = arith.constant 47 : i32
        %broadcast_in_dim3A_493 = vector.broadcast %broadcast_in_dim3A_492 : i32 to vector<16xi32>
        %gather3A_494 = tpu.vector_load_idx %arg9[%broadcast_in_dim3A_493, %select_n3A_249] : memref<64x512xf32, #tpu.memory_space<vmem>>[vector<16xi32>, vector<16xi32>], vector<16xf32>,
        %broadcast_in_dim3A_495 = arith.constant 47 : i32
        %broadcast_in_dim3A_496 = vector.broadcast %broadcast_in_dim3A_495 : i32 to vector<16xi32>
        tpu.vector_store_idx %arg11[%add3A_257, %broadcast_in_dim3A_496], %gather3A_494 : memref<32x128xf32, #tpu.memory_space<vmem>>[vector<16xi32>, vector<16xi32>], vector<16xf32>,
        %broadcast_in_dim3A_497 = arith.constant 48 : i32
        %broadcast_in_dim3A_498 = vector.broadcast %broadcast_in_dim3A_497 : i32 to vector<16xi32>
        %gather3A_499 = tpu.vector_load_idx %arg9[%broadcast_in_dim3A_498, %select_n3A_249] : memref<64x512xf32, #tpu.memory_space<vmem>>[vector<16xi32>, vector<16xi32>], vector<16xf32>,
        %broadcast_in_dim3A_500 = arith.constant 48 : i32
        %broadcast_in_dim3A_501 = vector.broadcast %broadcast_in_dim3A_500 : i32 to vector<16xi32>
        tpu.vector_store_idx %arg11[%add3A_257, %broadcast_in_dim3A_501], %gather3A_499 : memref<32x128xf32, #tpu.memory_space<vmem>>[vector<16xi32>, vector<16xi32>], vector<16xf32>,
        %broadcast_in_dim3A_502 = arith.constant 49 : i32
        %broadcast_in_dim3A_503 = vector.broadcast %broadcast_in_dim3A_502 : i32 to vector<16xi32>
        %gather3A_504 = tpu.vector_load_idx %arg9[%broadcast_in_dim3A_503, %select_n3A_249] : memref<64x512xf32, #tpu.memory_space<vmem>>[vector<16xi32>, vector<16xi32>], vector<16xf32>,
        %broadcast_in_dim3A_505 = arith.constant 49 : i32
        %broadcast_in_dim3A_506 = vector.broadcast %broadcast_in_dim3A_505 : i32 to vector<16xi32>
        tpu.vector_store_idx %arg11[%add3A_257, %broadcast_in_dim3A_506], %gather3A_504 : memref<32x128xf32, #tpu.memory_space<vmem>>[vector<16xi32>, vector<16xi32>], vector<16xf32>,
        %broadcast_in_dim3A_507 = arith.constant 50 : i32
        %broadcast_in_dim3A_508 = vector.broadcast %broadcast_in_dim3A_507 : i32 to vector<16xi32>
        %gather3A_509 = tpu.vector_load_idx %arg9[%broadcast_in_dim3A_508, %select_n3A_249] : memref<64x512xf32, #tpu.memory_space<vmem>>[vector<16xi32>, vector<16xi32>], vector<16xf32>,
        %broadcast_in_dim3A_510 = arith.constant 50 : i32
        %broadcast_in_dim3A_511 = vector.broadcast %broadcast_in_dim3A_510 : i32 to vector<16xi32>
        tpu.vector_store_idx %arg11[%add3A_257, %broadcast_in_dim3A_511], %gather3A_509 : memref<32x128xf32, #tpu.memory_space<vmem>>[vector<16xi32>, vector<16xi32>], vector<16xf32>,
        %broadcast_in_dim3A_512 = arith.constant 51 : i32
        %broadcast_in_dim3A_513 = vector.broadcast %broadcast_in_dim3A_512 : i32 to vector<16xi32>
        %gather3A_514 = tpu.vector_load_idx %arg9[%broadcast_in_dim3A_513, %select_n3A_249] : memref<64x512xf32, #tpu.memory_space<vmem>>[vector<16xi32>, vector<16xi32>], vector<16xf32>,
        %broadcast_in_dim3A_515 = arith.constant 51 : i32
        %broadcast_in_dim3A_516 = vector.broadcast %broadcast_in_dim3A_515 : i32 to vector<16xi32>
        tpu.vector_store_idx %arg11[%add3A_257, %broadcast_in_dim3A_516], %gather3A_514 : memref<32x128xf32, #tpu.memory_space<vmem>>[vector<16xi32>, vector<16xi32>], vector<16xf32>,
        %broadcast_in_dim3A_517 = arith.constant 52 : i32
        %broadcast_in_dim3A_518 = vector.broadcast %broadcast_in_dim3A_517 : i32 to vector<16xi32>
        %gather3A_519 = tpu.vector_load_idx %arg9[%broadcast_in_dim3A_518, %select_n3A_249] : memref<64x512xf32, #tpu.memory_space<vmem>>[vector<16xi32>, vector<16xi32>], vector<16xf32>,
        %broadcast_in_dim3A_520 = arith.constant 52 : i32
        %broadcast_in_dim3A_521 = vector.broadcast %broadcast_in_dim3A_520 : i32 to vector<16xi32>
        tpu.vector_store_idx %arg11[%add3A_257, %broadcast_in_dim3A_521], %gather3A_519 : memref<32x128xf32, #tpu.memory_space<vmem>>[vector<16xi32>, vector<16xi32>], vector<16xf32>,
        %broadcast_in_dim3A_522 = arith.constant 53 : i32
        %broadcast_in_dim3A_523 = vector.broadcast %broadcast_in_dim3A_522 : i32 to vector<16xi32>
        %gather3A_524 = tpu.vector_load_idx %arg9[%broadcast_in_dim3A_523, %select_n3A_249] : memref<64x512xf32, #tpu.memory_space<vmem>>[vector<16xi32>, vector<16xi32>], vector<16xf32>,
        %broadcast_in_dim3A_525 = arith.constant 53 : i32
        %broadcast_in_dim3A_526 = vector.broadcast %broadcast_in_dim3A_525 : i32 to vector<16xi32>
        tpu.vector_store_idx %arg11[%add3A_257, %broadcast_in_dim3A_526], %gather3A_524 : memref<32x128xf32, #tpu.memory_space<vmem>>[vector<16xi32>, vector<16xi32>], vector<16xf32>,
        %broadcast_in_dim3A_527 = arith.constant 54 : i32
        %broadcast_in_dim3A_528 = vector.broadcast %broadcast_in_dim3A_527 : i32 to vector<16xi32>
        %gather3A_529 = tpu.vector_load_idx %arg9[%broadcast_in_dim3A_528, %select_n3A_249] : memref<64x512xf32, #tpu.memory_space<vmem>>[vector<16xi32>, vector<16xi32>], vector<16xf32>,
        %broadcast_in_dim3A_530 = arith.constant 54 : i32
        %broadcast_in_dim3A_531 = vector.broadcast %broadcast_in_dim3A_530 : i32 to vector<16xi32>
        tpu.vector_store_idx %arg11[%add3A_257, %broadcast_in_dim3A_531], %gather3A_529 : memref<32x128xf32, #tpu.memory_space<vmem>>[vector<16xi32>, vector<16xi32>], vector<16xf32>,
        %broadcast_in_dim3A_532 = arith.constant 55 : i32
        %broadcast_in_dim3A_533 = vector.broadcast %broadcast_in_dim3A_532 : i32 to vector<16xi32>
        %gather3A_534 = tpu.vector_load_idx %arg9[%broadcast_in_dim3A_533, %select_n3A_249] : memref<64x512xf32, #tpu.memory_space<vmem>>[vector<16xi32>, vector<16xi32>], vector<16xf32>,
        %broadcast_in_dim3A_535 = arith.constant 55 : i32
        %broadcast_in_dim3A_536 = vector.broadcast %broadcast_in_dim3A_535 : i32 to vector<16xi32>
        tpu.vector_store_idx %arg11[%add3A_257, %broadcast_in_dim3A_536], %gather3A_534 : memref<32x128xf32, #tpu.memory_space<vmem>>[vector<16xi32>, vector<16xi32>], vector<16xf32>,
        %broadcast_in_dim3A_537 = arith.constant 56 : i32
        %broadcast_in_dim3A_538 = vector.broadcast %broadcast_in_dim3A_537 : i32 to vector<16xi32>
        %gather3A_539 = tpu.vector_load_idx %arg9[%broadcast_in_dim3A_538, %select_n3A_249] : memref<64x512xf32, #tpu.memory_space<vmem>>[vector<16xi32>, vector<16xi32>], vector<16xf32>,
        %broadcast_in_dim3A_540 = arith.constant 56 : i32
        %broadcast_in_dim3A_541 = vector.broadcast %broadcast_in_dim3A_540 : i32 to vector<16xi32>
        tpu.vector_store_idx %arg11[%add3A_257, %broadcast_in_dim3A_541], %gather3A_539 : memref<32x128xf32, #tpu.memory_space<vmem>>[vector<16xi32>, vector<16xi32>], vector<16xf32>,
        %broadcast_in_dim3A_542 = arith.constant 57 : i32
        %broadcast_in_dim3A_543 = vector.broadcast %broadcast_in_dim3A_542 : i32 to vector<16xi32>
        %gather3A_544 = tpu.vector_load_idx %arg9[%broadcast_in_dim3A_543, %select_n3A_249] : memref<64x512xf32, #tpu.memory_space<vmem>>[vector<16xi32>, vector<16xi32>], vector<16xf32>,
        %broadcast_in_dim3A_545 = arith.constant 57 : i32
        %broadcast_in_dim3A_546 = vector.broadcast %broadcast_in_dim3A_545 : i32 to vector<16xi32>
        tpu.vector_store_idx %arg11[%add3A_257, %broadcast_in_dim3A_546], %gather3A_544 : memref<32x128xf32, #tpu.memory_space<vmem>>[vector<16xi32>, vector<16xi32>], vector<16xf32>,
        %broadcast_in_dim3A_547 = arith.constant 58 : i32
        %broadcast_in_dim3A_548 = vector.broadcast %broadcast_in_dim3A_547 : i32 to vector<16xi32>
        %gather3A_549 = tpu.vector_load_idx %arg9[%broadcast_in_dim3A_548, %select_n3A_249] : memref<64x512xf32, #tpu.memory_space<vmem>>[vector<16xi32>, vector<16xi32>], vector<16xf32>,
        %broadcast_in_dim3A_550 = arith.constant 58 : i32
        %broadcast_in_dim3A_551 = vector.broadcast %broadcast_in_dim3A_550 : i32 to vector<16xi32>
        tpu.vector_store_idx %arg11[%add3A_257, %broadcast_in_dim3A_551], %gather3A_549 : memref<32x128xf32, #tpu.memory_space<vmem>>[vector<16xi32>, vector<16xi32>], vector<16xf32>,
        %broadcast_in_dim3A_552 = arith.constant 59 : i32
        %broadcast_in_dim3A_553 = vector.broadcast %broadcast_in_dim3A_552 : i32 to vector<16xi32>
        %gather3A_554 = tpu.vector_load_idx %arg9[%broadcast_in_dim3A_553, %select_n3A_249] : memref<64x512xf32, #tpu.memory_space<vmem>>[vector<16xi32>, vector<16xi32>], vector<16xf32>,
        %broadcast_in_dim3A_555 = arith.constant 59 : i32
        %broadcast_in_dim3A_556 = vector.broadcast %broadcast_in_dim3A_555 : i32 to vector<16xi32>
        tpu.vector_store_idx %arg11[%add3A_257, %broadcast_in_dim3A_556], %gather3A_554 : memref<32x128xf32, #tpu.memory_space<vmem>>[vector<16xi32>, vector<16xi32>], vector<16xf32>,
        %broadcast_in_dim3A_557 = arith.constant 60 : i32
        %broadcast_in_dim3A_558 = vector.broadcast %broadcast_in_dim3A_557 : i32 to vector<16xi32>
        %gather3A_559 = tpu.vector_load_idx %arg9[%broadcast_in_dim3A_558, %select_n3A_249] : memref<64x512xf32, #tpu.memory_space<vmem>>[vector<16xi32>, vector<16xi32>], vector<16xf32>,
        %broadcast_in_dim3A_560 = arith.constant 60 : i32
        %broadcast_in_dim3A_561 = vector.broadcast %broadcast_in_dim3A_560 : i32 to vector<16xi32>
        tpu.vector_store_idx %arg11[%add3A_257, %broadcast_in_dim3A_561], %gather3A_559 : memref<32x128xf32, #tpu.memory_space<vmem>>[vector<16xi32>, vector<16xi32>], vector<16xf32>,
        %broadcast_in_dim3A_562 = arith.constant 61 : i32
        %broadcast_in_dim3A_563 = vector.broadcast %broadcast_in_dim3A_562 : i32 to vector<16xi32>
        %gather3A_564 = tpu.vector_load_idx %arg9[%broadcast_in_dim3A_563, %select_n3A_249] : memref<64x512xf32, #tpu.memory_space<vmem>>[vector<16xi32>, vector<16xi32>], vector<16xf32>,
        %broadcast_in_dim3A_565 = arith.constant 61 : i32
        %broadcast_in_dim3A_566 = vector.broadcast %broadcast_in_dim3A_565 : i32 to vector<16xi32>
        tpu.vector_store_idx %arg11[%add3A_257, %broadcast_in_dim3A_566], %gather3A_564 : memref<32x128xf32, #tpu.memory_space<vmem>>[vector<16xi32>, vector<16xi32>], vector<16xf32>,
        %broadcast_in_dim3A_567 = arith.constant 62 : i32
        %broadcast_in_dim3A_568 = vector.broadcast %broadcast_in_dim3A_567 : i32 to vector<16xi32>
        %gather3A_569 = tpu.vector_load_idx %arg9[%broadcast_in_dim3A_568, %select_n3A_249] : memref<64x512xf32, #tpu.memory_space<vmem>>[vector<16xi32>, vector<16xi32>], vector<16xf32>,
        %broadcast_in_dim3A_570 = arith.constant 62 : i32
        %broadcast_in_dim3A_571 = vector.broadcast %broadcast_in_dim3A_570 : i32 to vector<16xi32>
        tpu.vector_store_idx %arg11[%add3A_257, %broadcast_in_dim3A_571], %gather3A_569 : memref<32x128xf32, #tpu.memory_space<vmem>>[vector<16xi32>, vector<16xi32>], vector<16xf32>,
        %broadcast_in_dim3A_572 = arith.constant 63 : i32
        %broadcast_in_dim3A_573 = vector.broadcast %broadcast_in_dim3A_572 : i32 to vector<16xi32>
        %gather3A_574 = tpu.vector_load_idx %arg9[%broadcast_in_dim3A_573, %select_n3A_249] : memref<64x512xf32, #tpu.memory_space<vmem>>[vector<16xi32>, vector<16xi32>], vector<16xf32>,
        %broadcast_in_dim3A_575 = arith.constant 63 : i32
        %broadcast_in_dim3A_576 = vector.broadcast %broadcast_in_dim3A_575 : i32 to vector<16xi32>
        tpu.vector_store_idx %arg11[%add3A_257, %broadcast_in_dim3A_576], %gather3A_574 : memref<32x128xf32, #tpu.memory_space<vmem>>[vector<16xi32>, vector<16xi32>], vector<16xf32>,
        %swap3A = arith.index_cast %select_n3A_230 : i32 to index
        %swap3A_577 = arith.constant 0 : index
        %swap3A_578 = tpu.vector_load %arg12[%swap3A, %swap3A_577] {strides = array<i32>} : memref<2x16xi32, #tpu.memory_space<vmem>>, vector<16xi32>,
        tpu.vector_store %arg12[%swap3A, %swap3A_577], %select_n3A_253 {strides = array<i32>} : memref<2x16xi32, #tpu.memory_space<vmem>>, vector<16xi32>,
        %mul3A_579 = arith.constant 16 : i32
        %mul3A_580 = arith.muli %select_n3A_230, %mul3A_579 : i32
        %dma_start3A_581 = arith.constant 0 : i32
        %dma_start3A_582 = tpu.memref_slice %arg11[%mul3A_580, %dma_start3A_581] : memref<32x128xf32, #tpu.memory_space<vmem>> -> memref<16x128xf32, #tpu.memory_space<vmem>>
        %dma_start3A_583 = arith.constant 0 : i32
        %dma_start3A_584 = tpu.memref_slice %arg12[%select_n3A_230, %dma_start3A_583] : memref<2x16xi32, #tpu.memory_space<vmem>> -> memref<1x16xi32, #tpu.memory_space<vmem>>
        %dma_start3A_585 = tpu.memref_squeeze %dma_start3A_584 : memref<1x16xi32, #tpu.memory_space<vmem>> -> memref<16xi32, #tpu.memory_space<vmem>>
        %dma_start3A_586 = arith.constant 0 : i32
        %dma_start3A_587 = arith.constant 0 : i32
        %dma_start3A_588 = tpu.memref_slice %arg4[%dma_start3A_586, %dma_start3A_587] : memref<8192x128xf32, #tpu.memory_space<hbm>> -> memref<8192x128xf32, #tpu.memory_space<hbm>>
        tpu.enqueue_indirect_dma source(%dma_start3A_582 : memref<16x128xf32, #tpu.memory_space<vmem>>) target(%dma_start3A_588 : memref<8192x128xf32, #tpu.memory_space<hbm>>) offsets(%dma_start3A_585 : memref<16xi32, #tpu.memory_space<vmem>>) semaphore(%arg15 : memref<!tpu.dma_semaphore, #tpu.memory_space<semaphore_mem>>)
        %add3A_589 = arith.constant 1 : i32
        %add3A_590 = arith.addi %while3A_215, %add3A_589 : i32
        scf.yield %add3A_590 : i32
      }
      %while3A_129 = arith.constant 1 : i32
      %while3A_130 = scf.for %while3A_214 = %while3A_126 to %while3A_122 step %while3A_129 iter_args(%while3A_215 = %while3A_128) -> (i32)  : i32 {
        %jit3A_216 = arith.constant 2 : i32
        %eq3A = arith.constant 0 : i32
        %eq3A_217 = arith.cmpi eq, %jit3A_216, %eq3A : i32
        %jit3A_218 = arith.constant 1 : i32
        %select_n3A_219 = arith.select %eq3A_217, %jit3A_218, %jit3A_216 : i32
        %rem3A_220 = arith.remsi %while3A_215, %select_n3A_219 : i32
        %ne3A_221 = arith.constant 0 : i32
        %ne3A_222 = arith.cmpi ne, %rem3A_220, %ne3A_221 : i32
        %lt3A_223 = arith.constant 0 : i32
        %lt3A_224 = arith.cmpi slt, %rem3A_220, %lt3A_223 : i32
        %lt3A_225 = arith.constant 0 : i32
        %lt3A_226 = arith.cmpi slt, %select_n3A_219, %lt3A_225 : i32
        %ne3A_227 = arith.xori %lt3A_224, %lt3A_226 : i1
        %and3A_228 = arith.andi %ne3A_227, %ne3A_222 : i1
        %add3A_229 = arith.addi %rem3A_220, %select_n3A_219 : i32
        %select_n3A_230 = arith.select %and3A_228, %add3A_229, %rem3A_220 : i32
        %ge3A = arith.constant 2 : i32
        %ge3A_231 = arith.cmpi sge, %while3A_215, %ge3A : i32
        %convert_element_type3A_232 = arith.extui %ge3A_231 : i1 to i32
        %cond3A_233 = arith.constant 0 : i32
        %cond3A_234 = arith.cmpi ne, %convert_element_type3A_232, %cond3A_233 : i32
        scf.if %cond3A_234 {
          %dma_wait3A_591 = arith.constant 0 : i32
          %dma_wait3A_592 = arith.constant 0 : i32
          %dma_wait3A_593 = tpu.memref_slice %arg11[%dma_wait3A_591, %dma_wait3A_592] : memref<32x128xf32, #tpu.memory_space<vmem>> -> memref<16x128xf32, #tpu.memory_space<vmem>>
          %dma_wait3A_594 = arith.constant 0 : i32
          %dma_wait3A_595 = arith.constant 0 : i32
          %dma_wait3A_596 = tpu.memref_slice %arg4[%dma_wait3A_594, %dma_wait3A_595] : memref<8192x128xf32, #tpu.memory_space<hbm>> -> memref<16x128xf32, #tpu.memory_space<hbm>>
          %dma_wait3A_597 = arith.constant 0 : i32
          %dma_wait3A_598 = arith.constant 0 : i32
          %dma_wait3A_599 = tpu.memref_slice %arg11[%dma_wait3A_597, %dma_wait3A_598] : memref<32x128xf32, #tpu.memory_space<vmem>> -> memref<16x128xf32, #tpu.memory_space<vmem>>
          %dma_wait3A_600 = arith.constant 0 : i32
          %dma_wait3A_601 = arith.constant 0 : i32
          %dma_wait3A_602 = tpu.memref_slice %arg4[%dma_wait3A_600, %dma_wait3A_601] : memref<8192x128xf32, #tpu.memory_space<hbm>> -> memref<16x128xf32, #tpu.memory_space<hbm>>
          tpu.wait_dma2 semaphore(%arg15 : memref<!tpu.dma_semaphore, #tpu.memory_space<semaphore_mem>>) src(%dma_wait3A_602 : memref<16x128xf32, #tpu.memory_space<hbm>>) dst(%dma_wait3A_599 : memref<16x128xf32, #tpu.memory_space<vmem>>)
        } else {
        }
        %mul3A_235 = arith.constant 16 : i32
        %mul3A_236 = arith.muli %while3A_214, %mul3A_235 : i32
        %add3A_237 = vector.broadcast %mul3A_236 : i32 to vector<16xi32>
        %add3A_238 = arith.addi %add3A_237, %iota3A : vector<16xi32>
        %lt3A_239 = vector.broadcast %while3A_91 : i32 to vector<16xi32>
        %lt3A_240 = arith.cmpi slt, %add3A_238, %lt3A_239 : vector<16xi32>
        %mul3A_241 = arith.constant 16 : i32
        %mul3A_242 = arith.muli %while3A_214, %mul3A_241 : i32
        %get3A = arith.index_cast %mul3A_242 : i32 to index
        %get3A_243 = tpu.vector_load %arg8[%get3A] {strides = array<i32>} : memref<8192xi32, #tpu.memory_space<vmem>>, vector<16xi32>,
        %and3A_244 = arith.constant 1023 : i32
        %and3A_245 = vector.broadcast %and3A_244 : i32 to vector<16xi32>
        %and3A_246 = arith.andi %get3A_243, %and3A_245 : vector<16xi32>
        %shift_right_arithmetic3A = arith.constant 10 : i32
        %shift_right_arithmetic3A_247 = vector.broadcast %shift_right_arithmetic3A : i32 to vector<16xi32>
        %shift_right_arithmetic3A_248 = arith.shrsi %get3A_243, %shift_right_arithmetic3A_247 : vector<16xi32>
        %slice3A = vector.extract_strided_slice %and3A_246 {offsets = [0], sizes = [1], strides = [1]} : vector<16xi32> to vector<1xi32>
        %squeeze3A = vector.extract %slice3A[0] : i32 from vector<1xi32>
        %broadcast_in_dim3A = vector.broadcast %squeeze3A : i32 to vector<16xi32>
        %select_n3A_249 = arith.select %lt3A_240, %and3A_246, %broadcast_in_dim3A : vector<16xi1>, vector<16xi32>
        %slice3A_250 = vector.extract_strided_slice %shift_right_arithmetic3A_248 {offsets = [0], sizes = [1], strides = [1]} : vector<16xi32> to vector<1xi32>
        %squeeze3A_251 = vector.extract %slice3A_250[0] : i32 from vector<1xi32>
        %broadcast_in_dim3A_252 = vector.broadcast %squeeze3A_251 : i32 to vector<16xi32>
        %select_n3A_253 = arith.select %lt3A_240, %shift_right_arithmetic3A_248, %broadcast_in_dim3A_252 : vector<16xi1>, vector<16xi32>
        %mul3A_254 = arith.constant 16 : i32
        %mul3A_255 = arith.muli %select_n3A_230, %mul3A_254 : i32
        %add3A_256 = vector.broadcast %mul3A_255 : i32 to vector<16xi32>
        %add3A_257 = arith.addi %add3A_256, %iota3A : vector<16xi32>
        %broadcast_in_dim3A_258 = arith.constant 0 : i32
        %broadcast_in_dim3A_259 = vector.broadcast %broadcast_in_dim3A_258 : i32 to vector<16xi32>
        %gather3A = tpu.vector_load_idx %arg9[%broadcast_in_dim3A_259, %select_n3A_249] : memref<64x512xf32, #tpu.memory_space<vmem>>[vector<16xi32>, vector<16xi32>], vector<16xf32>,
        %broadcast_in_dim3A_260 = arith.constant 0 : i32
        %broadcast_in_dim3A_261 = vector.broadcast %broadcast_in_dim3A_260 : i32 to vector<16xi32>
        tpu.vector_store_idx %arg11[%add3A_257, %broadcast_in_dim3A_261], %gather3A : memref<32x128xf32, #tpu.memory_space<vmem>>[vector<16xi32>, vector<16xi32>], vector<16xf32>,
        %broadcast_in_dim3A_262 = arith.constant 1 : i32
        %broadcast_in_dim3A_263 = vector.broadcast %broadcast_in_dim3A_262 : i32 to vector<16xi32>
        %gather3A_264 = tpu.vector_load_idx %arg9[%broadcast_in_dim3A_263, %select_n3A_249] : memref<64x512xf32, #tpu.memory_space<vmem>>[vector<16xi32>, vector<16xi32>], vector<16xf32>,
        %broadcast_in_dim3A_265 = arith.constant 1 : i32
        %broadcast_in_dim3A_266 = vector.broadcast %broadcast_in_dim3A_265 : i32 to vector<16xi32>
        tpu.vector_store_idx %arg11[%add3A_257, %broadcast_in_dim3A_266], %gather3A_264 : memref<32x128xf32, #tpu.memory_space<vmem>>[vector<16xi32>, vector<16xi32>], vector<16xf32>,
        %broadcast_in_dim3A_267 = arith.constant 2 : i32
        %broadcast_in_dim3A_268 = vector.broadcast %broadcast_in_dim3A_267 : i32 to vector<16xi32>
        %gather3A_269 = tpu.vector_load_idx %arg9[%broadcast_in_dim3A_268, %select_n3A_249] : memref<64x512xf32, #tpu.memory_space<vmem>>[vector<16xi32>, vector<16xi32>], vector<16xf32>,
        %broadcast_in_dim3A_270 = arith.constant 2 : i32
        %broadcast_in_dim3A_271 = vector.broadcast %broadcast_in_dim3A_270 : i32 to vector<16xi32>
        tpu.vector_store_idx %arg11[%add3A_257, %broadcast_in_dim3A_271], %gather3A_269 : memref<32x128xf32, #tpu.memory_space<vmem>>[vector<16xi32>, vector<16xi32>], vector<16xf32>,
        %broadcast_in_dim3A_272 = arith.constant 3 : i32
        %broadcast_in_dim3A_273 = vector.broadcast %broadcast_in_dim3A_272 : i32 to vector<16xi32>
        %gather3A_274 = tpu.vector_load_idx %arg9[%broadcast_in_dim3A_273, %select_n3A_249] : memref<64x512xf32, #tpu.memory_space<vmem>>[vector<16xi32>, vector<16xi32>], vector<16xf32>,
        %broadcast_in_dim3A_275 = arith.constant 3 : i32
        %broadcast_in_dim3A_276 = vector.broadcast %broadcast_in_dim3A_275 : i32 to vector<16xi32>
        tpu.vector_store_idx %arg11[%add3A_257, %broadcast_in_dim3A_276], %gather3A_274 : memref<32x128xf32, #tpu.memory_space<vmem>>[vector<16xi32>, vector<16xi32>], vector<16xf32>,
        %broadcast_in_dim3A_277 = arith.constant 4 : i32
        %broadcast_in_dim3A_278 = vector.broadcast %broadcast_in_dim3A_277 : i32 to vector<16xi32>
        %gather3A_279 = tpu.vector_load_idx %arg9[%broadcast_in_dim3A_278, %select_n3A_249] : memref<64x512xf32, #tpu.memory_space<vmem>>[vector<16xi32>, vector<16xi32>], vector<16xf32>,
        %broadcast_in_dim3A_280 = arith.constant 4 : i32
        %broadcast_in_dim3A_281 = vector.broadcast %broadcast_in_dim3A_280 : i32 to vector<16xi32>
        tpu.vector_store_idx %arg11[%add3A_257, %broadcast_in_dim3A_281], %gather3A_279 : memref<32x128xf32, #tpu.memory_space<vmem>>[vector<16xi32>, vector<16xi32>], vector<16xf32>,
        %broadcast_in_dim3A_282 = arith.constant 5 : i32
        %broadcast_in_dim3A_283 = vector.broadcast %broadcast_in_dim3A_282 : i32 to vector<16xi32>
        %gather3A_284 = tpu.vector_load_idx %arg9[%broadcast_in_dim3A_283, %select_n3A_249] : memref<64x512xf32, #tpu.memory_space<vmem>>[vector<16xi32>, vector<16xi32>], vector<16xf32>,
        %broadcast_in_dim3A_285 = arith.constant 5 : i32
        %broadcast_in_dim3A_286 = vector.broadcast %broadcast_in_dim3A_285 : i32 to vector<16xi32>
        tpu.vector_store_idx %arg11[%add3A_257, %broadcast_in_dim3A_286], %gather3A_284 : memref<32x128xf32, #tpu.memory_space<vmem>>[vector<16xi32>, vector<16xi32>], vector<16xf32>,
        %broadcast_in_dim3A_287 = arith.constant 6 : i32
        %broadcast_in_dim3A_288 = vector.broadcast %broadcast_in_dim3A_287 : i32 to vector<16xi32>
        %gather3A_289 = tpu.vector_load_idx %arg9[%broadcast_in_dim3A_288, %select_n3A_249] : memref<64x512xf32, #tpu.memory_space<vmem>>[vector<16xi32>, vector<16xi32>], vector<16xf32>,
        %broadcast_in_dim3A_290 = arith.constant 6 : i32
        %broadcast_in_dim3A_291 = vector.broadcast %broadcast_in_dim3A_290 : i32 to vector<16xi32>
        tpu.vector_store_idx %arg11[%add3A_257, %broadcast_in_dim3A_291], %gather3A_289 : memref<32x128xf32, #tpu.memory_space<vmem>>[vector<16xi32>, vector<16xi32>], vector<16xf32>,
        %broadcast_in_dim3A_292 = arith.constant 7 : i32
        %broadcast_in_dim3A_293 = vector.broadcast %broadcast_in_dim3A_292 : i32 to vector<16xi32>
        %gather3A_294 = tpu.vector_load_idx %arg9[%broadcast_in_dim3A_293, %select_n3A_249] : memref<64x512xf32, #tpu.memory_space<vmem>>[vector<16xi32>, vector<16xi32>], vector<16xf32>,
        %broadcast_in_dim3A_295 = arith.constant 7 : i32
        %broadcast_in_dim3A_296 = vector.broadcast %broadcast_in_dim3A_295 : i32 to vector<16xi32>
        tpu.vector_store_idx %arg11[%add3A_257, %broadcast_in_dim3A_296], %gather3A_294 : memref<32x128xf32, #tpu.memory_space<vmem>>[vector<16xi32>, vector<16xi32>], vector<16xf32>,
        %broadcast_in_dim3A_297 = arith.constant 8 : i32
        %broadcast_in_dim3A_298 = vector.broadcast %broadcast_in_dim3A_297 : i32 to vector<16xi32>
        %gather3A_299 = tpu.vector_load_idx %arg9[%broadcast_in_dim3A_298, %select_n3A_249] : memref<64x512xf32, #tpu.memory_space<vmem>>[vector<16xi32>, vector<16xi32>], vector<16xf32>,
        %broadcast_in_dim3A_300 = arith.constant 8 : i32
        %broadcast_in_dim3A_301 = vector.broadcast %broadcast_in_dim3A_300 : i32 to vector<16xi32>
        tpu.vector_store_idx %arg11[%add3A_257, %broadcast_in_dim3A_301], %gather3A_299 : memref<32x128xf32, #tpu.memory_space<vmem>>[vector<16xi32>, vector<16xi32>], vector<16xf32>,
        %broadcast_in_dim3A_302 = arith.constant 9 : i32
        %broadcast_in_dim3A_303 = vector.broadcast %broadcast_in_dim3A_302 : i32 to vector<16xi32>
        %gather3A_304 = tpu.vector_load_idx %arg9[%broadcast_in_dim3A_303, %select_n3A_249] : memref<64x512xf32, #tpu.memory_space<vmem>>[vector<16xi32>, vector<16xi32>], vector<16xf32>,
        %broadcast_in_dim3A_305 = arith.constant 9 : i32
        %broadcast_in_dim3A_306 = vector.broadcast %broadcast_in_dim3A_305 : i32 to vector<16xi32>
        tpu.vector_store_idx %arg11[%add3A_257, %broadcast_in_dim3A_306], %gather3A_304 : memref<32x128xf32, #tpu.memory_space<vmem>>[vector<16xi32>, vector<16xi32>], vector<16xf32>,
        %broadcast_in_dim3A_307 = arith.constant 10 : i32
        %broadcast_in_dim3A_308 = vector.broadcast %broadcast_in_dim3A_307 : i32 to vector<16xi32>
        %gather3A_309 = tpu.vector_load_idx %arg9[%broadcast_in_dim3A_308, %select_n3A_249] : memref<64x512xf32, #tpu.memory_space<vmem>>[vector<16xi32>, vector<16xi32>], vector<16xf32>,
        %broadcast_in_dim3A_310 = arith.constant 10 : i32
        %broadcast_in_dim3A_311 = vector.broadcast %broadcast_in_dim3A_310 : i32 to vector<16xi32>
        tpu.vector_store_idx %arg11[%add3A_257, %broadcast_in_dim3A_311], %gather3A_309 : memref<32x128xf32, #tpu.memory_space<vmem>>[vector<16xi32>, vector<16xi32>], vector<16xf32>,
        %broadcast_in_dim3A_312 = arith.constant 11 : i32
        %broadcast_in_dim3A_313 = vector.broadcast %broadcast_in_dim3A_312 : i32 to vector<16xi32>
        %gather3A_314 = tpu.vector_load_idx %arg9[%broadcast_in_dim3A_313, %select_n3A_249] : memref<64x512xf32, #tpu.memory_space<vmem>>[vector<16xi32>, vector<16xi32>], vector<16xf32>,
        %broadcast_in_dim3A_315 = arith.constant 11 : i32
        %broadcast_in_dim3A_316 = vector.broadcast %broadcast_in_dim3A_315 : i32 to vector<16xi32>
        tpu.vector_store_idx %arg11[%add3A_257, %broadcast_in_dim3A_316], %gather3A_314 : memref<32x128xf32, #tpu.memory_space<vmem>>[vector<16xi32>, vector<16xi32>], vector<16xf32>,
        %broadcast_in_dim3A_317 = arith.constant 12 : i32
        %broadcast_in_dim3A_318 = vector.broadcast %broadcast_in_dim3A_317 : i32 to vector<16xi32>
        %gather3A_319 = tpu.vector_load_idx %arg9[%broadcast_in_dim3A_318, %select_n3A_249] : memref<64x512xf32, #tpu.memory_space<vmem>>[vector<16xi32>, vector<16xi32>], vector<16xf32>,
        %broadcast_in_dim3A_320 = arith.constant 12 : i32
        %broadcast_in_dim3A_321 = vector.broadcast %broadcast_in_dim3A_320 : i32 to vector<16xi32>
        tpu.vector_store_idx %arg11[%add3A_257, %broadcast_in_dim3A_321], %gather3A_319 : memref<32x128xf32, #tpu.memory_space<vmem>>[vector<16xi32>, vector<16xi32>], vector<16xf32>,
        %broadcast_in_dim3A_322 = arith.constant 13 : i32
        %broadcast_in_dim3A_323 = vector.broadcast %broadcast_in_dim3A_322 : i32 to vector<16xi32>
        %gather3A_324 = tpu.vector_load_idx %arg9[%broadcast_in_dim3A_323, %select_n3A_249] : memref<64x512xf32, #tpu.memory_space<vmem>>[vector<16xi32>, vector<16xi32>], vector<16xf32>,
        %broadcast_in_dim3A_325 = arith.constant 13 : i32
        %broadcast_in_dim3A_326 = vector.broadcast %broadcast_in_dim3A_325 : i32 to vector<16xi32>
        tpu.vector_store_idx %arg11[%add3A_257, %broadcast_in_dim3A_326], %gather3A_324 : memref<32x128xf32, #tpu.memory_space<vmem>>[vector<16xi32>, vector<16xi32>], vector<16xf32>,
        %broadcast_in_dim3A_327 = arith.constant 14 : i32
        %broadcast_in_dim3A_328 = vector.broadcast %broadcast_in_dim3A_327 : i32 to vector<16xi32>
        %gather3A_329 = tpu.vector_load_idx %arg9[%broadcast_in_dim3A_328, %select_n3A_249] : memref<64x512xf32, #tpu.memory_space<vmem>>[vector<16xi32>, vector<16xi32>], vector<16xf32>,
        %broadcast_in_dim3A_330 = arith.constant 14 : i32
        %broadcast_in_dim3A_331 = vector.broadcast %broadcast_in_dim3A_330 : i32 to vector<16xi32>
        tpu.vector_store_idx %arg11[%add3A_257, %broadcast_in_dim3A_331], %gather3A_329 : memref<32x128xf32, #tpu.memory_space<vmem>>[vector<16xi32>, vector<16xi32>], vector<16xf32>,
        %broadcast_in_dim3A_332 = arith.constant 15 : i32
        %broadcast_in_dim3A_333 = vector.broadcast %broadcast_in_dim3A_332 : i32 to vector<16xi32>
        %gather3A_334 = tpu.vector_load_idx %arg9[%broadcast_in_dim3A_333, %select_n3A_249] : memref<64x512xf32, #tpu.memory_space<vmem>>[vector<16xi32>, vector<16xi32>], vector<16xf32>,
        %broadcast_in_dim3A_335 = arith.constant 15 : i32
        %broadcast_in_dim3A_336 = vector.broadcast %broadcast_in_dim3A_335 : i32 to vector<16xi32>
        tpu.vector_store_idx %arg11[%add3A_257, %broadcast_in_dim3A_336], %gather3A_334 : memref<32x128xf32, #tpu.memory_space<vmem>>[vector<16xi32>, vector<16xi32>], vector<16xf32>,
        %broadcast_in_dim3A_337 = arith.constant 16 : i32
        %broadcast_in_dim3A_338 = vector.broadcast %broadcast_in_dim3A_337 : i32 to vector<16xi32>
        %gather3A_339 = tpu.vector_load_idx %arg9[%broadcast_in_dim3A_338, %select_n3A_249] : memref<64x512xf32, #tpu.memory_space<vmem>>[vector<16xi32>, vector<16xi32>], vector<16xf32>,
        %broadcast_in_dim3A_340 = arith.constant 16 : i32
        %broadcast_in_dim3A_341 = vector.broadcast %broadcast_in_dim3A_340 : i32 to vector<16xi32>
        tpu.vector_store_idx %arg11[%add3A_257, %broadcast_in_dim3A_341], %gather3A_339 : memref<32x128xf32, #tpu.memory_space<vmem>>[vector<16xi32>, vector<16xi32>], vector<16xf32>,
        %broadcast_in_dim3A_342 = arith.constant 17 : i32
        %broadcast_in_dim3A_343 = vector.broadcast %broadcast_in_dim3A_342 : i32 to vector<16xi32>
        %gather3A_344 = tpu.vector_load_idx %arg9[%broadcast_in_dim3A_343, %select_n3A_249] : memref<64x512xf32, #tpu.memory_space<vmem>>[vector<16xi32>, vector<16xi32>], vector<16xf32>,
        %broadcast_in_dim3A_345 = arith.constant 17 : i32
        %broadcast_in_dim3A_346 = vector.broadcast %broadcast_in_dim3A_345 : i32 to vector<16xi32>
        tpu.vector_store_idx %arg11[%add3A_257, %broadcast_in_dim3A_346], %gather3A_344 : memref<32x128xf32, #tpu.memory_space<vmem>>[vector<16xi32>, vector<16xi32>], vector<16xf32>,
        %broadcast_in_dim3A_347 = arith.constant 18 : i32
        %broadcast_in_dim3A_348 = vector.broadcast %broadcast_in_dim3A_347 : i32 to vector<16xi32>
        %gather3A_349 = tpu.vector_load_idx %arg9[%broadcast_in_dim3A_348, %select_n3A_249] : memref<64x512xf32, #tpu.memory_space<vmem>>[vector<16xi32>, vector<16xi32>], vector<16xf32>,
        %broadcast_in_dim3A_350 = arith.constant 18 : i32
        %broadcast_in_dim3A_351 = vector.broadcast %broadcast_in_dim3A_350 : i32 to vector<16xi32>
        tpu.vector_store_idx %arg11[%add3A_257, %broadcast_in_dim3A_351], %gather3A_349 : memref<32x128xf32, #tpu.memory_space<vmem>>[vector<16xi32>, vector<16xi32>], vector<16xf32>,
        %broadcast_in_dim3A_352 = arith.constant 19 : i32
        %broadcast_in_dim3A_353 = vector.broadcast %broadcast_in_dim3A_352 : i32 to vector<16xi32>
        %gather3A_354 = tpu.vector_load_idx %arg9[%broadcast_in_dim3A_353, %select_n3A_249] : memref<64x512xf32, #tpu.memory_space<vmem>>[vector<16xi32>, vector<16xi32>], vector<16xf32>,
        %broadcast_in_dim3A_355 = arith.constant 19 : i32
        %broadcast_in_dim3A_356 = vector.broadcast %broadcast_in_dim3A_355 : i32 to vector<16xi32>
        tpu.vector_store_idx %arg11[%add3A_257, %broadcast_in_dim3A_356], %gather3A_354 : memref<32x128xf32, #tpu.memory_space<vmem>>[vector<16xi32>, vector<16xi32>], vector<16xf32>,
        %broadcast_in_dim3A_357 = arith.constant 20 : i32
        %broadcast_in_dim3A_358 = vector.broadcast %broadcast_in_dim3A_357 : i32 to vector<16xi32>
        %gather3A_359 = tpu.vector_load_idx %arg9[%broadcast_in_dim3A_358, %select_n3A_249] : memref<64x512xf32, #tpu.memory_space<vmem>>[vector<16xi32>, vector<16xi32>], vector<16xf32>,
        %broadcast_in_dim3A_360 = arith.constant 20 : i32
        %broadcast_in_dim3A_361 = vector.broadcast %broadcast_in_dim3A_360 : i32 to vector<16xi32>
        tpu.vector_store_idx %arg11[%add3A_257, %broadcast_in_dim3A_361], %gather3A_359 : memref<32x128xf32, #tpu.memory_space<vmem>>[vector<16xi32>, vector<16xi32>], vector<16xf32>,
        %broadcast_in_dim3A_362 = arith.constant 21 : i32
        %broadcast_in_dim3A_363 = vector.broadcast %broadcast_in_dim3A_362 : i32 to vector<16xi32>
        %gather3A_364 = tpu.vector_load_idx %arg9[%broadcast_in_dim3A_363, %select_n3A_249] : memref<64x512xf32, #tpu.memory_space<vmem>>[vector<16xi32>, vector<16xi32>], vector<16xf32>,
        %broadcast_in_dim3A_365 = arith.constant 21 : i32
        %broadcast_in_dim3A_366 = vector.broadcast %broadcast_in_dim3A_365 : i32 to vector<16xi32>
        tpu.vector_store_idx %arg11[%add3A_257, %broadcast_in_dim3A_366], %gather3A_364 : memref<32x128xf32, #tpu.memory_space<vmem>>[vector<16xi32>, vector<16xi32>], vector<16xf32>,
        %broadcast_in_dim3A_367 = arith.constant 22 : i32
        %broadcast_in_dim3A_368 = vector.broadcast %broadcast_in_dim3A_367 : i32 to vector<16xi32>
        %gather3A_369 = tpu.vector_load_idx %arg9[%broadcast_in_dim3A_368, %select_n3A_249] : memref<64x512xf32, #tpu.memory_space<vmem>>[vector<16xi32>, vector<16xi32>], vector<16xf32>,
        %broadcast_in_dim3A_370 = arith.constant 22 : i32
        %broadcast_in_dim3A_371 = vector.broadcast %broadcast_in_dim3A_370 : i32 to vector<16xi32>
        tpu.vector_store_idx %arg11[%add3A_257, %broadcast_in_dim3A_371], %gather3A_369 : memref<32x128xf32, #tpu.memory_space<vmem>>[vector<16xi32>, vector<16xi32>], vector<16xf32>,
        %broadcast_in_dim3A_372 = arith.constant 23 : i32
        %broadcast_in_dim3A_373 = vector.broadcast %broadcast_in_dim3A_372 : i32 to vector<16xi32>
        %gather3A_374 = tpu.vector_load_idx %arg9[%broadcast_in_dim3A_373, %select_n3A_249] : memref<64x512xf32, #tpu.memory_space<vmem>>[vector<16xi32>, vector<16xi32>], vector<16xf32>,
        %broadcast_in_dim3A_375 = arith.constant 23 : i32
        %broadcast_in_dim3A_376 = vector.broadcast %broadcast_in_dim3A_375 : i32 to vector<16xi32>
        tpu.vector_store_idx %arg11[%add3A_257, %broadcast_in_dim3A_376], %gather3A_374 : memref<32x128xf32, #tpu.memory_space<vmem>>[vector<16xi32>, vector<16xi32>], vector<16xf32>,
        %broadcast_in_dim3A_377 = arith.constant 24 : i32
        %broadcast_in_dim3A_378 = vector.broadcast %broadcast_in_dim3A_377 : i32 to vector<16xi32>
        %gather3A_379 = tpu.vector_load_idx %arg9[%broadcast_in_dim3A_378, %select_n3A_249] : memref<64x512xf32, #tpu.memory_space<vmem>>[vector<16xi32>, vector<16xi32>], vector<16xf32>,
        %broadcast_in_dim3A_380 = arith.constant 24 : i32
        %broadcast_in_dim3A_381 = vector.broadcast %broadcast_in_dim3A_380 : i32 to vector<16xi32>
        tpu.vector_store_idx %arg11[%add3A_257, %broadcast_in_dim3A_381], %gather3A_379 : memref<32x128xf32, #tpu.memory_space<vmem>>[vector<16xi32>, vector<16xi32>], vector<16xf32>,
        %broadcast_in_dim3A_382 = arith.constant 25 : i32
        %broadcast_in_dim3A_383 = vector.broadcast %broadcast_in_dim3A_382 : i32 to vector<16xi32>
        %gather3A_384 = tpu.vector_load_idx %arg9[%broadcast_in_dim3A_383, %select_n3A_249] : memref<64x512xf32, #tpu.memory_space<vmem>>[vector<16xi32>, vector<16xi32>], vector<16xf32>,
        %broadcast_in_dim3A_385 = arith.constant 25 : i32
        %broadcast_in_dim3A_386 = vector.broadcast %broadcast_in_dim3A_385 : i32 to vector<16xi32>
        tpu.vector_store_idx %arg11[%add3A_257, %broadcast_in_dim3A_386], %gather3A_384 : memref<32x128xf32, #tpu.memory_space<vmem>>[vector<16xi32>, vector<16xi32>], vector<16xf32>,
        %broadcast_in_dim3A_387 = arith.constant 26 : i32
        %broadcast_in_dim3A_388 = vector.broadcast %broadcast_in_dim3A_387 : i32 to vector<16xi32>
        %gather3A_389 = tpu.vector_load_idx %arg9[%broadcast_in_dim3A_388, %select_n3A_249] : memref<64x512xf32, #tpu.memory_space<vmem>>[vector<16xi32>, vector<16xi32>], vector<16xf32>,
        %broadcast_in_dim3A_390 = arith.constant 26 : i32
        %broadcast_in_dim3A_391 = vector.broadcast %broadcast_in_dim3A_390 : i32 to vector<16xi32>
        tpu.vector_store_idx %arg11[%add3A_257, %broadcast_in_dim3A_391], %gather3A_389 : memref<32x128xf32, #tpu.memory_space<vmem>>[vector<16xi32>, vector<16xi32>], vector<16xf32>,
        %broadcast_in_dim3A_392 = arith.constant 27 : i32
        %broadcast_in_dim3A_393 = vector.broadcast %broadcast_in_dim3A_392 : i32 to vector<16xi32>
        %gather3A_394 = tpu.vector_load_idx %arg9[%broadcast_in_dim3A_393, %select_n3A_249] : memref<64x512xf32, #tpu.memory_space<vmem>>[vector<16xi32>, vector<16xi32>], vector<16xf32>,
        %broadcast_in_dim3A_395 = arith.constant 27 : i32
        %broadcast_in_dim3A_396 = vector.broadcast %broadcast_in_dim3A_395 : i32 to vector<16xi32>
        tpu.vector_store_idx %arg11[%add3A_257, %broadcast_in_dim3A_396], %gather3A_394 : memref<32x128xf32, #tpu.memory_space<vmem>>[vector<16xi32>, vector<16xi32>], vector<16xf32>,
        %broadcast_in_dim3A_397 = arith.constant 28 : i32
        %broadcast_in_dim3A_398 = vector.broadcast %broadcast_in_dim3A_397 : i32 to vector<16xi32>
        %gather3A_399 = tpu.vector_load_idx %arg9[%broadcast_in_dim3A_398, %select_n3A_249] : memref<64x512xf32, #tpu.memory_space<vmem>>[vector<16xi32>, vector<16xi32>], vector<16xf32>,
        %broadcast_in_dim3A_400 = arith.constant 28 : i32
        %broadcast_in_dim3A_401 = vector.broadcast %broadcast_in_dim3A_400 : i32 to vector<16xi32>
        tpu.vector_store_idx %arg11[%add3A_257, %broadcast_in_dim3A_401], %gather3A_399 : memref<32x128xf32, #tpu.memory_space<vmem>>[vector<16xi32>, vector<16xi32>], vector<16xf32>,
        %broadcast_in_dim3A_402 = arith.constant 29 : i32
        %broadcast_in_dim3A_403 = vector.broadcast %broadcast_in_dim3A_402 : i32 to vector<16xi32>
        %gather3A_404 = tpu.vector_load_idx %arg9[%broadcast_in_dim3A_403, %select_n3A_249] : memref<64x512xf32, #tpu.memory_space<vmem>>[vector<16xi32>, vector<16xi32>], vector<16xf32>,
        %broadcast_in_dim3A_405 = arith.constant 29 : i32
        %broadcast_in_dim3A_406 = vector.broadcast %broadcast_in_dim3A_405 : i32 to vector<16xi32>
        tpu.vector_store_idx %arg11[%add3A_257, %broadcast_in_dim3A_406], %gather3A_404 : memref<32x128xf32, #tpu.memory_space<vmem>>[vector<16xi32>, vector<16xi32>], vector<16xf32>,
        %broadcast_in_dim3A_407 = arith.constant 30 : i32
        %broadcast_in_dim3A_408 = vector.broadcast %broadcast_in_dim3A_407 : i32 to vector<16xi32>
        %gather3A_409 = tpu.vector_load_idx %arg9[%broadcast_in_dim3A_408, %select_n3A_249] : memref<64x512xf32, #tpu.memory_space<vmem>>[vector<16xi32>, vector<16xi32>], vector<16xf32>,
        %broadcast_in_dim3A_410 = arith.constant 30 : i32
        %broadcast_in_dim3A_411 = vector.broadcast %broadcast_in_dim3A_410 : i32 to vector<16xi32>
        tpu.vector_store_idx %arg11[%add3A_257, %broadcast_in_dim3A_411], %gather3A_409 : memref<32x128xf32, #tpu.memory_space<vmem>>[vector<16xi32>, vector<16xi32>], vector<16xf32>,
        %broadcast_in_dim3A_412 = arith.constant 31 : i32
        %broadcast_in_dim3A_413 = vector.broadcast %broadcast_in_dim3A_412 : i32 to vector<16xi32>
        %gather3A_414 = tpu.vector_load_idx %arg9[%broadcast_in_dim3A_413, %select_n3A_249] : memref<64x512xf32, #tpu.memory_space<vmem>>[vector<16xi32>, vector<16xi32>], vector<16xf32>,
        %broadcast_in_dim3A_415 = arith.constant 31 : i32
        %broadcast_in_dim3A_416 = vector.broadcast %broadcast_in_dim3A_415 : i32 to vector<16xi32>
        tpu.vector_store_idx %arg11[%add3A_257, %broadcast_in_dim3A_416], %gather3A_414 : memref<32x128xf32, #tpu.memory_space<vmem>>[vector<16xi32>, vector<16xi32>], vector<16xf32>,
        %broadcast_in_dim3A_417 = arith.constant 32 : i32
        %broadcast_in_dim3A_418 = vector.broadcast %broadcast_in_dim3A_417 : i32 to vector<16xi32>
        %gather3A_419 = tpu.vector_load_idx %arg9[%broadcast_in_dim3A_418, %select_n3A_249] : memref<64x512xf32, #tpu.memory_space<vmem>>[vector<16xi32>, vector<16xi32>], vector<16xf32>,
        %broadcast_in_dim3A_420 = arith.constant 32 : i32
        %broadcast_in_dim3A_421 = vector.broadcast %broadcast_in_dim3A_420 : i32 to vector<16xi32>
        tpu.vector_store_idx %arg11[%add3A_257, %broadcast_in_dim3A_421], %gather3A_419 : memref<32x128xf32, #tpu.memory_space<vmem>>[vector<16xi32>, vector<16xi32>], vector<16xf32>,
        %broadcast_in_dim3A_422 = arith.constant 33 : i32
        %broadcast_in_dim3A_423 = vector.broadcast %broadcast_in_dim3A_422 : i32 to vector<16xi32>
        %gather3A_424 = tpu.vector_load_idx %arg9[%broadcast_in_dim3A_423, %select_n3A_249] : memref<64x512xf32, #tpu.memory_space<vmem>>[vector<16xi32>, vector<16xi32>], vector<16xf32>,
        %broadcast_in_dim3A_425 = arith.constant 33 : i32
        %broadcast_in_dim3A_426 = vector.broadcast %broadcast_in_dim3A_425 : i32 to vector<16xi32>
        tpu.vector_store_idx %arg11[%add3A_257, %broadcast_in_dim3A_426], %gather3A_424 : memref<32x128xf32, #tpu.memory_space<vmem>>[vector<16xi32>, vector<16xi32>], vector<16xf32>,
        %broadcast_in_dim3A_427 = arith.constant 34 : i32
        %broadcast_in_dim3A_428 = vector.broadcast %broadcast_in_dim3A_427 : i32 to vector<16xi32>
        %gather3A_429 = tpu.vector_load_idx %arg9[%broadcast_in_dim3A_428, %select_n3A_249] : memref<64x512xf32, #tpu.memory_space<vmem>>[vector<16xi32>, vector<16xi32>], vector<16xf32>,
        %broadcast_in_dim3A_430 = arith.constant 34 : i32
        %broadcast_in_dim3A_431 = vector.broadcast %broadcast_in_dim3A_430 : i32 to vector<16xi32>
        tpu.vector_store_idx %arg11[%add3A_257, %broadcast_in_dim3A_431], %gather3A_429 : memref<32x128xf32, #tpu.memory_space<vmem>>[vector<16xi32>, vector<16xi32>], vector<16xf32>,
        %broadcast_in_dim3A_432 = arith.constant 35 : i32
        %broadcast_in_dim3A_433 = vector.broadcast %broadcast_in_dim3A_432 : i32 to vector<16xi32>
        %gather3A_434 = tpu.vector_load_idx %arg9[%broadcast_in_dim3A_433, %select_n3A_249] : memref<64x512xf32, #tpu.memory_space<vmem>>[vector<16xi32>, vector<16xi32>], vector<16xf32>,
        %broadcast_in_dim3A_435 = arith.constant 35 : i32
        %broadcast_in_dim3A_436 = vector.broadcast %broadcast_in_dim3A_435 : i32 to vector<16xi32>
        tpu.vector_store_idx %arg11[%add3A_257, %broadcast_in_dim3A_436], %gather3A_434 : memref<32x128xf32, #tpu.memory_space<vmem>>[vector<16xi32>, vector<16xi32>], vector<16xf32>,
        %broadcast_in_dim3A_437 = arith.constant 36 : i32
        %broadcast_in_dim3A_438 = vector.broadcast %broadcast_in_dim3A_437 : i32 to vector<16xi32>
        %gather3A_439 = tpu.vector_load_idx %arg9[%broadcast_in_dim3A_438, %select_n3A_249] : memref<64x512xf32, #tpu.memory_space<vmem>>[vector<16xi32>, vector<16xi32>], vector<16xf32>,
        %broadcast_in_dim3A_440 = arith.constant 36 : i32
        %broadcast_in_dim3A_441 = vector.broadcast %broadcast_in_dim3A_440 : i32 to vector<16xi32>
        tpu.vector_store_idx %arg11[%add3A_257, %broadcast_in_dim3A_441], %gather3A_439 : memref<32x128xf32, #tpu.memory_space<vmem>>[vector<16xi32>, vector<16xi32>], vector<16xf32>,
        %broadcast_in_dim3A_442 = arith.constant 37 : i32
        %broadcast_in_dim3A_443 = vector.broadcast %broadcast_in_dim3A_442 : i32 to vector<16xi32>
        %gather3A_444 = tpu.vector_load_idx %arg9[%broadcast_in_dim3A_443, %select_n3A_249] : memref<64x512xf32, #tpu.memory_space<vmem>>[vector<16xi32>, vector<16xi32>], vector<16xf32>,
        %broadcast_in_dim3A_445 = arith.constant 37 : i32
        %broadcast_in_dim3A_446 = vector.broadcast %broadcast_in_dim3A_445 : i32 to vector<16xi32>
        tpu.vector_store_idx %arg11[%add3A_257, %broadcast_in_dim3A_446], %gather3A_444 : memref<32x128xf32, #tpu.memory_space<vmem>>[vector<16xi32>, vector<16xi32>], vector<16xf32>,
        %broadcast_in_dim3A_447 = arith.constant 38 : i32
        %broadcast_in_dim3A_448 = vector.broadcast %broadcast_in_dim3A_447 : i32 to vector<16xi32>
        %gather3A_449 = tpu.vector_load_idx %arg9[%broadcast_in_dim3A_448, %select_n3A_249] : memref<64x512xf32, #tpu.memory_space<vmem>>[vector<16xi32>, vector<16xi32>], vector<16xf32>,
        %broadcast_in_dim3A_450 = arith.constant 38 : i32
        %broadcast_in_dim3A_451 = vector.broadcast %broadcast_in_dim3A_450 : i32 to vector<16xi32>
        tpu.vector_store_idx %arg11[%add3A_257, %broadcast_in_dim3A_451], %gather3A_449 : memref<32x128xf32, #tpu.memory_space<vmem>>[vector<16xi32>, vector<16xi32>], vector<16xf32>,
        %broadcast_in_dim3A_452 = arith.constant 39 : i32
        %broadcast_in_dim3A_453 = vector.broadcast %broadcast_in_dim3A_452 : i32 to vector<16xi32>
        %gather3A_454 = tpu.vector_load_idx %arg9[%broadcast_in_dim3A_453, %select_n3A_249] : memref<64x512xf32, #tpu.memory_space<vmem>>[vector<16xi32>, vector<16xi32>], vector<16xf32>,
        %broadcast_in_dim3A_455 = arith.constant 39 : i32
        %broadcast_in_dim3A_456 = vector.broadcast %broadcast_in_dim3A_455 : i32 to vector<16xi32>
        tpu.vector_store_idx %arg11[%add3A_257, %broadcast_in_dim3A_456], %gather3A_454 : memref<32x128xf32, #tpu.memory_space<vmem>>[vector<16xi32>, vector<16xi32>], vector<16xf32>,
        %broadcast_in_dim3A_457 = arith.constant 40 : i32
        %broadcast_in_dim3A_458 = vector.broadcast %broadcast_in_dim3A_457 : i32 to vector<16xi32>
        %gather3A_459 = tpu.vector_load_idx %arg9[%broadcast_in_dim3A_458, %select_n3A_249] : memref<64x512xf32, #tpu.memory_space<vmem>>[vector<16xi32>, vector<16xi32>], vector<16xf32>,
        %broadcast_in_dim3A_460 = arith.constant 40 : i32
        %broadcast_in_dim3A_461 = vector.broadcast %broadcast_in_dim3A_460 : i32 to vector<16xi32>
        tpu.vector_store_idx %arg11[%add3A_257, %broadcast_in_dim3A_461], %gather3A_459 : memref<32x128xf32, #tpu.memory_space<vmem>>[vector<16xi32>, vector<16xi32>], vector<16xf32>,
        %broadcast_in_dim3A_462 = arith.constant 41 : i32
        %broadcast_in_dim3A_463 = vector.broadcast %broadcast_in_dim3A_462 : i32 to vector<16xi32>
        %gather3A_464 = tpu.vector_load_idx %arg9[%broadcast_in_dim3A_463, %select_n3A_249] : memref<64x512xf32, #tpu.memory_space<vmem>>[vector<16xi32>, vector<16xi32>], vector<16xf32>,
        %broadcast_in_dim3A_465 = arith.constant 41 : i32
        %broadcast_in_dim3A_466 = vector.broadcast %broadcast_in_dim3A_465 : i32 to vector<16xi32>
        tpu.vector_store_idx %arg11[%add3A_257, %broadcast_in_dim3A_466], %gather3A_464 : memref<32x128xf32, #tpu.memory_space<vmem>>[vector<16xi32>, vector<16xi32>], vector<16xf32>,
        %broadcast_in_dim3A_467 = arith.constant 42 : i32
        %broadcast_in_dim3A_468 = vector.broadcast %broadcast_in_dim3A_467 : i32 to vector<16xi32>
        %gather3A_469 = tpu.vector_load_idx %arg9[%broadcast_in_dim3A_468, %select_n3A_249] : memref<64x512xf32, #tpu.memory_space<vmem>>[vector<16xi32>, vector<16xi32>], vector<16xf32>,
        %broadcast_in_dim3A_470 = arith.constant 42 : i32
        %broadcast_in_dim3A_471 = vector.broadcast %broadcast_in_dim3A_470 : i32 to vector<16xi32>
        tpu.vector_store_idx %arg11[%add3A_257, %broadcast_in_dim3A_471], %gather3A_469 : memref<32x128xf32, #tpu.memory_space<vmem>>[vector<16xi32>, vector<16xi32>], vector<16xf32>,
        %broadcast_in_dim3A_472 = arith.constant 43 : i32
        %broadcast_in_dim3A_473 = vector.broadcast %broadcast_in_dim3A_472 : i32 to vector<16xi32>
        %gather3A_474 = tpu.vector_load_idx %arg9[%broadcast_in_dim3A_473, %select_n3A_249] : memref<64x512xf32, #tpu.memory_space<vmem>>[vector<16xi32>, vector<16xi32>], vector<16xf32>,
        %broadcast_in_dim3A_475 = arith.constant 43 : i32
        %broadcast_in_dim3A_476 = vector.broadcast %broadcast_in_dim3A_475 : i32 to vector<16xi32>
        tpu.vector_store_idx %arg11[%add3A_257, %broadcast_in_dim3A_476], %gather3A_474 : memref<32x128xf32, #tpu.memory_space<vmem>>[vector<16xi32>, vector<16xi32>], vector<16xf32>,
        %broadcast_in_dim3A_477 = arith.constant 44 : i32
        %broadcast_in_dim3A_478 = vector.broadcast %broadcast_in_dim3A_477 : i32 to vector<16xi32>
        %gather3A_479 = tpu.vector_load_idx %arg9[%broadcast_in_dim3A_478, %select_n3A_249] : memref<64x512xf32, #tpu.memory_space<vmem>>[vector<16xi32>, vector<16xi32>], vector<16xf32>,
        %broadcast_in_dim3A_480 = arith.constant 44 : i32
        %broadcast_in_dim3A_481 = vector.broadcast %broadcast_in_dim3A_480 : i32 to vector<16xi32>
        tpu.vector_store_idx %arg11[%add3A_257, %broadcast_in_dim3A_481], %gather3A_479 : memref<32x128xf32, #tpu.memory_space<vmem>>[vector<16xi32>, vector<16xi32>], vector<16xf32>,
        %broadcast_in_dim3A_482 = arith.constant 45 : i32
        %broadcast_in_dim3A_483 = vector.broadcast %broadcast_in_dim3A_482 : i32 to vector<16xi32>
        %gather3A_484 = tpu.vector_load_idx %arg9[%broadcast_in_dim3A_483, %select_n3A_249] : memref<64x512xf32, #tpu.memory_space<vmem>>[vector<16xi32>, vector<16xi32>], vector<16xf32>,
        %broadcast_in_dim3A_485 = arith.constant 45 : i32
        %broadcast_in_dim3A_486 = vector.broadcast %broadcast_in_dim3A_485 : i32 to vector<16xi32>
        tpu.vector_store_idx %arg11[%add3A_257, %broadcast_in_dim3A_486], %gather3A_484 : memref<32x128xf32, #tpu.memory_space<vmem>>[vector<16xi32>, vector<16xi32>], vector<16xf32>,
        %broadcast_in_dim3A_487 = arith.constant 46 : i32
        %broadcast_in_dim3A_488 = vector.broadcast %broadcast_in_dim3A_487 : i32 to vector<16xi32>
        %gather3A_489 = tpu.vector_load_idx %arg9[%broadcast_in_dim3A_488, %select_n3A_249] : memref<64x512xf32, #tpu.memory_space<vmem>>[vector<16xi32>, vector<16xi32>], vector<16xf32>,
        %broadcast_in_dim3A_490 = arith.constant 46 : i32
        %broadcast_in_dim3A_491 = vector.broadcast %broadcast_in_dim3A_490 : i32 to vector<16xi32>
        tpu.vector_store_idx %arg11[%add3A_257, %broadcast_in_dim3A_491], %gather3A_489 : memref<32x128xf32, #tpu.memory_space<vmem>>[vector<16xi32>, vector<16xi32>], vector<16xf32>,
        %broadcast_in_dim3A_492 = arith.constant 47 : i32
        %broadcast_in_dim3A_493 = vector.broadcast %broadcast_in_dim3A_492 : i32 to vector<16xi32>
        %gather3A_494 = tpu.vector_load_idx %arg9[%broadcast_in_dim3A_493, %select_n3A_249] : memref<64x512xf32, #tpu.memory_space<vmem>>[vector<16xi32>, vector<16xi32>], vector<16xf32>,
        %broadcast_in_dim3A_495 = arith.constant 47 : i32
        %broadcast_in_dim3A_496 = vector.broadcast %broadcast_in_dim3A_495 : i32 to vector<16xi32>
        tpu.vector_store_idx %arg11[%add3A_257, %broadcast_in_dim3A_496], %gather3A_494 : memref<32x128xf32, #tpu.memory_space<vmem>>[vector<16xi32>, vector<16xi32>], vector<16xf32>,
        %broadcast_in_dim3A_497 = arith.constant 48 : i32
        %broadcast_in_dim3A_498 = vector.broadcast %broadcast_in_dim3A_497 : i32 to vector<16xi32>
        %gather3A_499 = tpu.vector_load_idx %arg9[%broadcast_in_dim3A_498, %select_n3A_249] : memref<64x512xf32, #tpu.memory_space<vmem>>[vector<16xi32>, vector<16xi32>], vector<16xf32>,
        %broadcast_in_dim3A_500 = arith.constant 48 : i32
        %broadcast_in_dim3A_501 = vector.broadcast %broadcast_in_dim3A_500 : i32 to vector<16xi32>
        tpu.vector_store_idx %arg11[%add3A_257, %broadcast_in_dim3A_501], %gather3A_499 : memref<32x128xf32, #tpu.memory_space<vmem>>[vector<16xi32>, vector<16xi32>], vector<16xf32>,
        %broadcast_in_dim3A_502 = arith.constant 49 : i32
        %broadcast_in_dim3A_503 = vector.broadcast %broadcast_in_dim3A_502 : i32 to vector<16xi32>
        %gather3A_504 = tpu.vector_load_idx %arg9[%broadcast_in_dim3A_503, %select_n3A_249] : memref<64x512xf32, #tpu.memory_space<vmem>>[vector<16xi32>, vector<16xi32>], vector<16xf32>,
        %broadcast_in_dim3A_505 = arith.constant 49 : i32
        %broadcast_in_dim3A_506 = vector.broadcast %broadcast_in_dim3A_505 : i32 to vector<16xi32>
        tpu.vector_store_idx %arg11[%add3A_257, %broadcast_in_dim3A_506], %gather3A_504 : memref<32x128xf32, #tpu.memory_space<vmem>>[vector<16xi32>, vector<16xi32>], vector<16xf32>,
        %broadcast_in_dim3A_507 = arith.constant 50 : i32
        %broadcast_in_dim3A_508 = vector.broadcast %broadcast_in_dim3A_507 : i32 to vector<16xi32>
        %gather3A_509 = tpu.vector_load_idx %arg9[%broadcast_in_dim3A_508, %select_n3A_249] : memref<64x512xf32, #tpu.memory_space<vmem>>[vector<16xi32>, vector<16xi32>], vector<16xf32>,
        %broadcast_in_dim3A_510 = arith.constant 50 : i32
        %broadcast_in_dim3A_511 = vector.broadcast %broadcast_in_dim3A_510 : i32 to vector<16xi32>
        tpu.vector_store_idx %arg11[%add3A_257, %broadcast_in_dim3A_511], %gather3A_509 : memref<32x128xf32, #tpu.memory_space<vmem>>[vector<16xi32>, vector<16xi32>], vector<16xf32>,
        %broadcast_in_dim3A_512 = arith.constant 51 : i32
        %broadcast_in_dim3A_513 = vector.broadcast %broadcast_in_dim3A_512 : i32 to vector<16xi32>
        %gather3A_514 = tpu.vector_load_idx %arg9[%broadcast_in_dim3A_513, %select_n3A_249] : memref<64x512xf32, #tpu.memory_space<vmem>>[vector<16xi32>, vector<16xi32>], vector<16xf32>,
        %broadcast_in_dim3A_515 = arith.constant 51 : i32
        %broadcast_in_dim3A_516 = vector.broadcast %broadcast_in_dim3A_515 : i32 to vector<16xi32>
        tpu.vector_store_idx %arg11[%add3A_257, %broadcast_in_dim3A_516], %gather3A_514 : memref<32x128xf32, #tpu.memory_space<vmem>>[vector<16xi32>, vector<16xi32>], vector<16xf32>,
        %broadcast_in_dim3A_517 = arith.constant 52 : i32
        %broadcast_in_dim3A_518 = vector.broadcast %broadcast_in_dim3A_517 : i32 to vector<16xi32>
        %gather3A_519 = tpu.vector_load_idx %arg9[%broadcast_in_dim3A_518, %select_n3A_249] : memref<64x512xf32, #tpu.memory_space<vmem>>[vector<16xi32>, vector<16xi32>], vector<16xf32>,
        %broadcast_in_dim3A_520 = arith.constant 52 : i32
        %broadcast_in_dim3A_521 = vector.broadcast %broadcast_in_dim3A_520 : i32 to vector<16xi32>
        tpu.vector_store_idx %arg11[%add3A_257, %broadcast_in_dim3A_521], %gather3A_519 : memref<32x128xf32, #tpu.memory_space<vmem>>[vector<16xi32>, vector<16xi32>], vector<16xf32>,
        %broadcast_in_dim3A_522 = arith.constant 53 : i32
        %broadcast_in_dim3A_523 = vector.broadcast %broadcast_in_dim3A_522 : i32 to vector<16xi32>
        %gather3A_524 = tpu.vector_load_idx %arg9[%broadcast_in_dim3A_523, %select_n3A_249] : memref<64x512xf32, #tpu.memory_space<vmem>>[vector<16xi32>, vector<16xi32>], vector<16xf32>,
        %broadcast_in_dim3A_525 = arith.constant 53 : i32
        %broadcast_in_dim3A_526 = vector.broadcast %broadcast_in_dim3A_525 : i32 to vector<16xi32>
        tpu.vector_store_idx %arg11[%add3A_257, %broadcast_in_dim3A_526], %gather3A_524 : memref<32x128xf32, #tpu.memory_space<vmem>>[vector<16xi32>, vector<16xi32>], vector<16xf32>,
        %broadcast_in_dim3A_527 = arith.constant 54 : i32
        %broadcast_in_dim3A_528 = vector.broadcast %broadcast_in_dim3A_527 : i32 to vector<16xi32>
        %gather3A_529 = tpu.vector_load_idx %arg9[%broadcast_in_dim3A_528, %select_n3A_249] : memref<64x512xf32, #tpu.memory_space<vmem>>[vector<16xi32>, vector<16xi32>], vector<16xf32>,
        %broadcast_in_dim3A_530 = arith.constant 54 : i32
        %broadcast_in_dim3A_531 = vector.broadcast %broadcast_in_dim3A_530 : i32 to vector<16xi32>
        tpu.vector_store_idx %arg11[%add3A_257, %broadcast_in_dim3A_531], %gather3A_529 : memref<32x128xf32, #tpu.memory_space<vmem>>[vector<16xi32>, vector<16xi32>], vector<16xf32>,
        %broadcast_in_dim3A_532 = arith.constant 55 : i32
        %broadcast_in_dim3A_533 = vector.broadcast %broadcast_in_dim3A_532 : i32 to vector<16xi32>
        %gather3A_534 = tpu.vector_load_idx %arg9[%broadcast_in_dim3A_533, %select_n3A_249] : memref<64x512xf32, #tpu.memory_space<vmem>>[vector<16xi32>, vector<16xi32>], vector<16xf32>,
        %broadcast_in_dim3A_535 = arith.constant 55 : i32
        %broadcast_in_dim3A_536 = vector.broadcast %broadcast_in_dim3A_535 : i32 to vector<16xi32>
        tpu.vector_store_idx %arg11[%add3A_257, %broadcast_in_dim3A_536], %gather3A_534 : memref<32x128xf32, #tpu.memory_space<vmem>>[vector<16xi32>, vector<16xi32>], vector<16xf32>,
        %broadcast_in_dim3A_537 = arith.constant 56 : i32
        %broadcast_in_dim3A_538 = vector.broadcast %broadcast_in_dim3A_537 : i32 to vector<16xi32>
        %gather3A_539 = tpu.vector_load_idx %arg9[%broadcast_in_dim3A_538, %select_n3A_249] : memref<64x512xf32, #tpu.memory_space<vmem>>[vector<16xi32>, vector<16xi32>], vector<16xf32>,
        %broadcast_in_dim3A_540 = arith.constant 56 : i32
        %broadcast_in_dim3A_541 = vector.broadcast %broadcast_in_dim3A_540 : i32 to vector<16xi32>
        tpu.vector_store_idx %arg11[%add3A_257, %broadcast_in_dim3A_541], %gather3A_539 : memref<32x128xf32, #tpu.memory_space<vmem>>[vector<16xi32>, vector<16xi32>], vector<16xf32>,
        %broadcast_in_dim3A_542 = arith.constant 57 : i32
        %broadcast_in_dim3A_543 = vector.broadcast %broadcast_in_dim3A_542 : i32 to vector<16xi32>
        %gather3A_544 = tpu.vector_load_idx %arg9[%broadcast_in_dim3A_543, %select_n3A_249] : memref<64x512xf32, #tpu.memory_space<vmem>>[vector<16xi32>, vector<16xi32>], vector<16xf32>,
        %broadcast_in_dim3A_545 = arith.constant 57 : i32
        %broadcast_in_dim3A_546 = vector.broadcast %broadcast_in_dim3A_545 : i32 to vector<16xi32>
        tpu.vector_store_idx %arg11[%add3A_257, %broadcast_in_dim3A_546], %gather3A_544 : memref<32x128xf32, #tpu.memory_space<vmem>>[vector<16xi32>, vector<16xi32>], vector<16xf32>,
        %broadcast_in_dim3A_547 = arith.constant 58 : i32
        %broadcast_in_dim3A_548 = vector.broadcast %broadcast_in_dim3A_547 : i32 to vector<16xi32>
        %gather3A_549 = tpu.vector_load_idx %arg9[%broadcast_in_dim3A_548, %select_n3A_249] : memref<64x512xf32, #tpu.memory_space<vmem>>[vector<16xi32>, vector<16xi32>], vector<16xf32>,
        %broadcast_in_dim3A_550 = arith.constant 58 : i32
        %broadcast_in_dim3A_551 = vector.broadcast %broadcast_in_dim3A_550 : i32 to vector<16xi32>
        tpu.vector_store_idx %arg11[%add3A_257, %broadcast_in_dim3A_551], %gather3A_549 : memref<32x128xf32, #tpu.memory_space<vmem>>[vector<16xi32>, vector<16xi32>], vector<16xf32>,
        %broadcast_in_dim3A_552 = arith.constant 59 : i32
        %broadcast_in_dim3A_553 = vector.broadcast %broadcast_in_dim3A_552 : i32 to vector<16xi32>
        %gather3A_554 = tpu.vector_load_idx %arg9[%broadcast_in_dim3A_553, %select_n3A_249] : memref<64x512xf32, #tpu.memory_space<vmem>>[vector<16xi32>, vector<16xi32>], vector<16xf32>,
        %broadcast_in_dim3A_555 = arith.constant 59 : i32
        %broadcast_in_dim3A_556 = vector.broadcast %broadcast_in_dim3A_555 : i32 to vector<16xi32>
        tpu.vector_store_idx %arg11[%add3A_257, %broadcast_in_dim3A_556], %gather3A_554 : memref<32x128xf32, #tpu.memory_space<vmem>>[vector<16xi32>, vector<16xi32>], vector<16xf32>,
        %broadcast_in_dim3A_557 = arith.constant 60 : i32
        %broadcast_in_dim3A_558 = vector.broadcast %broadcast_in_dim3A_557 : i32 to vector<16xi32>
        %gather3A_559 = tpu.vector_load_idx %arg9[%broadcast_in_dim3A_558, %select_n3A_249] : memref<64x512xf32, #tpu.memory_space<vmem>>[vector<16xi32>, vector<16xi32>], vector<16xf32>,
        %broadcast_in_dim3A_560 = arith.constant 60 : i32
        %broadcast_in_dim3A_561 = vector.broadcast %broadcast_in_dim3A_560 : i32 to vector<16xi32>
        tpu.vector_store_idx %arg11[%add3A_257, %broadcast_in_dim3A_561], %gather3A_559 : memref<32x128xf32, #tpu.memory_space<vmem>>[vector<16xi32>, vector<16xi32>], vector<16xf32>,
        %broadcast_in_dim3A_562 = arith.constant 61 : i32
        %broadcast_in_dim3A_563 = vector.broadcast %broadcast_in_dim3A_562 : i32 to vector<16xi32>
        %gather3A_564 = tpu.vector_load_idx %arg9[%broadcast_in_dim3A_563, %select_n3A_249] : memref<64x512xf32, #tpu.memory_space<vmem>>[vector<16xi32>, vector<16xi32>], vector<16xf32>,
        %broadcast_in_dim3A_565 = arith.constant 61 : i32
        %broadcast_in_dim3A_566 = vector.broadcast %broadcast_in_dim3A_565 : i32 to vector<16xi32>
        tpu.vector_store_idx %arg11[%add3A_257, %broadcast_in_dim3A_566], %gather3A_564 : memref<32x128xf32, #tpu.memory_space<vmem>>[vector<16xi32>, vector<16xi32>], vector<16xf32>,
        %broadcast_in_dim3A_567 = arith.constant 62 : i32
        %broadcast_in_dim3A_568 = vector.broadcast %broadcast_in_dim3A_567 : i32 to vector<16xi32>
        %gather3A_569 = tpu.vector_load_idx %arg9[%broadcast_in_dim3A_568, %select_n3A_249] : memref<64x512xf32, #tpu.memory_space<vmem>>[vector<16xi32>, vector<16xi32>], vector<16xf32>,
        %broadcast_in_dim3A_570 = arith.constant 62 : i32
        %broadcast_in_dim3A_571 = vector.broadcast %broadcast_in_dim3A_570 : i32 to vector<16xi32>
        tpu.vector_store_idx %arg11[%add3A_257, %broadcast_in_dim3A_571], %gather3A_569 : memref<32x128xf32, #tpu.memory_space<vmem>>[vector<16xi32>, vector<16xi32>], vector<16xf32>,
        %broadcast_in_dim3A_572 = arith.constant 63 : i32
        %broadcast_in_dim3A_573 = vector.broadcast %broadcast_in_dim3A_572 : i32 to vector<16xi32>
        %gather3A_574 = tpu.vector_load_idx %arg9[%broadcast_in_dim3A_573, %select_n3A_249] : memref<64x512xf32, #tpu.memory_space<vmem>>[vector<16xi32>, vector<16xi32>], vector<16xf32>,
        %broadcast_in_dim3A_575 = arith.constant 63 : i32
        %broadcast_in_dim3A_576 = vector.broadcast %broadcast_in_dim3A_575 : i32 to vector<16xi32>
        tpu.vector_store_idx %arg11[%add3A_257, %broadcast_in_dim3A_576], %gather3A_574 : memref<32x128xf32, #tpu.memory_space<vmem>>[vector<16xi32>, vector<16xi32>], vector<16xf32>,
        %swap3A = arith.index_cast %select_n3A_230 : i32 to index
        %swap3A_577 = arith.constant 0 : index
        %swap3A_578 = tpu.vector_load %arg12[%swap3A, %swap3A_577] {strides = array<i32>} : memref<2x16xi32, #tpu.memory_space<vmem>>, vector<16xi32>,
        tpu.vector_store %arg12[%swap3A, %swap3A_577], %select_n3A_253 {strides = array<i32>} : memref<2x16xi32, #tpu.memory_space<vmem>>, vector<16xi32>,
        %mul3A_579 = arith.constant 16 : i32
        %mul3A_580 = arith.muli %select_n3A_230, %mul3A_579 : i32
        %dma_start3A_581 = arith.constant 0 : i32
        %dma_start3A_582 = tpu.memref_slice %arg11[%mul3A_580, %dma_start3A_581] : memref<32x128xf32, #tpu.memory_space<vmem>> -> memref<16x128xf32, #tpu.memory_space<vmem>>
        %dma_start3A_583 = arith.constant 0 : i32
        %dma_start3A_584 = tpu.memref_slice %arg12[%select_n3A_230, %dma_start3A_583] : memref<2x16xi32, #tpu.memory_space<vmem>> -> memref<1x16xi32, #tpu.memory_space<vmem>>
        %dma_start3A_585 = tpu.memref_squeeze %dma_start3A_584 : memref<1x16xi32, #tpu.memory_space<vmem>> -> memref<16xi32, #tpu.memory_space<vmem>>
        %dma_start3A_586 = arith.constant 0 : i32
        %dma_start3A_587 = arith.constant 0 : i32
        %dma_start3A_588 = tpu.memref_slice %arg4[%dma_start3A_586, %dma_start3A_587] : memref<8192x128xf32, #tpu.memory_space<hbm>> -> memref<8192x128xf32, #tpu.memory_space<hbm>>
        tpu.enqueue_indirect_dma source(%dma_start3A_582 : memref<16x128xf32, #tpu.memory_space<vmem>>) target(%dma_start3A_588 : memref<8192x128xf32, #tpu.memory_space<hbm>>) offsets(%dma_start3A_585 : memref<16xi32, #tpu.memory_space<vmem>>) semaphore(%arg15 : memref<!tpu.dma_semaphore, #tpu.memory_space<semaphore_mem>>)
        %add3A_589 = arith.constant 1 : i32
        %add3A_590 = arith.addi %while3A_215, %add3A_589 : i32
        scf.yield %add3A_590 : i32
      }
      %mul3A_131 = arith.constant 2 : i32
      %mul3A_132 = arith.muli %mul3A_131, %scan3A_64 : i32
      %add3A_133 = arith.constant 2 : i32
      %add3A_134 = arith.addi %mul3A_132, %add3A_133 : i32
      %lt3A = arith.constant 62 : i32
      %lt3A_135 = arith.cmpi slt, %add3A_134, %lt3A : i32
      %convert_element_type3A = arith.extui %lt3A_135 : i1 to i32
      %cond3A = arith.constant 0 : i32
      %cond3A_136 = arith.cmpi ne, %convert_element_type3A, %cond3A : i32
      scf.if %cond3A_136 {
        %mul3A_214 = arith.constant 2 : i32
        %mul3A_215 = arith.muli %mul3A_214, %scan3A_64 : i32
        %add3A_216 = arith.constant 2 : i32
        %add3A_217 = arith.addi %mul3A_215, %add3A_216 : i32
        %mul3A_218 = arith.constant 32 : i32
        %mul3A_219 = arith.muli %mul3A_218, %add3A_217 : i32
        %add3A_220 = arith.addi %add3A, %mul3A_219 : i32
        %mul3A_221 = arith.constant 512 : i32
        %mul3A_222 = arith.muli %add3A_220, %mul3A_221 : i32
        %min3A_223 = arith.constant 999552 : i32
        %min3A_224 = arith.minsi %mul3A_222, %min3A_223 : i32
        %multiple_of3A_225 = tpu.assume_multiple %min3A_224, 128 : i32
        %dma_start3A_226 = arith.constant 0 : i32
        %dma_start3A_227 = tpu.memref_slice %arg2[%dma_start3A_226, %multiple_of3A_225] : memref<64x1000000xf32, #tpu.memory_space<hbm>> -> memref<64x512xf32, #tpu.memory_space<hbm>>
        %dma_start3A_228 = arith.constant 0 : i32
        %dma_start3A_229 = tpu.memref_slice %arg2[%dma_start3A_228, %multiple_of3A_225] : memref<64x1000000xf32, #tpu.memory_space<hbm>> -> memref<64x512xf32, #tpu.memory_space<hbm>>
        tpu.enqueue_dma source(%dma_start3A_229 : memref<64x512xf32, #tpu.memory_space<hbm>>) target(%arg9 : memref<64x512xf32, #tpu.memory_space<vmem>>) target_semaphore(%arg13 : memref<!tpu.dma_semaphore, #tpu.memory_space<semaphore_mem>>)
      } else {
      }
      %mul3A_137 = arith.constant 2 : i32
      %mul3A_138 = arith.muli %mul3A_137, %scan3A_64 : i32
      %add3A_139 = arith.constant 1 : i32
      %add3A_140 = arith.addi %mul3A_138, %add3A_139 : i32
      %dma_wait3A_141 = arith.constant 0 : i32
      %dma_wait3A_142 = arith.constant 0 : i32
      %dma_wait3A_143 = tpu.memref_slice %arg2[%dma_wait3A_141, %dma_wait3A_142] : memref<64x1000000xf32, #tpu.memory_space<hbm>> -> memref<64x512xf32, #tpu.memory_space<hbm>>
      %dma_wait3A_144 = arith.constant 0 : i32
      %dma_wait3A_145 = arith.constant 0 : i32
      %dma_wait3A_146 = tpu.memref_slice %arg2[%dma_wait3A_144, %dma_wait3A_145] : memref<64x1000000xf32, #tpu.memory_space<hbm>> -> memref<64x512xf32, #tpu.memory_space<hbm>>
      tpu.wait_dma2 semaphore(%arg14 : memref<!tpu.dma_semaphore, #tpu.memory_space<semaphore_mem>>) src(%dma_wait3A_146 : memref<64x512xf32, #tpu.memory_space<hbm>>) dst(%arg10 : memref<64x512xf32, #tpu.memory_space<vmem>>)
      %mul3A_147 = arith.constant 32 : i32
      %mul3A_148 = arith.muli %mul3A_147, %add3A_140 : i32
      %add3A_149 = arith.addi %add3A, %mul3A_148 : i32
      %mul3A_150 = arith.constant 512 : i32
      %mul3A_151 = arith.muli %add3A_149, %mul3A_150 : i32
      %min3A_152 = arith.constant 999552 : i32
      %min3A_153 = arith.minsi %mul3A_151, %min3A_152 : i32
      %while3A_154 = arith.constant 0 : i32
      %while3A_155 = arith.constant 0 : i32
      %while3A_156 = arith.subi %select_n3A, %while3A_154 : i32
      %while3A_157 = arith.addi %while3A_154, %while3A_156 : i32
      %while3A_158 = arith.constant 1 : i32
      %while3A_159 = arith.divsi %while3A_156, %while3A_158 : i32
      %while3A_160 = arith.muli %while3A_159, %while3A_158 : i32
      %while3A_161 = arith.addi %while3A_154, %while3A_160 : i32
      %while3A_162 = arith.constant 1 : i32
      %while3A_163 = scf.for %while3A_214 = %while3A_154 to %while3A_161 step %while3A_162 iter_args(%while3A_215 = %while3A_155) -> (i32)  : i32 {
        %mul3A_216 = arith.constant 16 : i32
        %mul3A_217 = arith.muli %while3A_214, %mul3A_216 : i32
        %add3A_218 = vector.broadcast %mul3A_217 : i32 to vector<16xi32>
        %add3A_219 = arith.addi %add3A_218, %iota3A : vector<16xi32>
        %lt3A_220 = vector.broadcast %scan3A_24 : i32 to vector<16xi32>
        %lt3A_221 = arith.cmpi slt, %add3A_219, %lt3A_220 : vector<16xi32>
        %mul3A_222 = arith.constant 16 : i32
        %mul3A_223 = arith.muli %while3A_214, %mul3A_222 : i32
        %get3A = arith.index_cast %mul3A_223 : i32 to index
        %get3A_224 = tpu.vector_load %arg6[%get3A] {strides = array<i32>} : memref<8192xi32, #tpu.memory_space<vmem>>, vector<16xi32>,
        %mul3A_225 = arith.constant 16 : i32
        %mul3A_226 = arith.muli %while3A_214, %mul3A_225 : i32
        %get3A_227 = arith.index_cast %mul3A_226 : i32 to index
        %get3A_228 = tpu.vector_load %arg7[%get3A_227] {strides = array<i32>} : memref<8192xi32, #tpu.memory_space<vmem>>, vector<16xi32>,
        %shift_right_arithmetic3A = arith.constant 9 : i32
        %shift_right_arithmetic3A_229 = vector.broadcast %shift_right_arithmetic3A : i32 to vector<16xi32>
        %shift_right_arithmetic3A_230 = arith.shrsi %get3A_224, %shift_right_arithmetic3A_229 : vector<16xi32>
        %eq3A = vector.broadcast %add3A_149 : i32 to vector<16xi32>
        %eq3A_231 = arith.cmpi eq, %shift_right_arithmetic3A_230, %eq3A : vector<16xi32>
        %and3A_232 = arith.andi %lt3A_221, %eq3A_231 : vector<16xi1>
        %sub3A_233 = vector.broadcast %min3A_153 : i32 to vector<16xi32>
        %sub3A_234 = arith.subi %get3A_224, %sub3A_233 : vector<16xi32>
        %shift_left3A = arith.constant 10 : i32
        %shift_left3A_235 = vector.broadcast %shift_left3A : i32 to vector<16xi32>
        %shift_left3A_236 = arith.shli %get3A_228, %shift_left3A_235 : vector<16xi32>
        %or3A = arith.ori %sub3A_234, %shift_left3A_236 : vector<16xi32>
        %swap3A = arith.index_cast %while3A_215 : i32 to index
        %swap3A_237 = tpu.vector_load %arg8[%swap3A] masked %and3A_232 {strides = array<i32>} : memref<8192xi32, #tpu.memory_space<vmem>>, vector<16xi32>, vector<16xi1>
        tpu.vector_store %arg8[%swap3A], %or3A masked %and3A_232 {strides = array<i32>} : memref<8192xi32, #tpu.memory_space<vmem>>, vector<16xi32>, vector<16xi1>
        %all_reduce_population_count3A = tpu.all_reduce %and3A_232 {dim = 0 : i64, kind = #tpu.reduction_kind<sum>} : vector<16xi1> -> vector<16xi32>
        %slice3A = vector.extract_strided_slice %all_reduce_population_count3A {offsets = [0], sizes = [1], strides = [1]} : vector<16xi32> to vector<1xi32>
        %squeeze3A = vector.extract %slice3A[0] : i32 from vector<1xi32>
        %add3A_238 = arith.addi %while3A_215, %squeeze3A : i32
        scf.yield %add3A_238 : i32
      }
      %while3A_164 = arith.constant 1 : i32
      %while3A_165 = scf.for %while3A_214 = %while3A_161 to %while3A_157 step %while3A_164 iter_args(%while3A_215 = %while3A_163) -> (i32)  : i32 {
        %mul3A_216 = arith.constant 16 : i32
        %mul3A_217 = arith.muli %while3A_214, %mul3A_216 : i32
        %add3A_218 = vector.broadcast %mul3A_217 : i32 to vector<16xi32>
        %add3A_219 = arith.addi %add3A_218, %iota3A : vector<16xi32>
        %lt3A_220 = vector.broadcast %scan3A_24 : i32 to vector<16xi32>
        %lt3A_221 = arith.cmpi slt, %add3A_219, %lt3A_220 : vector<16xi32>
        %mul3A_222 = arith.constant 16 : i32
        %mul3A_223 = arith.muli %while3A_214, %mul3A_222 : i32
        %get3A = arith.index_cast %mul3A_223 : i32 to index
        %get3A_224 = tpu.vector_load %arg6[%get3A] {strides = array<i32>} : memref<8192xi32, #tpu.memory_space<vmem>>, vector<16xi32>,
        %mul3A_225 = arith.constant 16 : i32
        %mul3A_226 = arith.muli %while3A_214, %mul3A_225 : i32
        %get3A_227 = arith.index_cast %mul3A_226 : i32 to index
        %get3A_228 = tpu.vector_load %arg7[%get3A_227] {strides = array<i32>} : memref<8192xi32, #tpu.memory_space<vmem>>, vector<16xi32>,
        %shift_right_arithmetic3A = arith.constant 9 : i32
        %shift_right_arithmetic3A_229 = vector.broadcast %shift_right_arithmetic3A : i32 to vector<16xi32>
        %shift_right_arithmetic3A_230 = arith.shrsi %get3A_224, %shift_right_arithmetic3A_229 : vector<16xi32>
        %eq3A = vector.broadcast %add3A_149 : i32 to vector<16xi32>
        %eq3A_231 = arith.cmpi eq, %shift_right_arithmetic3A_230, %eq3A : vector<16xi32>
        %and3A_232 = arith.andi %lt3A_221, %eq3A_231 : vector<16xi1>
        %sub3A_233 = vector.broadcast %min3A_153 : i32 to vector<16xi32>
        %sub3A_234 = arith.subi %get3A_224, %sub3A_233 : vector<16xi32>
        %shift_left3A = arith.constant 10 : i32
        %shift_left3A_235 = vector.broadcast %shift_left3A : i32 to vector<16xi32>
        %shift_left3A_236 = arith.shli %get3A_228, %shift_left3A_235 : vector<16xi32>
        %or3A = arith.ori %sub3A_234, %shift_left3A_236 : vector<16xi32>
        %swap3A = arith.index_cast %while3A_215 : i32 to index
        %swap3A_237 = tpu.vector_load %arg8[%swap3A] masked %and3A_232 {strides = array<i32>} : memref<8192xi32, #tpu.memory_space<vmem>>, vector<16xi32>, vector<16xi1>
        tpu.vector_store %arg8[%swap3A], %or3A masked %and3A_232 {strides = array<i32>} : memref<8192xi32, #tpu.memory_space<vmem>>, vector<16xi32>, vector<16xi1>
        %all_reduce_population_count3A = tpu.all_reduce %and3A_232 {dim = 0 : i64, kind = #tpu.reduction_kind<sum>} : vector<16xi1> -> vector<16xi32>
        %slice3A = vector.extract_strided_slice %all_reduce_population_count3A {offsets = [0], sizes = [1], strides = [1]} : vector<16xi32> to vector<1xi32>
        %squeeze3A = vector.extract %slice3A[0] : i32 from vector<1xi32>
        %add3A_238 = arith.addi %while3A_215, %squeeze3A : i32
        scf.yield %add3A_238 : i32
      }
      %add3A_166 = arith.constant 16 : i32
      %add3A_167 = arith.addi %while3A_165, %add3A_166 : i32
      %sub3A_168 = arith.constant 1 : i32
      %sub3A_169 = arith.subi %add3A_167, %sub3A_168 : i32
      %jit3A_170 = arith.constant 16 : i32
      %div3A_171 = arith.divsi %sub3A_169, %jit3A_170 : i32
      %sign3A_172 = arith.constant 0 : i32
      %sign3A_173 = arith.cmpi sgt, %sub3A_169, %sign3A_172 : i32
      %sign3A_174 = arith.extui %sign3A_173 : i1 to i32
      %sign3A_175 = arith.constant 0 : i32
      %sign3A_176 = arith.cmpi slt, %sub3A_169, %sign3A_175 : i32
      %sign3A_177 = arith.extui %sign3A_176 : i1 to i32
      %sign3A_178 = arith.subi %sign3A_174, %sign3A_177 : i32
      %sign3A_179 = arith.constant 0 : i32
      %sign3A_180 = arith.cmpi sgt, %jit3A_170, %sign3A_179 : i32
      %sign3A_181 = arith.extui %sign3A_180 : i1 to i32
      %sign3A_182 = arith.constant 0 : i32
      %sign3A_183 = arith.cmpi slt, %jit3A_170, %sign3A_182 : i32
      %sign3A_184 = arith.extui %sign3A_183 : i1 to i32
      %sign3A_185 = arith.subi %sign3A_181, %sign3A_184 : i32
      %ne3A_186 = arith.cmpi ne, %sign3A_178, %sign3A_185 : i32
      %rem3A_187 = arith.remsi %sub3A_169, %jit3A_170 : i32
      %ne3A_188 = arith.constant 0 : i32
      %ne3A_189 = arith.cmpi ne, %rem3A_187, %ne3A_188 : i32
      %and3A_190 = arith.andi %ne3A_186, %ne3A_189 : i1
      %sub3A_191 = arith.constant 1 : i32
      %sub3A_192 = arith.subi %div3A_171, %sub3A_191 : i32
      %select_n3A_193 = arith.select %and3A_190, %sub3A_192, %div3A_171 : i32
      %while3A_194 = arith.constant 0 : i32
      %while3A_195 = arith.subi %select_n3A_193, %while3A_194 : i32
      %while3A_196 = arith.addi %while3A_194, %while3A_195 : i32
      %while3A_197 = arith.constant 1 : i32
      %while3A_198 = arith.divsi %while3A_195, %while3A_197 : i32
      %while3A_199 = arith.muli %while3A_198, %while3A_197 : i32
      %while3A_200 = arith.addi %while3A_194, %while3A_199 : i32
      %while3A_201 = arith.constant 1 : i32
      %while3A_202 = scf.for %while3A_214 = %while3A_194 to %while3A_200 step %while3A_201 iter_args(%while3A_215 = %while3A_130) -> (i32)  : i32 {
        %jit3A_216 = arith.constant 2 : i32
        %eq3A = arith.constant 0 : i32
        %eq3A_217 = arith.cmpi eq, %jit3A_216, %eq3A : i32
        %jit3A_218 = arith.constant 1 : i32
        %select_n3A_219 = arith.select %eq3A_217, %jit3A_218, %jit3A_216 : i32
        %rem3A_220 = arith.remsi %while3A_215, %select_n3A_219 : i32
        %ne3A_221 = arith.constant 0 : i32
        %ne3A_222 = arith.cmpi ne, %rem3A_220, %ne3A_221 : i32
        %lt3A_223 = arith.constant 0 : i32
        %lt3A_224 = arith.cmpi slt, %rem3A_220, %lt3A_223 : i32
        %lt3A_225 = arith.constant 0 : i32
        %lt3A_226 = arith.cmpi slt, %select_n3A_219, %lt3A_225 : i32
        %ne3A_227 = arith.xori %lt3A_224, %lt3A_226 : i1
        %and3A_228 = arith.andi %ne3A_227, %ne3A_222 : i1
        %add3A_229 = arith.addi %rem3A_220, %select_n3A_219 : i32
        %select_n3A_230 = arith.select %and3A_228, %add3A_229, %rem3A_220 : i32
        %ge3A = arith.constant 2 : i32
        %ge3A_231 = arith.cmpi sge, %while3A_215, %ge3A : i32
        %convert_element_type3A_232 = arith.extui %ge3A_231 : i1 to i32
        %cond3A_233 = arith.constant 0 : i32
        %cond3A_234 = arith.cmpi ne, %convert_element_type3A_232, %cond3A_233 : i32
        scf.if %cond3A_234 {
          %dma_wait3A_591 = arith.constant 0 : i32
          %dma_wait3A_592 = arith.constant 0 : i32
          %dma_wait3A_593 = tpu.memref_slice %arg11[%dma_wait3A_591, %dma_wait3A_592] : memref<32x128xf32, #tpu.memory_space<vmem>> -> memref<16x128xf32, #tpu.memory_space<vmem>>
          %dma_wait3A_594 = arith.constant 0 : i32
          %dma_wait3A_595 = arith.constant 0 : i32
          %dma_wait3A_596 = tpu.memref_slice %arg4[%dma_wait3A_594, %dma_wait3A_595] : memref<8192x128xf32, #tpu.memory_space<hbm>> -> memref<16x128xf32, #tpu.memory_space<hbm>>
          %dma_wait3A_597 = arith.constant 0 : i32
          %dma_wait3A_598 = arith.constant 0 : i32
          %dma_wait3A_599 = tpu.memref_slice %arg11[%dma_wait3A_597, %dma_wait3A_598] : memref<32x128xf32, #tpu.memory_space<vmem>> -> memref<16x128xf32, #tpu.memory_space<vmem>>
          %dma_wait3A_600 = arith.constant 0 : i32
          %dma_wait3A_601 = arith.constant 0 : i32
          %dma_wait3A_602 = tpu.memref_slice %arg4[%dma_wait3A_600, %dma_wait3A_601] : memref<8192x128xf32, #tpu.memory_space<hbm>> -> memref<16x128xf32, #tpu.memory_space<hbm>>
          tpu.wait_dma2 semaphore(%arg15 : memref<!tpu.dma_semaphore, #tpu.memory_space<semaphore_mem>>) src(%dma_wait3A_602 : memref<16x128xf32, #tpu.memory_space<hbm>>) dst(%dma_wait3A_599 : memref<16x128xf32, #tpu.memory_space<vmem>>)
        } else {
        }
        %mul3A_235 = arith.constant 16 : i32
        %mul3A_236 = arith.muli %while3A_214, %mul3A_235 : i32
        %add3A_237 = vector.broadcast %mul3A_236 : i32 to vector<16xi32>
        %add3A_238 = arith.addi %add3A_237, %iota3A : vector<16xi32>
        %lt3A_239 = vector.broadcast %while3A_165 : i32 to vector<16xi32>
        %lt3A_240 = arith.cmpi slt, %add3A_238, %lt3A_239 : vector<16xi32>
        %mul3A_241 = arith.constant 16 : i32
        %mul3A_242 = arith.muli %while3A_214, %mul3A_241 : i32
        %get3A = arith.index_cast %mul3A_242 : i32 to index
        %get3A_243 = tpu.vector_load %arg8[%get3A] {strides = array<i32>} : memref<8192xi32, #tpu.memory_space<vmem>>, vector<16xi32>,
        %and3A_244 = arith.constant 1023 : i32
        %and3A_245 = vector.broadcast %and3A_244 : i32 to vector<16xi32>
        %and3A_246 = arith.andi %get3A_243, %and3A_245 : vector<16xi32>
        %shift_right_arithmetic3A = arith.constant 10 : i32
        %shift_right_arithmetic3A_247 = vector.broadcast %shift_right_arithmetic3A : i32 to vector<16xi32>
        %shift_right_arithmetic3A_248 = arith.shrsi %get3A_243, %shift_right_arithmetic3A_247 : vector<16xi32>
        %slice3A = vector.extract_strided_slice %and3A_246 {offsets = [0], sizes = [1], strides = [1]} : vector<16xi32> to vector<1xi32>
        %squeeze3A = vector.extract %slice3A[0] : i32 from vector<1xi32>
        %broadcast_in_dim3A = vector.broadcast %squeeze3A : i32 to vector<16xi32>
        %select_n3A_249 = arith.select %lt3A_240, %and3A_246, %broadcast_in_dim3A : vector<16xi1>, vector<16xi32>
        %slice3A_250 = vector.extract_strided_slice %shift_right_arithmetic3A_248 {offsets = [0], sizes = [1], strides = [1]} : vector<16xi32> to vector<1xi32>
        %squeeze3A_251 = vector.extract %slice3A_250[0] : i32 from vector<1xi32>
        %broadcast_in_dim3A_252 = vector.broadcast %squeeze3A_251 : i32 to vector<16xi32>
        %select_n3A_253 = arith.select %lt3A_240, %shift_right_arithmetic3A_248, %broadcast_in_dim3A_252 : vector<16xi1>, vector<16xi32>
        %mul3A_254 = arith.constant 16 : i32
        %mul3A_255 = arith.muli %select_n3A_230, %mul3A_254 : i32
        %add3A_256 = vector.broadcast %mul3A_255 : i32 to vector<16xi32>
        %add3A_257 = arith.addi %add3A_256, %iota3A : vector<16xi32>
        %broadcast_in_dim3A_258 = arith.constant 0 : i32
        %broadcast_in_dim3A_259 = vector.broadcast %broadcast_in_dim3A_258 : i32 to vector<16xi32>
        %gather3A = tpu.vector_load_idx %arg10[%broadcast_in_dim3A_259, %select_n3A_249] : memref<64x512xf32, #tpu.memory_space<vmem>>[vector<16xi32>, vector<16xi32>], vector<16xf32>,
        %broadcast_in_dim3A_260 = arith.constant 0 : i32
        %broadcast_in_dim3A_261 = vector.broadcast %broadcast_in_dim3A_260 : i32 to vector<16xi32>
        tpu.vector_store_idx %arg11[%add3A_257, %broadcast_in_dim3A_261], %gather3A : memref<32x128xf32, #tpu.memory_space<vmem>>[vector<16xi32>, vector<16xi32>], vector<16xf32>,
        %broadcast_in_dim3A_262 = arith.constant 1 : i32
        %broadcast_in_dim3A_263 = vector.broadcast %broadcast_in_dim3A_262 : i32 to vector<16xi32>
        %gather3A_264 = tpu.vector_load_idx %arg10[%broadcast_in_dim3A_263, %select_n3A_249] : memref<64x512xf32, #tpu.memory_space<vmem>>[vector<16xi32>, vector<16xi32>], vector<16xf32>,
        %broadcast_in_dim3A_265 = arith.constant 1 : i32
        %broadcast_in_dim3A_266 = vector.broadcast %broadcast_in_dim3A_265 : i32 to vector<16xi32>
        tpu.vector_store_idx %arg11[%add3A_257, %broadcast_in_dim3A_266], %gather3A_264 : memref<32x128xf32, #tpu.memory_space<vmem>>[vector<16xi32>, vector<16xi32>], vector<16xf32>,
        %broadcast_in_dim3A_267 = arith.constant 2 : i32
        %broadcast_in_dim3A_268 = vector.broadcast %broadcast_in_dim3A_267 : i32 to vector<16xi32>
        %gather3A_269 = tpu.vector_load_idx %arg10[%broadcast_in_dim3A_268, %select_n3A_249] : memref<64x512xf32, #tpu.memory_space<vmem>>[vector<16xi32>, vector<16xi32>], vector<16xf32>,
        %broadcast_in_dim3A_270 = arith.constant 2 : i32
        %broadcast_in_dim3A_271 = vector.broadcast %broadcast_in_dim3A_270 : i32 to vector<16xi32>
        tpu.vector_store_idx %arg11[%add3A_257, %broadcast_in_dim3A_271], %gather3A_269 : memref<32x128xf32, #tpu.memory_space<vmem>>[vector<16xi32>, vector<16xi32>], vector<16xf32>,
        %broadcast_in_dim3A_272 = arith.constant 3 : i32
        %broadcast_in_dim3A_273 = vector.broadcast %broadcast_in_dim3A_272 : i32 to vector<16xi32>
        %gather3A_274 = tpu.vector_load_idx %arg10[%broadcast_in_dim3A_273, %select_n3A_249] : memref<64x512xf32, #tpu.memory_space<vmem>>[vector<16xi32>, vector<16xi32>], vector<16xf32>,
        %broadcast_in_dim3A_275 = arith.constant 3 : i32
        %broadcast_in_dim3A_276 = vector.broadcast %broadcast_in_dim3A_275 : i32 to vector<16xi32>
        tpu.vector_store_idx %arg11[%add3A_257, %broadcast_in_dim3A_276], %gather3A_274 : memref<32x128xf32, #tpu.memory_space<vmem>>[vector<16xi32>, vector<16xi32>], vector<16xf32>,
        %broadcast_in_dim3A_277 = arith.constant 4 : i32
        %broadcast_in_dim3A_278 = vector.broadcast %broadcast_in_dim3A_277 : i32 to vector<16xi32>
        %gather3A_279 = tpu.vector_load_idx %arg10[%broadcast_in_dim3A_278, %select_n3A_249] : memref<64x512xf32, #tpu.memory_space<vmem>>[vector<16xi32>, vector<16xi32>], vector<16xf32>,
        %broadcast_in_dim3A_280 = arith.constant 4 : i32
        %broadcast_in_dim3A_281 = vector.broadcast %broadcast_in_dim3A_280 : i32 to vector<16xi32>
        tpu.vector_store_idx %arg11[%add3A_257, %broadcast_in_dim3A_281], %gather3A_279 : memref<32x128xf32, #tpu.memory_space<vmem>>[vector<16xi32>, vector<16xi32>], vector<16xf32>,
        %broadcast_in_dim3A_282 = arith.constant 5 : i32
        %broadcast_in_dim3A_283 = vector.broadcast %broadcast_in_dim3A_282 : i32 to vector<16xi32>
        %gather3A_284 = tpu.vector_load_idx %arg10[%broadcast_in_dim3A_283, %select_n3A_249] : memref<64x512xf32, #tpu.memory_space<vmem>>[vector<16xi32>, vector<16xi32>], vector<16xf32>,
        %broadcast_in_dim3A_285 = arith.constant 5 : i32
        %broadcast_in_dim3A_286 = vector.broadcast %broadcast_in_dim3A_285 : i32 to vector<16xi32>
        tpu.vector_store_idx %arg11[%add3A_257, %broadcast_in_dim3A_286], %gather3A_284 : memref<32x128xf32, #tpu.memory_space<vmem>>[vector<16xi32>, vector<16xi32>], vector<16xf32>,
        %broadcast_in_dim3A_287 = arith.constant 6 : i32
        %broadcast_in_dim3A_288 = vector.broadcast %broadcast_in_dim3A_287 : i32 to vector<16xi32>
        %gather3A_289 = tpu.vector_load_idx %arg10[%broadcast_in_dim3A_288, %select_n3A_249] : memref<64x512xf32, #tpu.memory_space<vmem>>[vector<16xi32>, vector<16xi32>], vector<16xf32>,
        %broadcast_in_dim3A_290 = arith.constant 6 : i32
        %broadcast_in_dim3A_291 = vector.broadcast %broadcast_in_dim3A_290 : i32 to vector<16xi32>
        tpu.vector_store_idx %arg11[%add3A_257, %broadcast_in_dim3A_291], %gather3A_289 : memref<32x128xf32, #tpu.memory_space<vmem>>[vector<16xi32>, vector<16xi32>], vector<16xf32>,
        %broadcast_in_dim3A_292 = arith.constant 7 : i32
        %broadcast_in_dim3A_293 = vector.broadcast %broadcast_in_dim3A_292 : i32 to vector<16xi32>
        %gather3A_294 = tpu.vector_load_idx %arg10[%broadcast_in_dim3A_293, %select_n3A_249] : memref<64x512xf32, #tpu.memory_space<vmem>>[vector<16xi32>, vector<16xi32>], vector<16xf32>,
        %broadcast_in_dim3A_295 = arith.constant 7 : i32
        %broadcast_in_dim3A_296 = vector.broadcast %broadcast_in_dim3A_295 : i32 to vector<16xi32>
        tpu.vector_store_idx %arg11[%add3A_257, %broadcast_in_dim3A_296], %gather3A_294 : memref<32x128xf32, #tpu.memory_space<vmem>>[vector<16xi32>, vector<16xi32>], vector<16xf32>,
        %broadcast_in_dim3A_297 = arith.constant 8 : i32
        %broadcast_in_dim3A_298 = vector.broadcast %broadcast_in_dim3A_297 : i32 to vector<16xi32>
        %gather3A_299 = tpu.vector_load_idx %arg10[%broadcast_in_dim3A_298, %select_n3A_249] : memref<64x512xf32, #tpu.memory_space<vmem>>[vector<16xi32>, vector<16xi32>], vector<16xf32>,
        %broadcast_in_dim3A_300 = arith.constant 8 : i32
        %broadcast_in_dim3A_301 = vector.broadcast %broadcast_in_dim3A_300 : i32 to vector<16xi32>
        tpu.vector_store_idx %arg11[%add3A_257, %broadcast_in_dim3A_301], %gather3A_299 : memref<32x128xf32, #tpu.memory_space<vmem>>[vector<16xi32>, vector<16xi32>], vector<16xf32>,
        %broadcast_in_dim3A_302 = arith.constant 9 : i32
        %broadcast_in_dim3A_303 = vector.broadcast %broadcast_in_dim3A_302 : i32 to vector<16xi32>
        %gather3A_304 = tpu.vector_load_idx %arg10[%broadcast_in_dim3A_303, %select_n3A_249] : memref<64x512xf32, #tpu.memory_space<vmem>>[vector<16xi32>, vector<16xi32>], vector<16xf32>,
        %broadcast_in_dim3A_305 = arith.constant 9 : i32
        %broadcast_in_dim3A_306 = vector.broadcast %broadcast_in_dim3A_305 : i32 to vector<16xi32>
        tpu.vector_store_idx %arg11[%add3A_257, %broadcast_in_dim3A_306], %gather3A_304 : memref<32x128xf32, #tpu.memory_space<vmem>>[vector<16xi32>, vector<16xi32>], vector<16xf32>,
        %broadcast_in_dim3A_307 = arith.constant 10 : i32
        %broadcast_in_dim3A_308 = vector.broadcast %broadcast_in_dim3A_307 : i32 to vector<16xi32>
        %gather3A_309 = tpu.vector_load_idx %arg10[%broadcast_in_dim3A_308, %select_n3A_249] : memref<64x512xf32, #tpu.memory_space<vmem>>[vector<16xi32>, vector<16xi32>], vector<16xf32>,
        %broadcast_in_dim3A_310 = arith.constant 10 : i32
        %broadcast_in_dim3A_311 = vector.broadcast %broadcast_in_dim3A_310 : i32 to vector<16xi32>
        tpu.vector_store_idx %arg11[%add3A_257, %broadcast_in_dim3A_311], %gather3A_309 : memref<32x128xf32, #tpu.memory_space<vmem>>[vector<16xi32>, vector<16xi32>], vector<16xf32>,
        %broadcast_in_dim3A_312 = arith.constant 11 : i32
        %broadcast_in_dim3A_313 = vector.broadcast %broadcast_in_dim3A_312 : i32 to vector<16xi32>
        %gather3A_314 = tpu.vector_load_idx %arg10[%broadcast_in_dim3A_313, %select_n3A_249] : memref<64x512xf32, #tpu.memory_space<vmem>>[vector<16xi32>, vector<16xi32>], vector<16xf32>,
        %broadcast_in_dim3A_315 = arith.constant 11 : i32
        %broadcast_in_dim3A_316 = vector.broadcast %broadcast_in_dim3A_315 : i32 to vector<16xi32>
        tpu.vector_store_idx %arg11[%add3A_257, %broadcast_in_dim3A_316], %gather3A_314 : memref<32x128xf32, #tpu.memory_space<vmem>>[vector<16xi32>, vector<16xi32>], vector<16xf32>,
        %broadcast_in_dim3A_317 = arith.constant 12 : i32
        %broadcast_in_dim3A_318 = vector.broadcast %broadcast_in_dim3A_317 : i32 to vector<16xi32>
        %gather3A_319 = tpu.vector_load_idx %arg10[%broadcast_in_dim3A_318, %select_n3A_249] : memref<64x512xf32, #tpu.memory_space<vmem>>[vector<16xi32>, vector<16xi32>], vector<16xf32>,
        %broadcast_in_dim3A_320 = arith.constant 12 : i32
        %broadcast_in_dim3A_321 = vector.broadcast %broadcast_in_dim3A_320 : i32 to vector<16xi32>
        tpu.vector_store_idx %arg11[%add3A_257, %broadcast_in_dim3A_321], %gather3A_319 : memref<32x128xf32, #tpu.memory_space<vmem>>[vector<16xi32>, vector<16xi32>], vector<16xf32>,
        %broadcast_in_dim3A_322 = arith.constant 13 : i32
        %broadcast_in_dim3A_323 = vector.broadcast %broadcast_in_dim3A_322 : i32 to vector<16xi32>
        %gather3A_324 = tpu.vector_load_idx %arg10[%broadcast_in_dim3A_323, %select_n3A_249] : memref<64x512xf32, #tpu.memory_space<vmem>>[vector<16xi32>, vector<16xi32>], vector<16xf32>,
        %broadcast_in_dim3A_325 = arith.constant 13 : i32
        %broadcast_in_dim3A_326 = vector.broadcast %broadcast_in_dim3A_325 : i32 to vector<16xi32>
        tpu.vector_store_idx %arg11[%add3A_257, %broadcast_in_dim3A_326], %gather3A_324 : memref<32x128xf32, #tpu.memory_space<vmem>>[vector<16xi32>, vector<16xi32>], vector<16xf32>,
        %broadcast_in_dim3A_327 = arith.constant 14 : i32
        %broadcast_in_dim3A_328 = vector.broadcast %broadcast_in_dim3A_327 : i32 to vector<16xi32>
        %gather3A_329 = tpu.vector_load_idx %arg10[%broadcast_in_dim3A_328, %select_n3A_249] : memref<64x512xf32, #tpu.memory_space<vmem>>[vector<16xi32>, vector<16xi32>], vector<16xf32>,
        %broadcast_in_dim3A_330 = arith.constant 14 : i32
        %broadcast_in_dim3A_331 = vector.broadcast %broadcast_in_dim3A_330 : i32 to vector<16xi32>
        tpu.vector_store_idx %arg11[%add3A_257, %broadcast_in_dim3A_331], %gather3A_329 : memref<32x128xf32, #tpu.memory_space<vmem>>[vector<16xi32>, vector<16xi32>], vector<16xf32>,
        %broadcast_in_dim3A_332 = arith.constant 15 : i32
        %broadcast_in_dim3A_333 = vector.broadcast %broadcast_in_dim3A_332 : i32 to vector<16xi32>
        %gather3A_334 = tpu.vector_load_idx %arg10[%broadcast_in_dim3A_333, %select_n3A_249] : memref<64x512xf32, #tpu.memory_space<vmem>>[vector<16xi32>, vector<16xi32>], vector<16xf32>,
        %broadcast_in_dim3A_335 = arith.constant 15 : i32
        %broadcast_in_dim3A_336 = vector.broadcast %broadcast_in_dim3A_335 : i32 to vector<16xi32>
        tpu.vector_store_idx %arg11[%add3A_257, %broadcast_in_dim3A_336], %gather3A_334 : memref<32x128xf32, #tpu.memory_space<vmem>>[vector<16xi32>, vector<16xi32>], vector<16xf32>,
        %broadcast_in_dim3A_337 = arith.constant 16 : i32
        %broadcast_in_dim3A_338 = vector.broadcast %broadcast_in_dim3A_337 : i32 to vector<16xi32>
        %gather3A_339 = tpu.vector_load_idx %arg10[%broadcast_in_dim3A_338, %select_n3A_249] : memref<64x512xf32, #tpu.memory_space<vmem>>[vector<16xi32>, vector<16xi32>], vector<16xf32>,
        %broadcast_in_dim3A_340 = arith.constant 16 : i32
        %broadcast_in_dim3A_341 = vector.broadcast %broadcast_in_dim3A_340 : i32 to vector<16xi32>
        tpu.vector_store_idx %arg11[%add3A_257, %broadcast_in_dim3A_341], %gather3A_339 : memref<32x128xf32, #tpu.memory_space<vmem>>[vector<16xi32>, vector<16xi32>], vector<16xf32>,
        %broadcast_in_dim3A_342 = arith.constant 17 : i32
        %broadcast_in_dim3A_343 = vector.broadcast %broadcast_in_dim3A_342 : i32 to vector<16xi32>
        %gather3A_344 = tpu.vector_load_idx %arg10[%broadcast_in_dim3A_343, %select_n3A_249] : memref<64x512xf32, #tpu.memory_space<vmem>>[vector<16xi32>, vector<16xi32>], vector<16xf32>,
        %broadcast_in_dim3A_345 = arith.constant 17 : i32
        %broadcast_in_dim3A_346 = vector.broadcast %broadcast_in_dim3A_345 : i32 to vector<16xi32>
        tpu.vector_store_idx %arg11[%add3A_257, %broadcast_in_dim3A_346], %gather3A_344 : memref<32x128xf32, #tpu.memory_space<vmem>>[vector<16xi32>, vector<16xi32>], vector<16xf32>,
        %broadcast_in_dim3A_347 = arith.constant 18 : i32
        %broadcast_in_dim3A_348 = vector.broadcast %broadcast_in_dim3A_347 : i32 to vector<16xi32>
        %gather3A_349 = tpu.vector_load_idx %arg10[%broadcast_in_dim3A_348, %select_n3A_249] : memref<64x512xf32, #tpu.memory_space<vmem>>[vector<16xi32>, vector<16xi32>], vector<16xf32>,
        %broadcast_in_dim3A_350 = arith.constant 18 : i32
        %broadcast_in_dim3A_351 = vector.broadcast %broadcast_in_dim3A_350 : i32 to vector<16xi32>
        tpu.vector_store_idx %arg11[%add3A_257, %broadcast_in_dim3A_351], %gather3A_349 : memref<32x128xf32, #tpu.memory_space<vmem>>[vector<16xi32>, vector<16xi32>], vector<16xf32>,
        %broadcast_in_dim3A_352 = arith.constant 19 : i32
        %broadcast_in_dim3A_353 = vector.broadcast %broadcast_in_dim3A_352 : i32 to vector<16xi32>
        %gather3A_354 = tpu.vector_load_idx %arg10[%broadcast_in_dim3A_353, %select_n3A_249] : memref<64x512xf32, #tpu.memory_space<vmem>>[vector<16xi32>, vector<16xi32>], vector<16xf32>,
        %broadcast_in_dim3A_355 = arith.constant 19 : i32
        %broadcast_in_dim3A_356 = vector.broadcast %broadcast_in_dim3A_355 : i32 to vector<16xi32>
        tpu.vector_store_idx %arg11[%add3A_257, %broadcast_in_dim3A_356], %gather3A_354 : memref<32x128xf32, #tpu.memory_space<vmem>>[vector<16xi32>, vector<16xi32>], vector<16xf32>,
        %broadcast_in_dim3A_357 = arith.constant 20 : i32
        %broadcast_in_dim3A_358 = vector.broadcast %broadcast_in_dim3A_357 : i32 to vector<16xi32>
        %gather3A_359 = tpu.vector_load_idx %arg10[%broadcast_in_dim3A_358, %select_n3A_249] : memref<64x512xf32, #tpu.memory_space<vmem>>[vector<16xi32>, vector<16xi32>], vector<16xf32>,
        %broadcast_in_dim3A_360 = arith.constant 20 : i32
        %broadcast_in_dim3A_361 = vector.broadcast %broadcast_in_dim3A_360 : i32 to vector<16xi32>
        tpu.vector_store_idx %arg11[%add3A_257, %broadcast_in_dim3A_361], %gather3A_359 : memref<32x128xf32, #tpu.memory_space<vmem>>[vector<16xi32>, vector<16xi32>], vector<16xf32>,
        %broadcast_in_dim3A_362 = arith.constant 21 : i32
        %broadcast_in_dim3A_363 = vector.broadcast %broadcast_in_dim3A_362 : i32 to vector<16xi32>
        %gather3A_364 = tpu.vector_load_idx %arg10[%broadcast_in_dim3A_363, %select_n3A_249] : memref<64x512xf32, #tpu.memory_space<vmem>>[vector<16xi32>, vector<16xi32>], vector<16xf32>,
        %broadcast_in_dim3A_365 = arith.constant 21 : i32
        %broadcast_in_dim3A_366 = vector.broadcast %broadcast_in_dim3A_365 : i32 to vector<16xi32>
        tpu.vector_store_idx %arg11[%add3A_257, %broadcast_in_dim3A_366], %gather3A_364 : memref<32x128xf32, #tpu.memory_space<vmem>>[vector<16xi32>, vector<16xi32>], vector<16xf32>,
        %broadcast_in_dim3A_367 = arith.constant 22 : i32
        %broadcast_in_dim3A_368 = vector.broadcast %broadcast_in_dim3A_367 : i32 to vector<16xi32>
        %gather3A_369 = tpu.vector_load_idx %arg10[%broadcast_in_dim3A_368, %select_n3A_249] : memref<64x512xf32, #tpu.memory_space<vmem>>[vector<16xi32>, vector<16xi32>], vector<16xf32>,
        %broadcast_in_dim3A_370 = arith.constant 22 : i32
        %broadcast_in_dim3A_371 = vector.broadcast %broadcast_in_dim3A_370 : i32 to vector<16xi32>
        tpu.vector_store_idx %arg11[%add3A_257, %broadcast_in_dim3A_371], %gather3A_369 : memref<32x128xf32, #tpu.memory_space<vmem>>[vector<16xi32>, vector<16xi32>], vector<16xf32>,
        %broadcast_in_dim3A_372 = arith.constant 23 : i32
        %broadcast_in_dim3A_373 = vector.broadcast %broadcast_in_dim3A_372 : i32 to vector<16xi32>
        %gather3A_374 = tpu.vector_load_idx %arg10[%broadcast_in_dim3A_373, %select_n3A_249] : memref<64x512xf32, #tpu.memory_space<vmem>>[vector<16xi32>, vector<16xi32>], vector<16xf32>,
        %broadcast_in_dim3A_375 = arith.constant 23 : i32
        %broadcast_in_dim3A_376 = vector.broadcast %broadcast_in_dim3A_375 : i32 to vector<16xi32>
        tpu.vector_store_idx %arg11[%add3A_257, %broadcast_in_dim3A_376], %gather3A_374 : memref<32x128xf32, #tpu.memory_space<vmem>>[vector<16xi32>, vector<16xi32>], vector<16xf32>,
        %broadcast_in_dim3A_377 = arith.constant 24 : i32
        %broadcast_in_dim3A_378 = vector.broadcast %broadcast_in_dim3A_377 : i32 to vector<16xi32>
        %gather3A_379 = tpu.vector_load_idx %arg10[%broadcast_in_dim3A_378, %select_n3A_249] : memref<64x512xf32, #tpu.memory_space<vmem>>[vector<16xi32>, vector<16xi32>], vector<16xf32>,
        %broadcast_in_dim3A_380 = arith.constant 24 : i32
        %broadcast_in_dim3A_381 = vector.broadcast %broadcast_in_dim3A_380 : i32 to vector<16xi32>
        tpu.vector_store_idx %arg11[%add3A_257, %broadcast_in_dim3A_381], %gather3A_379 : memref<32x128xf32, #tpu.memory_space<vmem>>[vector<16xi32>, vector<16xi32>], vector<16xf32>,
        %broadcast_in_dim3A_382 = arith.constant 25 : i32
        %broadcast_in_dim3A_383 = vector.broadcast %broadcast_in_dim3A_382 : i32 to vector<16xi32>
        %gather3A_384 = tpu.vector_load_idx %arg10[%broadcast_in_dim3A_383, %select_n3A_249] : memref<64x512xf32, #tpu.memory_space<vmem>>[vector<16xi32>, vector<16xi32>], vector<16xf32>,
        %broadcast_in_dim3A_385 = arith.constant 25 : i32
        %broadcast_in_dim3A_386 = vector.broadcast %broadcast_in_dim3A_385 : i32 to vector<16xi32>
        tpu.vector_store_idx %arg11[%add3A_257, %broadcast_in_dim3A_386], %gather3A_384 : memref<32x128xf32, #tpu.memory_space<vmem>>[vector<16xi32>, vector<16xi32>], vector<16xf32>,
        %broadcast_in_dim3A_387 = arith.constant 26 : i32
        %broadcast_in_dim3A_388 = vector.broadcast %broadcast_in_dim3A_387 : i32 to vector<16xi32>
        %gather3A_389 = tpu.vector_load_idx %arg10[%broadcast_in_dim3A_388, %select_n3A_249] : memref<64x512xf32, #tpu.memory_space<vmem>>[vector<16xi32>, vector<16xi32>], vector<16xf32>,
        %broadcast_in_dim3A_390 = arith.constant 26 : i32
        %broadcast_in_dim3A_391 = vector.broadcast %broadcast_in_dim3A_390 : i32 to vector<16xi32>
        tpu.vector_store_idx %arg11[%add3A_257, %broadcast_in_dim3A_391], %gather3A_389 : memref<32x128xf32, #tpu.memory_space<vmem>>[vector<16xi32>, vector<16xi32>], vector<16xf32>,
        %broadcast_in_dim3A_392 = arith.constant 27 : i32
        %broadcast_in_dim3A_393 = vector.broadcast %broadcast_in_dim3A_392 : i32 to vector<16xi32>
        %gather3A_394 = tpu.vector_load_idx %arg10[%broadcast_in_dim3A_393, %select_n3A_249] : memref<64x512xf32, #tpu.memory_space<vmem>>[vector<16xi32>, vector<16xi32>], vector<16xf32>,
        %broadcast_in_dim3A_395 = arith.constant 27 : i32
        %broadcast_in_dim3A_396 = vector.broadcast %broadcast_in_dim3A_395 : i32 to vector<16xi32>
        tpu.vector_store_idx %arg11[%add3A_257, %broadcast_in_dim3A_396], %gather3A_394 : memref<32x128xf32, #tpu.memory_space<vmem>>[vector<16xi32>, vector<16xi32>], vector<16xf32>,
        %broadcast_in_dim3A_397 = arith.constant 28 : i32
        %broadcast_in_dim3A_398 = vector.broadcast %broadcast_in_dim3A_397 : i32 to vector<16xi32>
        %gather3A_399 = tpu.vector_load_idx %arg10[%broadcast_in_dim3A_398, %select_n3A_249] : memref<64x512xf32, #tpu.memory_space<vmem>>[vector<16xi32>, vector<16xi32>], vector<16xf32>,
        %broadcast_in_dim3A_400 = arith.constant 28 : i32
        %broadcast_in_dim3A_401 = vector.broadcast %broadcast_in_dim3A_400 : i32 to vector<16xi32>
        tpu.vector_store_idx %arg11[%add3A_257, %broadcast_in_dim3A_401], %gather3A_399 : memref<32x128xf32, #tpu.memory_space<vmem>>[vector<16xi32>, vector<16xi32>], vector<16xf32>,
        %broadcast_in_dim3A_402 = arith.constant 29 : i32
        %broadcast_in_dim3A_403 = vector.broadcast %broadcast_in_dim3A_402 : i32 to vector<16xi32>
        %gather3A_404 = tpu.vector_load_idx %arg10[%broadcast_in_dim3A_403, %select_n3A_249] : memref<64x512xf32, #tpu.memory_space<vmem>>[vector<16xi32>, vector<16xi32>], vector<16xf32>,
        %broadcast_in_dim3A_405 = arith.constant 29 : i32
        %broadcast_in_dim3A_406 = vector.broadcast %broadcast_in_dim3A_405 : i32 to vector<16xi32>
        tpu.vector_store_idx %arg11[%add3A_257, %broadcast_in_dim3A_406], %gather3A_404 : memref<32x128xf32, #tpu.memory_space<vmem>>[vector<16xi32>, vector<16xi32>], vector<16xf32>,
        %broadcast_in_dim3A_407 = arith.constant 30 : i32
        %broadcast_in_dim3A_408 = vector.broadcast %broadcast_in_dim3A_407 : i32 to vector<16xi32>
        %gather3A_409 = tpu.vector_load_idx %arg10[%broadcast_in_dim3A_408, %select_n3A_249] : memref<64x512xf32, #tpu.memory_space<vmem>>[vector<16xi32>, vector<16xi32>], vector<16xf32>,
        %broadcast_in_dim3A_410 = arith.constant 30 : i32
        %broadcast_in_dim3A_411 = vector.broadcast %broadcast_in_dim3A_410 : i32 to vector<16xi32>
        tpu.vector_store_idx %arg11[%add3A_257, %broadcast_in_dim3A_411], %gather3A_409 : memref<32x128xf32, #tpu.memory_space<vmem>>[vector<16xi32>, vector<16xi32>], vector<16xf32>,
        %broadcast_in_dim3A_412 = arith.constant 31 : i32
        %broadcast_in_dim3A_413 = vector.broadcast %broadcast_in_dim3A_412 : i32 to vector<16xi32>
        %gather3A_414 = tpu.vector_load_idx %arg10[%broadcast_in_dim3A_413, %select_n3A_249] : memref<64x512xf32, #tpu.memory_space<vmem>>[vector<16xi32>, vector<16xi32>], vector<16xf32>,
        %broadcast_in_dim3A_415 = arith.constant 31 : i32
        %broadcast_in_dim3A_416 = vector.broadcast %broadcast_in_dim3A_415 : i32 to vector<16xi32>
        tpu.vector_store_idx %arg11[%add3A_257, %broadcast_in_dim3A_416], %gather3A_414 : memref<32x128xf32, #tpu.memory_space<vmem>>[vector<16xi32>, vector<16xi32>], vector<16xf32>,
        %broadcast_in_dim3A_417 = arith.constant 32 : i32
        %broadcast_in_dim3A_418 = vector.broadcast %broadcast_in_dim3A_417 : i32 to vector<16xi32>
        %gather3A_419 = tpu.vector_load_idx %arg10[%broadcast_in_dim3A_418, %select_n3A_249] : memref<64x512xf32, #tpu.memory_space<vmem>>[vector<16xi32>, vector<16xi32>], vector<16xf32>,
        %broadcast_in_dim3A_420 = arith.constant 32 : i32
        %broadcast_in_dim3A_421 = vector.broadcast %broadcast_in_dim3A_420 : i32 to vector<16xi32>
        tpu.vector_store_idx %arg11[%add3A_257, %broadcast_in_dim3A_421], %gather3A_419 : memref<32x128xf32, #tpu.memory_space<vmem>>[vector<16xi32>, vector<16xi32>], vector<16xf32>,
        %broadcast_in_dim3A_422 = arith.constant 33 : i32
        %broadcast_in_dim3A_423 = vector.broadcast %broadcast_in_dim3A_422 : i32 to vector<16xi32>
        %gather3A_424 = tpu.vector_load_idx %arg10[%broadcast_in_dim3A_423, %select_n3A_249] : memref<64x512xf32, #tpu.memory_space<vmem>>[vector<16xi32>, vector<16xi32>], vector<16xf32>,
        %broadcast_in_dim3A_425 = arith.constant 33 : i32
        %broadcast_in_dim3A_426 = vector.broadcast %broadcast_in_dim3A_425 : i32 to vector<16xi32>
        tpu.vector_store_idx %arg11[%add3A_257, %broadcast_in_dim3A_426], %gather3A_424 : memref<32x128xf32, #tpu.memory_space<vmem>>[vector<16xi32>, vector<16xi32>], vector<16xf32>,
        %broadcast_in_dim3A_427 = arith.constant 34 : i32
        %broadcast_in_dim3A_428 = vector.broadcast %broadcast_in_dim3A_427 : i32 to vector<16xi32>
        %gather3A_429 = tpu.vector_load_idx %arg10[%broadcast_in_dim3A_428, %select_n3A_249] : memref<64x512xf32, #tpu.memory_space<vmem>>[vector<16xi32>, vector<16xi32>], vector<16xf32>,
        %broadcast_in_dim3A_430 = arith.constant 34 : i32
        %broadcast_in_dim3A_431 = vector.broadcast %broadcast_in_dim3A_430 : i32 to vector<16xi32>
        tpu.vector_store_idx %arg11[%add3A_257, %broadcast_in_dim3A_431], %gather3A_429 : memref<32x128xf32, #tpu.memory_space<vmem>>[vector<16xi32>, vector<16xi32>], vector<16xf32>,
        %broadcast_in_dim3A_432 = arith.constant 35 : i32
        %broadcast_in_dim3A_433 = vector.broadcast %broadcast_in_dim3A_432 : i32 to vector<16xi32>
        %gather3A_434 = tpu.vector_load_idx %arg10[%broadcast_in_dim3A_433, %select_n3A_249] : memref<64x512xf32, #tpu.memory_space<vmem>>[vector<16xi32>, vector<16xi32>], vector<16xf32>,
        %broadcast_in_dim3A_435 = arith.constant 35 : i32
        %broadcast_in_dim3A_436 = vector.broadcast %broadcast_in_dim3A_435 : i32 to vector<16xi32>
        tpu.vector_store_idx %arg11[%add3A_257, %broadcast_in_dim3A_436], %gather3A_434 : memref<32x128xf32, #tpu.memory_space<vmem>>[vector<16xi32>, vector<16xi32>], vector<16xf32>,
        %broadcast_in_dim3A_437 = arith.constant 36 : i32
        %broadcast_in_dim3A_438 = vector.broadcast %broadcast_in_dim3A_437 : i32 to vector<16xi32>
        %gather3A_439 = tpu.vector_load_idx %arg10[%broadcast_in_dim3A_438, %select_n3A_249] : memref<64x512xf32, #tpu.memory_space<vmem>>[vector<16xi32>, vector<16xi32>], vector<16xf32>,
        %broadcast_in_dim3A_440 = arith.constant 36 : i32
        %broadcast_in_dim3A_441 = vector.broadcast %broadcast_in_dim3A_440 : i32 to vector<16xi32>
        tpu.vector_store_idx %arg11[%add3A_257, %broadcast_in_dim3A_441], %gather3A_439 : memref<32x128xf32, #tpu.memory_space<vmem>>[vector<16xi32>, vector<16xi32>], vector<16xf32>,
        %broadcast_in_dim3A_442 = arith.constant 37 : i32
        %broadcast_in_dim3A_443 = vector.broadcast %broadcast_in_dim3A_442 : i32 to vector<16xi32>
        %gather3A_444 = tpu.vector_load_idx %arg10[%broadcast_in_dim3A_443, %select_n3A_249] : memref<64x512xf32, #tpu.memory_space<vmem>>[vector<16xi32>, vector<16xi32>], vector<16xf32>,
        %broadcast_in_dim3A_445 = arith.constant 37 : i32
        %broadcast_in_dim3A_446 = vector.broadcast %broadcast_in_dim3A_445 : i32 to vector<16xi32>
        tpu.vector_store_idx %arg11[%add3A_257, %broadcast_in_dim3A_446], %gather3A_444 : memref<32x128xf32, #tpu.memory_space<vmem>>[vector<16xi32>, vector<16xi32>], vector<16xf32>,
        %broadcast_in_dim3A_447 = arith.constant 38 : i32
        %broadcast_in_dim3A_448 = vector.broadcast %broadcast_in_dim3A_447 : i32 to vector<16xi32>
        %gather3A_449 = tpu.vector_load_idx %arg10[%broadcast_in_dim3A_448, %select_n3A_249] : memref<64x512xf32, #tpu.memory_space<vmem>>[vector<16xi32>, vector<16xi32>], vector<16xf32>,
        %broadcast_in_dim3A_450 = arith.constant 38 : i32
        %broadcast_in_dim3A_451 = vector.broadcast %broadcast_in_dim3A_450 : i32 to vector<16xi32>
        tpu.vector_store_idx %arg11[%add3A_257, %broadcast_in_dim3A_451], %gather3A_449 : memref<32x128xf32, #tpu.memory_space<vmem>>[vector<16xi32>, vector<16xi32>], vector<16xf32>,
        %broadcast_in_dim3A_452 = arith.constant 39 : i32
        %broadcast_in_dim3A_453 = vector.broadcast %broadcast_in_dim3A_452 : i32 to vector<16xi32>
        %gather3A_454 = tpu.vector_load_idx %arg10[%broadcast_in_dim3A_453, %select_n3A_249] : memref<64x512xf32, #tpu.memory_space<vmem>>[vector<16xi32>, vector<16xi32>], vector<16xf32>,
        %broadcast_in_dim3A_455 = arith.constant 39 : i32
        %broadcast_in_dim3A_456 = vector.broadcast %broadcast_in_dim3A_455 : i32 to vector<16xi32>
        tpu.vector_store_idx %arg11[%add3A_257, %broadcast_in_dim3A_456], %gather3A_454 : memref<32x128xf32, #tpu.memory_space<vmem>>[vector<16xi32>, vector<16xi32>], vector<16xf32>,
        %broadcast_in_dim3A_457 = arith.constant 40 : i32
        %broadcast_in_dim3A_458 = vector.broadcast %broadcast_in_dim3A_457 : i32 to vector<16xi32>
        %gather3A_459 = tpu.vector_load_idx %arg10[%broadcast_in_dim3A_458, %select_n3A_249] : memref<64x512xf32, #tpu.memory_space<vmem>>[vector<16xi32>, vector<16xi32>], vector<16xf32>,
        %broadcast_in_dim3A_460 = arith.constant 40 : i32
        %broadcast_in_dim3A_461 = vector.broadcast %broadcast_in_dim3A_460 : i32 to vector<16xi32>
        tpu.vector_store_idx %arg11[%add3A_257, %broadcast_in_dim3A_461], %gather3A_459 : memref<32x128xf32, #tpu.memory_space<vmem>>[vector<16xi32>, vector<16xi32>], vector<16xf32>,
        %broadcast_in_dim3A_462 = arith.constant 41 : i32
        %broadcast_in_dim3A_463 = vector.broadcast %broadcast_in_dim3A_462 : i32 to vector<16xi32>
        %gather3A_464 = tpu.vector_load_idx %arg10[%broadcast_in_dim3A_463, %select_n3A_249] : memref<64x512xf32, #tpu.memory_space<vmem>>[vector<16xi32>, vector<16xi32>], vector<16xf32>,
        %broadcast_in_dim3A_465 = arith.constant 41 : i32
        %broadcast_in_dim3A_466 = vector.broadcast %broadcast_in_dim3A_465 : i32 to vector<16xi32>
        tpu.vector_store_idx %arg11[%add3A_257, %broadcast_in_dim3A_466], %gather3A_464 : memref<32x128xf32, #tpu.memory_space<vmem>>[vector<16xi32>, vector<16xi32>], vector<16xf32>,
        %broadcast_in_dim3A_467 = arith.constant 42 : i32
        %broadcast_in_dim3A_468 = vector.broadcast %broadcast_in_dim3A_467 : i32 to vector<16xi32>
        %gather3A_469 = tpu.vector_load_idx %arg10[%broadcast_in_dim3A_468, %select_n3A_249] : memref<64x512xf32, #tpu.memory_space<vmem>>[vector<16xi32>, vector<16xi32>], vector<16xf32>,
        %broadcast_in_dim3A_470 = arith.constant 42 : i32
        %broadcast_in_dim3A_471 = vector.broadcast %broadcast_in_dim3A_470 : i32 to vector<16xi32>
        tpu.vector_store_idx %arg11[%add3A_257, %broadcast_in_dim3A_471], %gather3A_469 : memref<32x128xf32, #tpu.memory_space<vmem>>[vector<16xi32>, vector<16xi32>], vector<16xf32>,
        %broadcast_in_dim3A_472 = arith.constant 43 : i32
        %broadcast_in_dim3A_473 = vector.broadcast %broadcast_in_dim3A_472 : i32 to vector<16xi32>
        %gather3A_474 = tpu.vector_load_idx %arg10[%broadcast_in_dim3A_473, %select_n3A_249] : memref<64x512xf32, #tpu.memory_space<vmem>>[vector<16xi32>, vector<16xi32>], vector<16xf32>,
        %broadcast_in_dim3A_475 = arith.constant 43 : i32
        %broadcast_in_dim3A_476 = vector.broadcast %broadcast_in_dim3A_475 : i32 to vector<16xi32>
        tpu.vector_store_idx %arg11[%add3A_257, %broadcast_in_dim3A_476], %gather3A_474 : memref<32x128xf32, #tpu.memory_space<vmem>>[vector<16xi32>, vector<16xi32>], vector<16xf32>,
        %broadcast_in_dim3A_477 = arith.constant 44 : i32
        %broadcast_in_dim3A_478 = vector.broadcast %broadcast_in_dim3A_477 : i32 to vector<16xi32>
        %gather3A_479 = tpu.vector_load_idx %arg10[%broadcast_in_dim3A_478, %select_n3A_249] : memref<64x512xf32, #tpu.memory_space<vmem>>[vector<16xi32>, vector<16xi32>], vector<16xf32>,
        %broadcast_in_dim3A_480 = arith.constant 44 : i32
        %broadcast_in_dim3A_481 = vector.broadcast %broadcast_in_dim3A_480 : i32 to vector<16xi32>
        tpu.vector_store_idx %arg11[%add3A_257, %broadcast_in_dim3A_481], %gather3A_479 : memref<32x128xf32, #tpu.memory_space<vmem>>[vector<16xi32>, vector<16xi32>], vector<16xf32>,
        %broadcast_in_dim3A_482 = arith.constant 45 : i32
        %broadcast_in_dim3A_483 = vector.broadcast %broadcast_in_dim3A_482 : i32 to vector<16xi32>
        %gather3A_484 = tpu.vector_load_idx %arg10[%broadcast_in_dim3A_483, %select_n3A_249] : memref<64x512xf32, #tpu.memory_space<vmem>>[vector<16xi32>, vector<16xi32>], vector<16xf32>,
        %broadcast_in_dim3A_485 = arith.constant 45 : i32
        %broadcast_in_dim3A_486 = vector.broadcast %broadcast_in_dim3A_485 : i32 to vector<16xi32>
        tpu.vector_store_idx %arg11[%add3A_257, %broadcast_in_dim3A_486], %gather3A_484 : memref<32x128xf32, #tpu.memory_space<vmem>>[vector<16xi32>, vector<16xi32>], vector<16xf32>,
        %broadcast_in_dim3A_487 = arith.constant 46 : i32
        %broadcast_in_dim3A_488 = vector.broadcast %broadcast_in_dim3A_487 : i32 to vector<16xi32>
        %gather3A_489 = tpu.vector_load_idx %arg10[%broadcast_in_dim3A_488, %select_n3A_249] : memref<64x512xf32, #tpu.memory_space<vmem>>[vector<16xi32>, vector<16xi32>], vector<16xf32>,
        %broadcast_in_dim3A_490 = arith.constant 46 : i32
        %broadcast_in_dim3A_491 = vector.broadcast %broadcast_in_dim3A_490 : i32 to vector<16xi32>
        tpu.vector_store_idx %arg11[%add3A_257, %broadcast_in_dim3A_491], %gather3A_489 : memref<32x128xf32, #tpu.memory_space<vmem>>[vector<16xi32>, vector<16xi32>], vector<16xf32>,
        %broadcast_in_dim3A_492 = arith.constant 47 : i32
        %broadcast_in_dim3A_493 = vector.broadcast %broadcast_in_dim3A_492 : i32 to vector<16xi32>
        %gather3A_494 = tpu.vector_load_idx %arg10[%broadcast_in_dim3A_493, %select_n3A_249] : memref<64x512xf32, #tpu.memory_space<vmem>>[vector<16xi32>, vector<16xi32>], vector<16xf32>,
        %broadcast_in_dim3A_495 = arith.constant 47 : i32
        %broadcast_in_dim3A_496 = vector.broadcast %broadcast_in_dim3A_495 : i32 to vector<16xi32>
        tpu.vector_store_idx %arg11[%add3A_257, %broadcast_in_dim3A_496], %gather3A_494 : memref<32x128xf32, #tpu.memory_space<vmem>>[vector<16xi32>, vector<16xi32>], vector<16xf32>,
        %broadcast_in_dim3A_497 = arith.constant 48 : i32
        %broadcast_in_dim3A_498 = vector.broadcast %broadcast_in_dim3A_497 : i32 to vector<16xi32>
        %gather3A_499 = tpu.vector_load_idx %arg10[%broadcast_in_dim3A_498, %select_n3A_249] : memref<64x512xf32, #tpu.memory_space<vmem>>[vector<16xi32>, vector<16xi32>], vector<16xf32>,
        %broadcast_in_dim3A_500 = arith.constant 48 : i32
        %broadcast_in_dim3A_501 = vector.broadcast %broadcast_in_dim3A_500 : i32 to vector<16xi32>
        tpu.vector_store_idx %arg11[%add3A_257, %broadcast_in_dim3A_501], %gather3A_499 : memref<32x128xf32, #tpu.memory_space<vmem>>[vector<16xi32>, vector<16xi32>], vector<16xf32>,
        %broadcast_in_dim3A_502 = arith.constant 49 : i32
        %broadcast_in_dim3A_503 = vector.broadcast %broadcast_in_dim3A_502 : i32 to vector<16xi32>
        %gather3A_504 = tpu.vector_load_idx %arg10[%broadcast_in_dim3A_503, %select_n3A_249] : memref<64x512xf32, #tpu.memory_space<vmem>>[vector<16xi32>, vector<16xi32>], vector<16xf32>,
        %broadcast_in_dim3A_505 = arith.constant 49 : i32
        %broadcast_in_dim3A_506 = vector.broadcast %broadcast_in_dim3A_505 : i32 to vector<16xi32>
        tpu.vector_store_idx %arg11[%add3A_257, %broadcast_in_dim3A_506], %gather3A_504 : memref<32x128xf32, #tpu.memory_space<vmem>>[vector<16xi32>, vector<16xi32>], vector<16xf32>,
        %broadcast_in_dim3A_507 = arith.constant 50 : i32
        %broadcast_in_dim3A_508 = vector.broadcast %broadcast_in_dim3A_507 : i32 to vector<16xi32>
        %gather3A_509 = tpu.vector_load_idx %arg10[%broadcast_in_dim3A_508, %select_n3A_249] : memref<64x512xf32, #tpu.memory_space<vmem>>[vector<16xi32>, vector<16xi32>], vector<16xf32>,
        %broadcast_in_dim3A_510 = arith.constant 50 : i32
        %broadcast_in_dim3A_511 = vector.broadcast %broadcast_in_dim3A_510 : i32 to vector<16xi32>
        tpu.vector_store_idx %arg11[%add3A_257, %broadcast_in_dim3A_511], %gather3A_509 : memref<32x128xf32, #tpu.memory_space<vmem>>[vector<16xi32>, vector<16xi32>], vector<16xf32>,
        %broadcast_in_dim3A_512 = arith.constant 51 : i32
        %broadcast_in_dim3A_513 = vector.broadcast %broadcast_in_dim3A_512 : i32 to vector<16xi32>
        %gather3A_514 = tpu.vector_load_idx %arg10[%broadcast_in_dim3A_513, %select_n3A_249] : memref<64x512xf32, #tpu.memory_space<vmem>>[vector<16xi32>, vector<16xi32>], vector<16xf32>,
        %broadcast_in_dim3A_515 = arith.constant 51 : i32
        %broadcast_in_dim3A_516 = vector.broadcast %broadcast_in_dim3A_515 : i32 to vector<16xi32>
        tpu.vector_store_idx %arg11[%add3A_257, %broadcast_in_dim3A_516], %gather3A_514 : memref<32x128xf32, #tpu.memory_space<vmem>>[vector<16xi32>, vector<16xi32>], vector<16xf32>,
        %broadcast_in_dim3A_517 = arith.constant 52 : i32
        %broadcast_in_dim3A_518 = vector.broadcast %broadcast_in_dim3A_517 : i32 to vector<16xi32>
        %gather3A_519 = tpu.vector_load_idx %arg10[%broadcast_in_dim3A_518, %select_n3A_249] : memref<64x512xf32, #tpu.memory_space<vmem>>[vector<16xi32>, vector<16xi32>], vector<16xf32>,
        %broadcast_in_dim3A_520 = arith.constant 52 : i32
        %broadcast_in_dim3A_521 = vector.broadcast %broadcast_in_dim3A_520 : i32 to vector<16xi32>
        tpu.vector_store_idx %arg11[%add3A_257, %broadcast_in_dim3A_521], %gather3A_519 : memref<32x128xf32, #tpu.memory_space<vmem>>[vector<16xi32>, vector<16xi32>], vector<16xf32>,
        %broadcast_in_dim3A_522 = arith.constant 53 : i32
        %broadcast_in_dim3A_523 = vector.broadcast %broadcast_in_dim3A_522 : i32 to vector<16xi32>
        %gather3A_524 = tpu.vector_load_idx %arg10[%broadcast_in_dim3A_523, %select_n3A_249] : memref<64x512xf32, #tpu.memory_space<vmem>>[vector<16xi32>, vector<16xi32>], vector<16xf32>,
        %broadcast_in_dim3A_525 = arith.constant 53 : i32
        %broadcast_in_dim3A_526 = vector.broadcast %broadcast_in_dim3A_525 : i32 to vector<16xi32>
        tpu.vector_store_idx %arg11[%add3A_257, %broadcast_in_dim3A_526], %gather3A_524 : memref<32x128xf32, #tpu.memory_space<vmem>>[vector<16xi32>, vector<16xi32>], vector<16xf32>,
        %broadcast_in_dim3A_527 = arith.constant 54 : i32
        %broadcast_in_dim3A_528 = vector.broadcast %broadcast_in_dim3A_527 : i32 to vector<16xi32>
        %gather3A_529 = tpu.vector_load_idx %arg10[%broadcast_in_dim3A_528, %select_n3A_249] : memref<64x512xf32, #tpu.memory_space<vmem>>[vector<16xi32>, vector<16xi32>], vector<16xf32>,
        %broadcast_in_dim3A_530 = arith.constant 54 : i32
        %broadcast_in_dim3A_531 = vector.broadcast %broadcast_in_dim3A_530 : i32 to vector<16xi32>
        tpu.vector_store_idx %arg11[%add3A_257, %broadcast_in_dim3A_531], %gather3A_529 : memref<32x128xf32, #tpu.memory_space<vmem>>[vector<16xi32>, vector<16xi32>], vector<16xf32>,
        %broadcast_in_dim3A_532 = arith.constant 55 : i32
        %broadcast_in_dim3A_533 = vector.broadcast %broadcast_in_dim3A_532 : i32 to vector<16xi32>
        %gather3A_534 = tpu.vector_load_idx %arg10[%broadcast_in_dim3A_533, %select_n3A_249] : memref<64x512xf32, #tpu.memory_space<vmem>>[vector<16xi32>, vector<16xi32>], vector<16xf32>,
        %broadcast_in_dim3A_535 = arith.constant 55 : i32
        %broadcast_in_dim3A_536 = vector.broadcast %broadcast_in_dim3A_535 : i32 to vector<16xi32>
        tpu.vector_store_idx %arg11[%add3A_257, %broadcast_in_dim3A_536], %gather3A_534 : memref<32x128xf32, #tpu.memory_space<vmem>>[vector<16xi32>, vector<16xi32>], vector<16xf32>,
        %broadcast_in_dim3A_537 = arith.constant 56 : i32
        %broadcast_in_dim3A_538 = vector.broadcast %broadcast_in_dim3A_537 : i32 to vector<16xi32>
        %gather3A_539 = tpu.vector_load_idx %arg10[%broadcast_in_dim3A_538, %select_n3A_249] : memref<64x512xf32, #tpu.memory_space<vmem>>[vector<16xi32>, vector<16xi32>], vector<16xf32>,
        %broadcast_in_dim3A_540 = arith.constant 56 : i32
        %broadcast_in_dim3A_541 = vector.broadcast %broadcast_in_dim3A_540 : i32 to vector<16xi32>
        tpu.vector_store_idx %arg11[%add3A_257, %broadcast_in_dim3A_541], %gather3A_539 : memref<32x128xf32, #tpu.memory_space<vmem>>[vector<16xi32>, vector<16xi32>], vector<16xf32>,
        %broadcast_in_dim3A_542 = arith.constant 57 : i32
        %broadcast_in_dim3A_543 = vector.broadcast %broadcast_in_dim3A_542 : i32 to vector<16xi32>
        %gather3A_544 = tpu.vector_load_idx %arg10[%broadcast_in_dim3A_543, %select_n3A_249] : memref<64x512xf32, #tpu.memory_space<vmem>>[vector<16xi32>, vector<16xi32>], vector<16xf32>,
        %broadcast_in_dim3A_545 = arith.constant 57 : i32
        %broadcast_in_dim3A_546 = vector.broadcast %broadcast_in_dim3A_545 : i32 to vector<16xi32>
        tpu.vector_store_idx %arg11[%add3A_257, %broadcast_in_dim3A_546], %gather3A_544 : memref<32x128xf32, #tpu.memory_space<vmem>>[vector<16xi32>, vector<16xi32>], vector<16xf32>,
        %broadcast_in_dim3A_547 = arith.constant 58 : i32
        %broadcast_in_dim3A_548 = vector.broadcast %broadcast_in_dim3A_547 : i32 to vector<16xi32>
        %gather3A_549 = tpu.vector_load_idx %arg10[%broadcast_in_dim3A_548, %select_n3A_249] : memref<64x512xf32, #tpu.memory_space<vmem>>[vector<16xi32>, vector<16xi32>], vector<16xf32>,
        %broadcast_in_dim3A_550 = arith.constant 58 : i32
        %broadcast_in_dim3A_551 = vector.broadcast %broadcast_in_dim3A_550 : i32 to vector<16xi32>
        tpu.vector_store_idx %arg11[%add3A_257, %broadcast_in_dim3A_551], %gather3A_549 : memref<32x128xf32, #tpu.memory_space<vmem>>[vector<16xi32>, vector<16xi32>], vector<16xf32>,
        %broadcast_in_dim3A_552 = arith.constant 59 : i32
        %broadcast_in_dim3A_553 = vector.broadcast %broadcast_in_dim3A_552 : i32 to vector<16xi32>
        %gather3A_554 = tpu.vector_load_idx %arg10[%broadcast_in_dim3A_553, %select_n3A_249] : memref<64x512xf32, #tpu.memory_space<vmem>>[vector<16xi32>, vector<16xi32>], vector<16xf32>,
        %broadcast_in_dim3A_555 = arith.constant 59 : i32
        %broadcast_in_dim3A_556 = vector.broadcast %broadcast_in_dim3A_555 : i32 to vector<16xi32>
        tpu.vector_store_idx %arg11[%add3A_257, %broadcast_in_dim3A_556], %gather3A_554 : memref<32x128xf32, #tpu.memory_space<vmem>>[vector<16xi32>, vector<16xi32>], vector<16xf32>,
        %broadcast_in_dim3A_557 = arith.constant 60 : i32
        %broadcast_in_dim3A_558 = vector.broadcast %broadcast_in_dim3A_557 : i32 to vector<16xi32>
        %gather3A_559 = tpu.vector_load_idx %arg10[%broadcast_in_dim3A_558, %select_n3A_249] : memref<64x512xf32, #tpu.memory_space<vmem>>[vector<16xi32>, vector<16xi32>], vector<16xf32>,
        %broadcast_in_dim3A_560 = arith.constant 60 : i32
        %broadcast_in_dim3A_561 = vector.broadcast %broadcast_in_dim3A_560 : i32 to vector<16xi32>
        tpu.vector_store_idx %arg11[%add3A_257, %broadcast_in_dim3A_561], %gather3A_559 : memref<32x128xf32, #tpu.memory_space<vmem>>[vector<16xi32>, vector<16xi32>], vector<16xf32>,
        %broadcast_in_dim3A_562 = arith.constant 61 : i32
        %broadcast_in_dim3A_563 = vector.broadcast %broadcast_in_dim3A_562 : i32 to vector<16xi32>
        %gather3A_564 = tpu.vector_load_idx %arg10[%broadcast_in_dim3A_563, %select_n3A_249] : memref<64x512xf32, #tpu.memory_space<vmem>>[vector<16xi32>, vector<16xi32>], vector<16xf32>,
        %broadcast_in_dim3A_565 = arith.constant 61 : i32
        %broadcast_in_dim3A_566 = vector.broadcast %broadcast_in_dim3A_565 : i32 to vector<16xi32>
        tpu.vector_store_idx %arg11[%add3A_257, %broadcast_in_dim3A_566], %gather3A_564 : memref<32x128xf32, #tpu.memory_space<vmem>>[vector<16xi32>, vector<16xi32>], vector<16xf32>,
        %broadcast_in_dim3A_567 = arith.constant 62 : i32
        %broadcast_in_dim3A_568 = vector.broadcast %broadcast_in_dim3A_567 : i32 to vector<16xi32>
        %gather3A_569 = tpu.vector_load_idx %arg10[%broadcast_in_dim3A_568, %select_n3A_249] : memref<64x512xf32, #tpu.memory_space<vmem>>[vector<16xi32>, vector<16xi32>], vector<16xf32>,
        %broadcast_in_dim3A_570 = arith.constant 62 : i32
        %broadcast_in_dim3A_571 = vector.broadcast %broadcast_in_dim3A_570 : i32 to vector<16xi32>
        tpu.vector_store_idx %arg11[%add3A_257, %broadcast_in_dim3A_571], %gather3A_569 : memref<32x128xf32, #tpu.memory_space<vmem>>[vector<16xi32>, vector<16xi32>], vector<16xf32>,
        %broadcast_in_dim3A_572 = arith.constant 63 : i32
        %broadcast_in_dim3A_573 = vector.broadcast %broadcast_in_dim3A_572 : i32 to vector<16xi32>
        %gather3A_574 = tpu.vector_load_idx %arg10[%broadcast_in_dim3A_573, %select_n3A_249] : memref<64x512xf32, #tpu.memory_space<vmem>>[vector<16xi32>, vector<16xi32>], vector<16xf32>,
        %broadcast_in_dim3A_575 = arith.constant 63 : i32
        %broadcast_in_dim3A_576 = vector.broadcast %broadcast_in_dim3A_575 : i32 to vector<16xi32>
        tpu.vector_store_idx %arg11[%add3A_257, %broadcast_in_dim3A_576], %gather3A_574 : memref<32x128xf32, #tpu.memory_space<vmem>>[vector<16xi32>, vector<16xi32>], vector<16xf32>,
        %swap3A = arith.index_cast %select_n3A_230 : i32 to index
        %swap3A_577 = arith.constant 0 : index
        %swap3A_578 = tpu.vector_load %arg12[%swap3A, %swap3A_577] {strides = array<i32>} : memref<2x16xi32, #tpu.memory_space<vmem>>, vector<16xi32>,
        tpu.vector_store %arg12[%swap3A, %swap3A_577], %select_n3A_253 {strides = array<i32>} : memref<2x16xi32, #tpu.memory_space<vmem>>, vector<16xi32>,
        %mul3A_579 = arith.constant 16 : i32
        %mul3A_580 = arith.muli %select_n3A_230, %mul3A_579 : i32
        %dma_start3A_581 = arith.constant 0 : i32
        %dma_start3A_582 = tpu.memref_slice %arg11[%mul3A_580, %dma_start3A_581] : memref<32x128xf32, #tpu.memory_space<vmem>> -> memref<16x128xf32, #tpu.memory_space<vmem>>
        %dma_start3A_583 = arith.constant 0 : i32
        %dma_start3A_584 = tpu.memref_slice %arg12[%select_n3A_230, %dma_start3A_583] : memref<2x16xi32, #tpu.memory_space<vmem>> -> memref<1x16xi32, #tpu.memory_space<vmem>>
        %dma_start3A_585 = tpu.memref_squeeze %dma_start3A_584 : memref<1x16xi32, #tpu.memory_space<vmem>> -> memref<16xi32, #tpu.memory_space<vmem>>
        %dma_start3A_586 = arith.constant 0 : i32
        %dma_start3A_587 = arith.constant 0 : i32
        %dma_start3A_588 = tpu.memref_slice %arg4[%dma_start3A_586, %dma_start3A_587] : memref<8192x128xf32, #tpu.memory_space<hbm>> -> memref<8192x128xf32, #tpu.memory_space<hbm>>
        tpu.enqueue_indirect_dma source(%dma_start3A_582 : memref<16x128xf32, #tpu.memory_space<vmem>>) target(%dma_start3A_588 : memref<8192x128xf32, #tpu.memory_space<hbm>>) offsets(%dma_start3A_585 : memref<16xi32, #tpu.memory_space<vmem>>) semaphore(%arg15 : memref<!tpu.dma_semaphore, #tpu.memory_space<semaphore_mem>>)
        %add3A_589 = arith.constant 1 : i32
        %add3A_590 = arith.addi %while3A_215, %add3A_589 : i32
        scf.yield %add3A_590 : i32
      }
      %while3A_203 = arith.constant 1 : i32
      %while3A_204 = scf.for %while3A_214 = %while3A_200 to %while3A_196 step %while3A_203 iter_args(%while3A_215 = %while3A_202) -> (i32)  : i32 {
        %jit3A_216 = arith.constant 2 : i32
        %eq3A = arith.constant 0 : i32
        %eq3A_217 = arith.cmpi eq, %jit3A_216, %eq3A : i32
        %jit3A_218 = arith.constant 1 : i32
        %select_n3A_219 = arith.select %eq3A_217, %jit3A_218, %jit3A_216 : i32
        %rem3A_220 = arith.remsi %while3A_215, %select_n3A_219 : i32
        %ne3A_221 = arith.constant 0 : i32
        %ne3A_222 = arith.cmpi ne, %rem3A_220, %ne3A_221 : i32
        %lt3A_223 = arith.constant 0 : i32
        %lt3A_224 = arith.cmpi slt, %rem3A_220, %lt3A_223 : i32
        %lt3A_225 = arith.constant 0 : i32
        %lt3A_226 = arith.cmpi slt, %select_n3A_219, %lt3A_225 : i32
        %ne3A_227 = arith.xori %lt3A_224, %lt3A_226 : i1
        %and3A_228 = arith.andi %ne3A_227, %ne3A_222 : i1
        %add3A_229 = arith.addi %rem3A_220, %select_n3A_219 : i32
        %select_n3A_230 = arith.select %and3A_228, %add3A_229, %rem3A_220 : i32
        %ge3A = arith.constant 2 : i32
        %ge3A_231 = arith.cmpi sge, %while3A_215, %ge3A : i32
        %convert_element_type3A_232 = arith.extui %ge3A_231 : i1 to i32
        %cond3A_233 = arith.constant 0 : i32
        %cond3A_234 = arith.cmpi ne, %convert_element_type3A_232, %cond3A_233 : i32
        scf.if %cond3A_234 {
          %dma_wait3A_591 = arith.constant 0 : i32
          %dma_wait3A_592 = arith.constant 0 : i32
          %dma_wait3A_593 = tpu.memref_slice %arg11[%dma_wait3A_591, %dma_wait3A_592] : memref<32x128xf32, #tpu.memory_space<vmem>> -> memref<16x128xf32, #tpu.memory_space<vmem>>
          %dma_wait3A_594 = arith.constant 0 : i32
          %dma_wait3A_595 = arith.constant 0 : i32
          %dma_wait3A_596 = tpu.memref_slice %arg4[%dma_wait3A_594, %dma_wait3A_595] : memref<8192x128xf32, #tpu.memory_space<hbm>> -> memref<16x128xf32, #tpu.memory_space<hbm>>
          %dma_wait3A_597 = arith.constant 0 : i32
          %dma_wait3A_598 = arith.constant 0 : i32
          %dma_wait3A_599 = tpu.memref_slice %arg11[%dma_wait3A_597, %dma_wait3A_598] : memref<32x128xf32, #tpu.memory_space<vmem>> -> memref<16x128xf32, #tpu.memory_space<vmem>>
          %dma_wait3A_600 = arith.constant 0 : i32
          %dma_wait3A_601 = arith.constant 0 : i32
          %dma_wait3A_602 = tpu.memref_slice %arg4[%dma_wait3A_600, %dma_wait3A_601] : memref<8192x128xf32, #tpu.memory_space<hbm>> -> memref<16x128xf32, #tpu.memory_space<hbm>>
          tpu.wait_dma2 semaphore(%arg15 : memref<!tpu.dma_semaphore, #tpu.memory_space<semaphore_mem>>) src(%dma_wait3A_602 : memref<16x128xf32, #tpu.memory_space<hbm>>) dst(%dma_wait3A_599 : memref<16x128xf32, #tpu.memory_space<vmem>>)
        } else {
        }
        %mul3A_235 = arith.constant 16 : i32
        %mul3A_236 = arith.muli %while3A_214, %mul3A_235 : i32
        %add3A_237 = vector.broadcast %mul3A_236 : i32 to vector<16xi32>
        %add3A_238 = arith.addi %add3A_237, %iota3A : vector<16xi32>
        %lt3A_239 = vector.broadcast %while3A_165 : i32 to vector<16xi32>
        %lt3A_240 = arith.cmpi slt, %add3A_238, %lt3A_239 : vector<16xi32>
        %mul3A_241 = arith.constant 16 : i32
        %mul3A_242 = arith.muli %while3A_214, %mul3A_241 : i32
        %get3A = arith.index_cast %mul3A_242 : i32 to index
        %get3A_243 = tpu.vector_load %arg8[%get3A] {strides = array<i32>} : memref<8192xi32, #tpu.memory_space<vmem>>, vector<16xi32>,
        %and3A_244 = arith.constant 1023 : i32
        %and3A_245 = vector.broadcast %and3A_244 : i32 to vector<16xi32>
        %and3A_246 = arith.andi %get3A_243, %and3A_245 : vector<16xi32>
        %shift_right_arithmetic3A = arith.constant 10 : i32
        %shift_right_arithmetic3A_247 = vector.broadcast %shift_right_arithmetic3A : i32 to vector<16xi32>
        %shift_right_arithmetic3A_248 = arith.shrsi %get3A_243, %shift_right_arithmetic3A_247 : vector<16xi32>
        %slice3A = vector.extract_strided_slice %and3A_246 {offsets = [0], sizes = [1], strides = [1]} : vector<16xi32> to vector<1xi32>
        %squeeze3A = vector.extract %slice3A[0] : i32 from vector<1xi32>
        %broadcast_in_dim3A = vector.broadcast %squeeze3A : i32 to vector<16xi32>
        %select_n3A_249 = arith.select %lt3A_240, %and3A_246, %broadcast_in_dim3A : vector<16xi1>, vector<16xi32>
        %slice3A_250 = vector.extract_strided_slice %shift_right_arithmetic3A_248 {offsets = [0], sizes = [1], strides = [1]} : vector<16xi32> to vector<1xi32>
        %squeeze3A_251 = vector.extract %slice3A_250[0] : i32 from vector<1xi32>
        %broadcast_in_dim3A_252 = vector.broadcast %squeeze3A_251 : i32 to vector<16xi32>
        %select_n3A_253 = arith.select %lt3A_240, %shift_right_arithmetic3A_248, %broadcast_in_dim3A_252 : vector<16xi1>, vector<16xi32>
        %mul3A_254 = arith.constant 16 : i32
        %mul3A_255 = arith.muli %select_n3A_230, %mul3A_254 : i32
        %add3A_256 = vector.broadcast %mul3A_255 : i32 to vector<16xi32>
        %add3A_257 = arith.addi %add3A_256, %iota3A : vector<16xi32>
        %broadcast_in_dim3A_258 = arith.constant 0 : i32
        %broadcast_in_dim3A_259 = vector.broadcast %broadcast_in_dim3A_258 : i32 to vector<16xi32>
        %gather3A = tpu.vector_load_idx %arg10[%broadcast_in_dim3A_259, %select_n3A_249] : memref<64x512xf32, #tpu.memory_space<vmem>>[vector<16xi32>, vector<16xi32>], vector<16xf32>,
        %broadcast_in_dim3A_260 = arith.constant 0 : i32
        %broadcast_in_dim3A_261 = vector.broadcast %broadcast_in_dim3A_260 : i32 to vector<16xi32>
        tpu.vector_store_idx %arg11[%add3A_257, %broadcast_in_dim3A_261], %gather3A : memref<32x128xf32, #tpu.memory_space<vmem>>[vector<16xi32>, vector<16xi32>], vector<16xf32>,
        %broadcast_in_dim3A_262 = arith.constant 1 : i32
        %broadcast_in_dim3A_263 = vector.broadcast %broadcast_in_dim3A_262 : i32 to vector<16xi32>
        %gather3A_264 = tpu.vector_load_idx %arg10[%broadcast_in_dim3A_263, %select_n3A_249] : memref<64x512xf32, #tpu.memory_space<vmem>>[vector<16xi32>, vector<16xi32>], vector<16xf32>,
        %broadcast_in_dim3A_265 = arith.constant 1 : i32
        %broadcast_in_dim3A_266 = vector.broadcast %broadcast_in_dim3A_265 : i32 to vector<16xi32>
        tpu.vector_store_idx %arg11[%add3A_257, %broadcast_in_dim3A_266], %gather3A_264 : memref<32x128xf32, #tpu.memory_space<vmem>>[vector<16xi32>, vector<16xi32>], vector<16xf32>,
        %broadcast_in_dim3A_267 = arith.constant 2 : i32
        %broadcast_in_dim3A_268 = vector.broadcast %broadcast_in_dim3A_267 : i32 to vector<16xi32>
        %gather3A_269 = tpu.vector_load_idx %arg10[%broadcast_in_dim3A_268, %select_n3A_249] : memref<64x512xf32, #tpu.memory_space<vmem>>[vector<16xi32>, vector<16xi32>], vector<16xf32>,
        %broadcast_in_dim3A_270 = arith.constant 2 : i32
        %broadcast_in_dim3A_271 = vector.broadcast %broadcast_in_dim3A_270 : i32 to vector<16xi32>
        tpu.vector_store_idx %arg11[%add3A_257, %broadcast_in_dim3A_271], %gather3A_269 : memref<32x128xf32, #tpu.memory_space<vmem>>[vector<16xi32>, vector<16xi32>], vector<16xf32>,
        %broadcast_in_dim3A_272 = arith.constant 3 : i32
        %broadcast_in_dim3A_273 = vector.broadcast %broadcast_in_dim3A_272 : i32 to vector<16xi32>
        %gather3A_274 = tpu.vector_load_idx %arg10[%broadcast_in_dim3A_273, %select_n3A_249] : memref<64x512xf32, #tpu.memory_space<vmem>>[vector<16xi32>, vector<16xi32>], vector<16xf32>,
        %broadcast_in_dim3A_275 = arith.constant 3 : i32
        %broadcast_in_dim3A_276 = vector.broadcast %broadcast_in_dim3A_275 : i32 to vector<16xi32>
        tpu.vector_store_idx %arg11[%add3A_257, %broadcast_in_dim3A_276], %gather3A_274 : memref<32x128xf32, #tpu.memory_space<vmem>>[vector<16xi32>, vector<16xi32>], vector<16xf32>,
        %broadcast_in_dim3A_277 = arith.constant 4 : i32
        %broadcast_in_dim3A_278 = vector.broadcast %broadcast_in_dim3A_277 : i32 to vector<16xi32>
        %gather3A_279 = tpu.vector_load_idx %arg10[%broadcast_in_dim3A_278, %select_n3A_249] : memref<64x512xf32, #tpu.memory_space<vmem>>[vector<16xi32>, vector<16xi32>], vector<16xf32>,
        %broadcast_in_dim3A_280 = arith.constant 4 : i32
        %broadcast_in_dim3A_281 = vector.broadcast %broadcast_in_dim3A_280 : i32 to vector<16xi32>
        tpu.vector_store_idx %arg11[%add3A_257, %broadcast_in_dim3A_281], %gather3A_279 : memref<32x128xf32, #tpu.memory_space<vmem>>[vector<16xi32>, vector<16xi32>], vector<16xf32>,
        %broadcast_in_dim3A_282 = arith.constant 5 : i32
        %broadcast_in_dim3A_283 = vector.broadcast %broadcast_in_dim3A_282 : i32 to vector<16xi32>
        %gather3A_284 = tpu.vector_load_idx %arg10[%broadcast_in_dim3A_283, %select_n3A_249] : memref<64x512xf32, #tpu.memory_space<vmem>>[vector<16xi32>, vector<16xi32>], vector<16xf32>,
        %broadcast_in_dim3A_285 = arith.constant 5 : i32
        %broadcast_in_dim3A_286 = vector.broadcast %broadcast_in_dim3A_285 : i32 to vector<16xi32>
        tpu.vector_store_idx %arg11[%add3A_257, %broadcast_in_dim3A_286], %gather3A_284 : memref<32x128xf32, #tpu.memory_space<vmem>>[vector<16xi32>, vector<16xi32>], vector<16xf32>,
        %broadcast_in_dim3A_287 = arith.constant 6 : i32
        %broadcast_in_dim3A_288 = vector.broadcast %broadcast_in_dim3A_287 : i32 to vector<16xi32>
        %gather3A_289 = tpu.vector_load_idx %arg10[%broadcast_in_dim3A_288, %select_n3A_249] : memref<64x512xf32, #tpu.memory_space<vmem>>[vector<16xi32>, vector<16xi32>], vector<16xf32>,
        %broadcast_in_dim3A_290 = arith.constant 6 : i32
        %broadcast_in_dim3A_291 = vector.broadcast %broadcast_in_dim3A_290 : i32 to vector<16xi32>
        tpu.vector_store_idx %arg11[%add3A_257, %broadcast_in_dim3A_291], %gather3A_289 : memref<32x128xf32, #tpu.memory_space<vmem>>[vector<16xi32>, vector<16xi32>], vector<16xf32>,
        %broadcast_in_dim3A_292 = arith.constant 7 : i32
        %broadcast_in_dim3A_293 = vector.broadcast %broadcast_in_dim3A_292 : i32 to vector<16xi32>
        %gather3A_294 = tpu.vector_load_idx %arg10[%broadcast_in_dim3A_293, %select_n3A_249] : memref<64x512xf32, #tpu.memory_space<vmem>>[vector<16xi32>, vector<16xi32>], vector<16xf32>,
        %broadcast_in_dim3A_295 = arith.constant 7 : i32
        %broadcast_in_dim3A_296 = vector.broadcast %broadcast_in_dim3A_295 : i32 to vector<16xi32>
        tpu.vector_store_idx %arg11[%add3A_257, %broadcast_in_dim3A_296], %gather3A_294 : memref<32x128xf32, #tpu.memory_space<vmem>>[vector<16xi32>, vector<16xi32>], vector<16xf32>,
        %broadcast_in_dim3A_297 = arith.constant 8 : i32
        %broadcast_in_dim3A_298 = vector.broadcast %broadcast_in_dim3A_297 : i32 to vector<16xi32>
        %gather3A_299 = tpu.vector_load_idx %arg10[%broadcast_in_dim3A_298, %select_n3A_249] : memref<64x512xf32, #tpu.memory_space<vmem>>[vector<16xi32>, vector<16xi32>], vector<16xf32>,
        %broadcast_in_dim3A_300 = arith.constant 8 : i32
        %broadcast_in_dim3A_301 = vector.broadcast %broadcast_in_dim3A_300 : i32 to vector<16xi32>
        tpu.vector_store_idx %arg11[%add3A_257, %broadcast_in_dim3A_301], %gather3A_299 : memref<32x128xf32, #tpu.memory_space<vmem>>[vector<16xi32>, vector<16xi32>], vector<16xf32>,
        %broadcast_in_dim3A_302 = arith.constant 9 : i32
        %broadcast_in_dim3A_303 = vector.broadcast %broadcast_in_dim3A_302 : i32 to vector<16xi32>
        %gather3A_304 = tpu.vector_load_idx %arg10[%broadcast_in_dim3A_303, %select_n3A_249] : memref<64x512xf32, #tpu.memory_space<vmem>>[vector<16xi32>, vector<16xi32>], vector<16xf32>,
        %broadcast_in_dim3A_305 = arith.constant 9 : i32
        %broadcast_in_dim3A_306 = vector.broadcast %broadcast_in_dim3A_305 : i32 to vector<16xi32>
        tpu.vector_store_idx %arg11[%add3A_257, %broadcast_in_dim3A_306], %gather3A_304 : memref<32x128xf32, #tpu.memory_space<vmem>>[vector<16xi32>, vector<16xi32>], vector<16xf32>,
        %broadcast_in_dim3A_307 = arith.constant 10 : i32
        %broadcast_in_dim3A_308 = vector.broadcast %broadcast_in_dim3A_307 : i32 to vector<16xi32>
        %gather3A_309 = tpu.vector_load_idx %arg10[%broadcast_in_dim3A_308, %select_n3A_249] : memref<64x512xf32, #tpu.memory_space<vmem>>[vector<16xi32>, vector<16xi32>], vector<16xf32>,
        %broadcast_in_dim3A_310 = arith.constant 10 : i32
        %broadcast_in_dim3A_311 = vector.broadcast %broadcast_in_dim3A_310 : i32 to vector<16xi32>
        tpu.vector_store_idx %arg11[%add3A_257, %broadcast_in_dim3A_311], %gather3A_309 : memref<32x128xf32, #tpu.memory_space<vmem>>[vector<16xi32>, vector<16xi32>], vector<16xf32>,
        %broadcast_in_dim3A_312 = arith.constant 11 : i32
        %broadcast_in_dim3A_313 = vector.broadcast %broadcast_in_dim3A_312 : i32 to vector<16xi32>
        %gather3A_314 = tpu.vector_load_idx %arg10[%broadcast_in_dim3A_313, %select_n3A_249] : memref<64x512xf32, #tpu.memory_space<vmem>>[vector<16xi32>, vector<16xi32>], vector<16xf32>,
        %broadcast_in_dim3A_315 = arith.constant 11 : i32
        %broadcast_in_dim3A_316 = vector.broadcast %broadcast_in_dim3A_315 : i32 to vector<16xi32>
        tpu.vector_store_idx %arg11[%add3A_257, %broadcast_in_dim3A_316], %gather3A_314 : memref<32x128xf32, #tpu.memory_space<vmem>>[vector<16xi32>, vector<16xi32>], vector<16xf32>,
        %broadcast_in_dim3A_317 = arith.constant 12 : i32
        %broadcast_in_dim3A_318 = vector.broadcast %broadcast_in_dim3A_317 : i32 to vector<16xi32>
        %gather3A_319 = tpu.vector_load_idx %arg10[%broadcast_in_dim3A_318, %select_n3A_249] : memref<64x512xf32, #tpu.memory_space<vmem>>[vector<16xi32>, vector<16xi32>], vector<16xf32>,
        %broadcast_in_dim3A_320 = arith.constant 12 : i32
        %broadcast_in_dim3A_321 = vector.broadcast %broadcast_in_dim3A_320 : i32 to vector<16xi32>
        tpu.vector_store_idx %arg11[%add3A_257, %broadcast_in_dim3A_321], %gather3A_319 : memref<32x128xf32, #tpu.memory_space<vmem>>[vector<16xi32>, vector<16xi32>], vector<16xf32>,
        %broadcast_in_dim3A_322 = arith.constant 13 : i32
        %broadcast_in_dim3A_323 = vector.broadcast %broadcast_in_dim3A_322 : i32 to vector<16xi32>
        %gather3A_324 = tpu.vector_load_idx %arg10[%broadcast_in_dim3A_323, %select_n3A_249] : memref<64x512xf32, #tpu.memory_space<vmem>>[vector<16xi32>, vector<16xi32>], vector<16xf32>,
        %broadcast_in_dim3A_325 = arith.constant 13 : i32
        %broadcast_in_dim3A_326 = vector.broadcast %broadcast_in_dim3A_325 : i32 to vector<16xi32>
        tpu.vector_store_idx %arg11[%add3A_257, %broadcast_in_dim3A_326], %gather3A_324 : memref<32x128xf32, #tpu.memory_space<vmem>>[vector<16xi32>, vector<16xi32>], vector<16xf32>,
        %broadcast_in_dim3A_327 = arith.constant 14 : i32
        %broadcast_in_dim3A_328 = vector.broadcast %broadcast_in_dim3A_327 : i32 to vector<16xi32>
        %gather3A_329 = tpu.vector_load_idx %arg10[%broadcast_in_dim3A_328, %select_n3A_249] : memref<64x512xf32, #tpu.memory_space<vmem>>[vector<16xi32>, vector<16xi32>], vector<16xf32>,
        %broadcast_in_dim3A_330 = arith.constant 14 : i32
        %broadcast_in_dim3A_331 = vector.broadcast %broadcast_in_dim3A_330 : i32 to vector<16xi32>
        tpu.vector_store_idx %arg11[%add3A_257, %broadcast_in_dim3A_331], %gather3A_329 : memref<32x128xf32, #tpu.memory_space<vmem>>[vector<16xi32>, vector<16xi32>], vector<16xf32>,
        %broadcast_in_dim3A_332 = arith.constant 15 : i32
        %broadcast_in_dim3A_333 = vector.broadcast %broadcast_in_dim3A_332 : i32 to vector<16xi32>
        %gather3A_334 = tpu.vector_load_idx %arg10[%broadcast_in_dim3A_333, %select_n3A_249] : memref<64x512xf32, #tpu.memory_space<vmem>>[vector<16xi32>, vector<16xi32>], vector<16xf32>,
        %broadcast_in_dim3A_335 = arith.constant 15 : i32
        %broadcast_in_dim3A_336 = vector.broadcast %broadcast_in_dim3A_335 : i32 to vector<16xi32>
        tpu.vector_store_idx %arg11[%add3A_257, %broadcast_in_dim3A_336], %gather3A_334 : memref<32x128xf32, #tpu.memory_space<vmem>>[vector<16xi32>, vector<16xi32>], vector<16xf32>,
        %broadcast_in_dim3A_337 = arith.constant 16 : i32
        %broadcast_in_dim3A_338 = vector.broadcast %broadcast_in_dim3A_337 : i32 to vector<16xi32>
        %gather3A_339 = tpu.vector_load_idx %arg10[%broadcast_in_dim3A_338, %select_n3A_249] : memref<64x512xf32, #tpu.memory_space<vmem>>[vector<16xi32>, vector<16xi32>], vector<16xf32>,
        %broadcast_in_dim3A_340 = arith.constant 16 : i32
        %broadcast_in_dim3A_341 = vector.broadcast %broadcast_in_dim3A_340 : i32 to vector<16xi32>
        tpu.vector_store_idx %arg11[%add3A_257, %broadcast_in_dim3A_341], %gather3A_339 : memref<32x128xf32, #tpu.memory_space<vmem>>[vector<16xi32>, vector<16xi32>], vector<16xf32>,
        %broadcast_in_dim3A_342 = arith.constant 17 : i32
        %broadcast_in_dim3A_343 = vector.broadcast %broadcast_in_dim3A_342 : i32 to vector<16xi32>
        %gather3A_344 = tpu.vector_load_idx %arg10[%broadcast_in_dim3A_343, %select_n3A_249] : memref<64x512xf32, #tpu.memory_space<vmem>>[vector<16xi32>, vector<16xi32>], vector<16xf32>,
        %broadcast_in_dim3A_345 = arith.constant 17 : i32
        %broadcast_in_dim3A_346 = vector.broadcast %broadcast_in_dim3A_345 : i32 to vector<16xi32>
        tpu.vector_store_idx %arg11[%add3A_257, %broadcast_in_dim3A_346], %gather3A_344 : memref<32x128xf32, #tpu.memory_space<vmem>>[vector<16xi32>, vector<16xi32>], vector<16xf32>,
        %broadcast_in_dim3A_347 = arith.constant 18 : i32
        %broadcast_in_dim3A_348 = vector.broadcast %broadcast_in_dim3A_347 : i32 to vector<16xi32>
        %gather3A_349 = tpu.vector_load_idx %arg10[%broadcast_in_dim3A_348, %select_n3A_249] : memref<64x512xf32, #tpu.memory_space<vmem>>[vector<16xi32>, vector<16xi32>], vector<16xf32>,
        %broadcast_in_dim3A_350 = arith.constant 18 : i32
        %broadcast_in_dim3A_351 = vector.broadcast %broadcast_in_dim3A_350 : i32 to vector<16xi32>
        tpu.vector_store_idx %arg11[%add3A_257, %broadcast_in_dim3A_351], %gather3A_349 : memref<32x128xf32, #tpu.memory_space<vmem>>[vector<16xi32>, vector<16xi32>], vector<16xf32>,
        %broadcast_in_dim3A_352 = arith.constant 19 : i32
        %broadcast_in_dim3A_353 = vector.broadcast %broadcast_in_dim3A_352 : i32 to vector<16xi32>
        %gather3A_354 = tpu.vector_load_idx %arg10[%broadcast_in_dim3A_353, %select_n3A_249] : memref<64x512xf32, #tpu.memory_space<vmem>>[vector<16xi32>, vector<16xi32>], vector<16xf32>,
        %broadcast_in_dim3A_355 = arith.constant 19 : i32
        %broadcast_in_dim3A_356 = vector.broadcast %broadcast_in_dim3A_355 : i32 to vector<16xi32>
        tpu.vector_store_idx %arg11[%add3A_257, %broadcast_in_dim3A_356], %gather3A_354 : memref<32x128xf32, #tpu.memory_space<vmem>>[vector<16xi32>, vector<16xi32>], vector<16xf32>,
        %broadcast_in_dim3A_357 = arith.constant 20 : i32
        %broadcast_in_dim3A_358 = vector.broadcast %broadcast_in_dim3A_357 : i32 to vector<16xi32>
        %gather3A_359 = tpu.vector_load_idx %arg10[%broadcast_in_dim3A_358, %select_n3A_249] : memref<64x512xf32, #tpu.memory_space<vmem>>[vector<16xi32>, vector<16xi32>], vector<16xf32>,
        %broadcast_in_dim3A_360 = arith.constant 20 : i32
        %broadcast_in_dim3A_361 = vector.broadcast %broadcast_in_dim3A_360 : i32 to vector<16xi32>
        tpu.vector_store_idx %arg11[%add3A_257, %broadcast_in_dim3A_361], %gather3A_359 : memref<32x128xf32, #tpu.memory_space<vmem>>[vector<16xi32>, vector<16xi32>], vector<16xf32>,
        %broadcast_in_dim3A_362 = arith.constant 21 : i32
        %broadcast_in_dim3A_363 = vector.broadcast %broadcast_in_dim3A_362 : i32 to vector<16xi32>
        %gather3A_364 = tpu.vector_load_idx %arg10[%broadcast_in_dim3A_363, %select_n3A_249] : memref<64x512xf32, #tpu.memory_space<vmem>>[vector<16xi32>, vector<16xi32>], vector<16xf32>,
        %broadcast_in_dim3A_365 = arith.constant 21 : i32
        %broadcast_in_dim3A_366 = vector.broadcast %broadcast_in_dim3A_365 : i32 to vector<16xi32>
        tpu.vector_store_idx %arg11[%add3A_257, %broadcast_in_dim3A_366], %gather3A_364 : memref<32x128xf32, #tpu.memory_space<vmem>>[vector<16xi32>, vector<16xi32>], vector<16xf32>,
        %broadcast_in_dim3A_367 = arith.constant 22 : i32
        %broadcast_in_dim3A_368 = vector.broadcast %broadcast_in_dim3A_367 : i32 to vector<16xi32>
        %gather3A_369 = tpu.vector_load_idx %arg10[%broadcast_in_dim3A_368, %select_n3A_249] : memref<64x512xf32, #tpu.memory_space<vmem>>[vector<16xi32>, vector<16xi32>], vector<16xf32>,
        %broadcast_in_dim3A_370 = arith.constant 22 : i32
        %broadcast_in_dim3A_371 = vector.broadcast %broadcast_in_dim3A_370 : i32 to vector<16xi32>
        tpu.vector_store_idx %arg11[%add3A_257, %broadcast_in_dim3A_371], %gather3A_369 : memref<32x128xf32, #tpu.memory_space<vmem>>[vector<16xi32>, vector<16xi32>], vector<16xf32>,
        %broadcast_in_dim3A_372 = arith.constant 23 : i32
        %broadcast_in_dim3A_373 = vector.broadcast %broadcast_in_dim3A_372 : i32 to vector<16xi32>
        %gather3A_374 = tpu.vector_load_idx %arg10[%broadcast_in_dim3A_373, %select_n3A_249] : memref<64x512xf32, #tpu.memory_space<vmem>>[vector<16xi32>, vector<16xi32>], vector<16xf32>,
        %broadcast_in_dim3A_375 = arith.constant 23 : i32
        %broadcast_in_dim3A_376 = vector.broadcast %broadcast_in_dim3A_375 : i32 to vector<16xi32>
        tpu.vector_store_idx %arg11[%add3A_257, %broadcast_in_dim3A_376], %gather3A_374 : memref<32x128xf32, #tpu.memory_space<vmem>>[vector<16xi32>, vector<16xi32>], vector<16xf32>,
        %broadcast_in_dim3A_377 = arith.constant 24 : i32
        %broadcast_in_dim3A_378 = vector.broadcast %broadcast_in_dim3A_377 : i32 to vector<16xi32>
        %gather3A_379 = tpu.vector_load_idx %arg10[%broadcast_in_dim3A_378, %select_n3A_249] : memref<64x512xf32, #tpu.memory_space<vmem>>[vector<16xi32>, vector<16xi32>], vector<16xf32>,
        %broadcast_in_dim3A_380 = arith.constant 24 : i32
        %broadcast_in_dim3A_381 = vector.broadcast %broadcast_in_dim3A_380 : i32 to vector<16xi32>
        tpu.vector_store_idx %arg11[%add3A_257, %broadcast_in_dim3A_381], %gather3A_379 : memref<32x128xf32, #tpu.memory_space<vmem>>[vector<16xi32>, vector<16xi32>], vector<16xf32>,
        %broadcast_in_dim3A_382 = arith.constant 25 : i32
        %broadcast_in_dim3A_383 = vector.broadcast %broadcast_in_dim3A_382 : i32 to vector<16xi32>
        %gather3A_384 = tpu.vector_load_idx %arg10[%broadcast_in_dim3A_383, %select_n3A_249] : memref<64x512xf32, #tpu.memory_space<vmem>>[vector<16xi32>, vector<16xi32>], vector<16xf32>,
        %broadcast_in_dim3A_385 = arith.constant 25 : i32
        %broadcast_in_dim3A_386 = vector.broadcast %broadcast_in_dim3A_385 : i32 to vector<16xi32>
        tpu.vector_store_idx %arg11[%add3A_257, %broadcast_in_dim3A_386], %gather3A_384 : memref<32x128xf32, #tpu.memory_space<vmem>>[vector<16xi32>, vector<16xi32>], vector<16xf32>,
        %broadcast_in_dim3A_387 = arith.constant 26 : i32
        %broadcast_in_dim3A_388 = vector.broadcast %broadcast_in_dim3A_387 : i32 to vector<16xi32>
        %gather3A_389 = tpu.vector_load_idx %arg10[%broadcast_in_dim3A_388, %select_n3A_249] : memref<64x512xf32, #tpu.memory_space<vmem>>[vector<16xi32>, vector<16xi32>], vector<16xf32>,
        %broadcast_in_dim3A_390 = arith.constant 26 : i32
        %broadcast_in_dim3A_391 = vector.broadcast %broadcast_in_dim3A_390 : i32 to vector<16xi32>
        tpu.vector_store_idx %arg11[%add3A_257, %broadcast_in_dim3A_391], %gather3A_389 : memref<32x128xf32, #tpu.memory_space<vmem>>[vector<16xi32>, vector<16xi32>], vector<16xf32>,
        %broadcast_in_dim3A_392 = arith.constant 27 : i32
        %broadcast_in_dim3A_393 = vector.broadcast %broadcast_in_dim3A_392 : i32 to vector<16xi32>
        %gather3A_394 = tpu.vector_load_idx %arg10[%broadcast_in_dim3A_393, %select_n3A_249] : memref<64x512xf32, #tpu.memory_space<vmem>>[vector<16xi32>, vector<16xi32>], vector<16xf32>,
        %broadcast_in_dim3A_395 = arith.constant 27 : i32
        %broadcast_in_dim3A_396 = vector.broadcast %broadcast_in_dim3A_395 : i32 to vector<16xi32>
        tpu.vector_store_idx %arg11[%add3A_257, %broadcast_in_dim3A_396], %gather3A_394 : memref<32x128xf32, #tpu.memory_space<vmem>>[vector<16xi32>, vector<16xi32>], vector<16xf32>,
        %broadcast_in_dim3A_397 = arith.constant 28 : i32
        %broadcast_in_dim3A_398 = vector.broadcast %broadcast_in_dim3A_397 : i32 to vector<16xi32>
        %gather3A_399 = tpu.vector_load_idx %arg10[%broadcast_in_dim3A_398, %select_n3A_249] : memref<64x512xf32, #tpu.memory_space<vmem>>[vector<16xi32>, vector<16xi32>], vector<16xf32>,
        %broadcast_in_dim3A_400 = arith.constant 28 : i32
        %broadcast_in_dim3A_401 = vector.broadcast %broadcast_in_dim3A_400 : i32 to vector<16xi32>
        tpu.vector_store_idx %arg11[%add3A_257, %broadcast_in_dim3A_401], %gather3A_399 : memref<32x128xf32, #tpu.memory_space<vmem>>[vector<16xi32>, vector<16xi32>], vector<16xf32>,
        %broadcast_in_dim3A_402 = arith.constant 29 : i32
        %broadcast_in_dim3A_403 = vector.broadcast %broadcast_in_dim3A_402 : i32 to vector<16xi32>
        %gather3A_404 = tpu.vector_load_idx %arg10[%broadcast_in_dim3A_403, %select_n3A_249] : memref<64x512xf32, #tpu.memory_space<vmem>>[vector<16xi32>, vector<16xi32>], vector<16xf32>,
        %broadcast_in_dim3A_405 = arith.constant 29 : i32
        %broadcast_in_dim3A_406 = vector.broadcast %broadcast_in_dim3A_405 : i32 to vector<16xi32>
        tpu.vector_store_idx %arg11[%add3A_257, %broadcast_in_dim3A_406], %gather3A_404 : memref<32x128xf32, #tpu.memory_space<vmem>>[vector<16xi32>, vector<16xi32>], vector<16xf32>,
        %broadcast_in_dim3A_407 = arith.constant 30 : i32
        %broadcast_in_dim3A_408 = vector.broadcast %broadcast_in_dim3A_407 : i32 to vector<16xi32>
        %gather3A_409 = tpu.vector_load_idx %arg10[%broadcast_in_dim3A_408, %select_n3A_249] : memref<64x512xf32, #tpu.memory_space<vmem>>[vector<16xi32>, vector<16xi32>], vector<16xf32>,
        %broadcast_in_dim3A_410 = arith.constant 30 : i32
        %broadcast_in_dim3A_411 = vector.broadcast %broadcast_in_dim3A_410 : i32 to vector<16xi32>
        tpu.vector_store_idx %arg11[%add3A_257, %broadcast_in_dim3A_411], %gather3A_409 : memref<32x128xf32, #tpu.memory_space<vmem>>[vector<16xi32>, vector<16xi32>], vector<16xf32>,
        %broadcast_in_dim3A_412 = arith.constant 31 : i32
        %broadcast_in_dim3A_413 = vector.broadcast %broadcast_in_dim3A_412 : i32 to vector<16xi32>
        %gather3A_414 = tpu.vector_load_idx %arg10[%broadcast_in_dim3A_413, %select_n3A_249] : memref<64x512xf32, #tpu.memory_space<vmem>>[vector<16xi32>, vector<16xi32>], vector<16xf32>,
        %broadcast_in_dim3A_415 = arith.constant 31 : i32
        %broadcast_in_dim3A_416 = vector.broadcast %broadcast_in_dim3A_415 : i32 to vector<16xi32>
        tpu.vector_store_idx %arg11[%add3A_257, %broadcast_in_dim3A_416], %gather3A_414 : memref<32x128xf32, #tpu.memory_space<vmem>>[vector<16xi32>, vector<16xi32>], vector<16xf32>,
        %broadcast_in_dim3A_417 = arith.constant 32 : i32
        %broadcast_in_dim3A_418 = vector.broadcast %broadcast_in_dim3A_417 : i32 to vector<16xi32>
        %gather3A_419 = tpu.vector_load_idx %arg10[%broadcast_in_dim3A_418, %select_n3A_249] : memref<64x512xf32, #tpu.memory_space<vmem>>[vector<16xi32>, vector<16xi32>], vector<16xf32>,
        %broadcast_in_dim3A_420 = arith.constant 32 : i32
        %broadcast_in_dim3A_421 = vector.broadcast %broadcast_in_dim3A_420 : i32 to vector<16xi32>
        tpu.vector_store_idx %arg11[%add3A_257, %broadcast_in_dim3A_421], %gather3A_419 : memref<32x128xf32, #tpu.memory_space<vmem>>[vector<16xi32>, vector<16xi32>], vector<16xf32>,
        %broadcast_in_dim3A_422 = arith.constant 33 : i32
        %broadcast_in_dim3A_423 = vector.broadcast %broadcast_in_dim3A_422 : i32 to vector<16xi32>
        %gather3A_424 = tpu.vector_load_idx %arg10[%broadcast_in_dim3A_423, %select_n3A_249] : memref<64x512xf32, #tpu.memory_space<vmem>>[vector<16xi32>, vector<16xi32>], vector<16xf32>,
        %broadcast_in_dim3A_425 = arith.constant 33 : i32
        %broadcast_in_dim3A_426 = vector.broadcast %broadcast_in_dim3A_425 : i32 to vector<16xi32>
        tpu.vector_store_idx %arg11[%add3A_257, %broadcast_in_dim3A_426], %gather3A_424 : memref<32x128xf32, #tpu.memory_space<vmem>>[vector<16xi32>, vector<16xi32>], vector<16xf32>,
        %broadcast_in_dim3A_427 = arith.constant 34 : i32
        %broadcast_in_dim3A_428 = vector.broadcast %broadcast_in_dim3A_427 : i32 to vector<16xi32>
        %gather3A_429 = tpu.vector_load_idx %arg10[%broadcast_in_dim3A_428, %select_n3A_249] : memref<64x512xf32, #tpu.memory_space<vmem>>[vector<16xi32>, vector<16xi32>], vector<16xf32>,
        %broadcast_in_dim3A_430 = arith.constant 34 : i32
        %broadcast_in_dim3A_431 = vector.broadcast %broadcast_in_dim3A_430 : i32 to vector<16xi32>
        tpu.vector_store_idx %arg11[%add3A_257, %broadcast_in_dim3A_431], %gather3A_429 : memref<32x128xf32, #tpu.memory_space<vmem>>[vector<16xi32>, vector<16xi32>], vector<16xf32>,
        %broadcast_in_dim3A_432 = arith.constant 35 : i32
        %broadcast_in_dim3A_433 = vector.broadcast %broadcast_in_dim3A_432 : i32 to vector<16xi32>
        %gather3A_434 = tpu.vector_load_idx %arg10[%broadcast_in_dim3A_433, %select_n3A_249] : memref<64x512xf32, #tpu.memory_space<vmem>>[vector<16xi32>, vector<16xi32>], vector<16xf32>,
        %broadcast_in_dim3A_435 = arith.constant 35 : i32
        %broadcast_in_dim3A_436 = vector.broadcast %broadcast_in_dim3A_435 : i32 to vector<16xi32>
        tpu.vector_store_idx %arg11[%add3A_257, %broadcast_in_dim3A_436], %gather3A_434 : memref<32x128xf32, #tpu.memory_space<vmem>>[vector<16xi32>, vector<16xi32>], vector<16xf32>,
        %broadcast_in_dim3A_437 = arith.constant 36 : i32
        %broadcast_in_dim3A_438 = vector.broadcast %broadcast_in_dim3A_437 : i32 to vector<16xi32>
        %gather3A_439 = tpu.vector_load_idx %arg10[%broadcast_in_dim3A_438, %select_n3A_249] : memref<64x512xf32, #tpu.memory_space<vmem>>[vector<16xi32>, vector<16xi32>], vector<16xf32>,
        %broadcast_in_dim3A_440 = arith.constant 36 : i32
        %broadcast_in_dim3A_441 = vector.broadcast %broadcast_in_dim3A_440 : i32 to vector<16xi32>
        tpu.vector_store_idx %arg11[%add3A_257, %broadcast_in_dim3A_441], %gather3A_439 : memref<32x128xf32, #tpu.memory_space<vmem>>[vector<16xi32>, vector<16xi32>], vector<16xf32>,
        %broadcast_in_dim3A_442 = arith.constant 37 : i32
        %broadcast_in_dim3A_443 = vector.broadcast %broadcast_in_dim3A_442 : i32 to vector<16xi32>
        %gather3A_444 = tpu.vector_load_idx %arg10[%broadcast_in_dim3A_443, %select_n3A_249] : memref<64x512xf32, #tpu.memory_space<vmem>>[vector<16xi32>, vector<16xi32>], vector<16xf32>,
        %broadcast_in_dim3A_445 = arith.constant 37 : i32
        %broadcast_in_dim3A_446 = vector.broadcast %broadcast_in_dim3A_445 : i32 to vector<16xi32>
        tpu.vector_store_idx %arg11[%add3A_257, %broadcast_in_dim3A_446], %gather3A_444 : memref<32x128xf32, #tpu.memory_space<vmem>>[vector<16xi32>, vector<16xi32>], vector<16xf32>,
        %broadcast_in_dim3A_447 = arith.constant 38 : i32
        %broadcast_in_dim3A_448 = vector.broadcast %broadcast_in_dim3A_447 : i32 to vector<16xi32>
        %gather3A_449 = tpu.vector_load_idx %arg10[%broadcast_in_dim3A_448, %select_n3A_249] : memref<64x512xf32, #tpu.memory_space<vmem>>[vector<16xi32>, vector<16xi32>], vector<16xf32>,
        %broadcast_in_dim3A_450 = arith.constant 38 : i32
        %broadcast_in_dim3A_451 = vector.broadcast %broadcast_in_dim3A_450 : i32 to vector<16xi32>
        tpu.vector_store_idx %arg11[%add3A_257, %broadcast_in_dim3A_451], %gather3A_449 : memref<32x128xf32, #tpu.memory_space<vmem>>[vector<16xi32>, vector<16xi32>], vector<16xf32>,
        %broadcast_in_dim3A_452 = arith.constant 39 : i32
        %broadcast_in_dim3A_453 = vector.broadcast %broadcast_in_dim3A_452 : i32 to vector<16xi32>
        %gather3A_454 = tpu.vector_load_idx %arg10[%broadcast_in_dim3A_453, %select_n3A_249] : memref<64x512xf32, #tpu.memory_space<vmem>>[vector<16xi32>, vector<16xi32>], vector<16xf32>,
        %broadcast_in_dim3A_455 = arith.constant 39 : i32
        %broadcast_in_dim3A_456 = vector.broadcast %broadcast_in_dim3A_455 : i32 to vector<16xi32>
        tpu.vector_store_idx %arg11[%add3A_257, %broadcast_in_dim3A_456], %gather3A_454 : memref<32x128xf32, #tpu.memory_space<vmem>>[vector<16xi32>, vector<16xi32>], vector<16xf32>,
        %broadcast_in_dim3A_457 = arith.constant 40 : i32
        %broadcast_in_dim3A_458 = vector.broadcast %broadcast_in_dim3A_457 : i32 to vector<16xi32>
        %gather3A_459 = tpu.vector_load_idx %arg10[%broadcast_in_dim3A_458, %select_n3A_249] : memref<64x512xf32, #tpu.memory_space<vmem>>[vector<16xi32>, vector<16xi32>], vector<16xf32>,
        %broadcast_in_dim3A_460 = arith.constant 40 : i32
        %broadcast_in_dim3A_461 = vector.broadcast %broadcast_in_dim3A_460 : i32 to vector<16xi32>
        tpu.vector_store_idx %arg11[%add3A_257, %broadcast_in_dim3A_461], %gather3A_459 : memref<32x128xf32, #tpu.memory_space<vmem>>[vector<16xi32>, vector<16xi32>], vector<16xf32>,
        %broadcast_in_dim3A_462 = arith.constant 41 : i32
        %broadcast_in_dim3A_463 = vector.broadcast %broadcast_in_dim3A_462 : i32 to vector<16xi32>
        %gather3A_464 = tpu.vector_load_idx %arg10[%broadcast_in_dim3A_463, %select_n3A_249] : memref<64x512xf32, #tpu.memory_space<vmem>>[vector<16xi32>, vector<16xi32>], vector<16xf32>,
        %broadcast_in_dim3A_465 = arith.constant 41 : i32
        %broadcast_in_dim3A_466 = vector.broadcast %broadcast_in_dim3A_465 : i32 to vector<16xi32>
        tpu.vector_store_idx %arg11[%add3A_257, %broadcast_in_dim3A_466], %gather3A_464 : memref<32x128xf32, #tpu.memory_space<vmem>>[vector<16xi32>, vector<16xi32>], vector<16xf32>,
        %broadcast_in_dim3A_467 = arith.constant 42 : i32
        %broadcast_in_dim3A_468 = vector.broadcast %broadcast_in_dim3A_467 : i32 to vector<16xi32>
        %gather3A_469 = tpu.vector_load_idx %arg10[%broadcast_in_dim3A_468, %select_n3A_249] : memref<64x512xf32, #tpu.memory_space<vmem>>[vector<16xi32>, vector<16xi32>], vector<16xf32>,
        %broadcast_in_dim3A_470 = arith.constant 42 : i32
        %broadcast_in_dim3A_471 = vector.broadcast %broadcast_in_dim3A_470 : i32 to vector<16xi32>
        tpu.vector_store_idx %arg11[%add3A_257, %broadcast_in_dim3A_471], %gather3A_469 : memref<32x128xf32, #tpu.memory_space<vmem>>[vector<16xi32>, vector<16xi32>], vector<16xf32>,
        %broadcast_in_dim3A_472 = arith.constant 43 : i32
        %broadcast_in_dim3A_473 = vector.broadcast %broadcast_in_dim3A_472 : i32 to vector<16xi32>
        %gather3A_474 = tpu.vector_load_idx %arg10[%broadcast_in_dim3A_473, %select_n3A_249] : memref<64x512xf32, #tpu.memory_space<vmem>>[vector<16xi32>, vector<16xi32>], vector<16xf32>,
        %broadcast_in_dim3A_475 = arith.constant 43 : i32
        %broadcast_in_dim3A_476 = vector.broadcast %broadcast_in_dim3A_475 : i32 to vector<16xi32>
        tpu.vector_store_idx %arg11[%add3A_257, %broadcast_in_dim3A_476], %gather3A_474 : memref<32x128xf32, #tpu.memory_space<vmem>>[vector<16xi32>, vector<16xi32>], vector<16xf32>,
        %broadcast_in_dim3A_477 = arith.constant 44 : i32
        %broadcast_in_dim3A_478 = vector.broadcast %broadcast_in_dim3A_477 : i32 to vector<16xi32>
        %gather3A_479 = tpu.vector_load_idx %arg10[%broadcast_in_dim3A_478, %select_n3A_249] : memref<64x512xf32, #tpu.memory_space<vmem>>[vector<16xi32>, vector<16xi32>], vector<16xf32>,
        %broadcast_in_dim3A_480 = arith.constant 44 : i32
        %broadcast_in_dim3A_481 = vector.broadcast %broadcast_in_dim3A_480 : i32 to vector<16xi32>
        tpu.vector_store_idx %arg11[%add3A_257, %broadcast_in_dim3A_481], %gather3A_479 : memref<32x128xf32, #tpu.memory_space<vmem>>[vector<16xi32>, vector<16xi32>], vector<16xf32>,
        %broadcast_in_dim3A_482 = arith.constant 45 : i32
        %broadcast_in_dim3A_483 = vector.broadcast %broadcast_in_dim3A_482 : i32 to vector<16xi32>
        %gather3A_484 = tpu.vector_load_idx %arg10[%broadcast_in_dim3A_483, %select_n3A_249] : memref<64x512xf32, #tpu.memory_space<vmem>>[vector<16xi32>, vector<16xi32>], vector<16xf32>,
        %broadcast_in_dim3A_485 = arith.constant 45 : i32
        %broadcast_in_dim3A_486 = vector.broadcast %broadcast_in_dim3A_485 : i32 to vector<16xi32>
        tpu.vector_store_idx %arg11[%add3A_257, %broadcast_in_dim3A_486], %gather3A_484 : memref<32x128xf32, #tpu.memory_space<vmem>>[vector<16xi32>, vector<16xi32>], vector<16xf32>,
        %broadcast_in_dim3A_487 = arith.constant 46 : i32
        %broadcast_in_dim3A_488 = vector.broadcast %broadcast_in_dim3A_487 : i32 to vector<16xi32>
        %gather3A_489 = tpu.vector_load_idx %arg10[%broadcast_in_dim3A_488, %select_n3A_249] : memref<64x512xf32, #tpu.memory_space<vmem>>[vector<16xi32>, vector<16xi32>], vector<16xf32>,
        %broadcast_in_dim3A_490 = arith.constant 46 : i32
        %broadcast_in_dim3A_491 = vector.broadcast %broadcast_in_dim3A_490 : i32 to vector<16xi32>
        tpu.vector_store_idx %arg11[%add3A_257, %broadcast_in_dim3A_491], %gather3A_489 : memref<32x128xf32, #tpu.memory_space<vmem>>[vector<16xi32>, vector<16xi32>], vector<16xf32>,
        %broadcast_in_dim3A_492 = arith.constant 47 : i32
        %broadcast_in_dim3A_493 = vector.broadcast %broadcast_in_dim3A_492 : i32 to vector<16xi32>
        %gather3A_494 = tpu.vector_load_idx %arg10[%broadcast_in_dim3A_493, %select_n3A_249] : memref<64x512xf32, #tpu.memory_space<vmem>>[vector<16xi32>, vector<16xi32>], vector<16xf32>,
        %broadcast_in_dim3A_495 = arith.constant 47 : i32
        %broadcast_in_dim3A_496 = vector.broadcast %broadcast_in_dim3A_495 : i32 to vector<16xi32>
        tpu.vector_store_idx %arg11[%add3A_257, %broadcast_in_dim3A_496], %gather3A_494 : memref<32x128xf32, #tpu.memory_space<vmem>>[vector<16xi32>, vector<16xi32>], vector<16xf32>,
        %broadcast_in_dim3A_497 = arith.constant 48 : i32
        %broadcast_in_dim3A_498 = vector.broadcast %broadcast_in_dim3A_497 : i32 to vector<16xi32>
        %gather3A_499 = tpu.vector_load_idx %arg10[%broadcast_in_dim3A_498, %select_n3A_249] : memref<64x512xf32, #tpu.memory_space<vmem>>[vector<16xi32>, vector<16xi32>], vector<16xf32>,
        %broadcast_in_dim3A_500 = arith.constant 48 : i32
        %broadcast_in_dim3A_501 = vector.broadcast %broadcast_in_dim3A_500 : i32 to vector<16xi32>
        tpu.vector_store_idx %arg11[%add3A_257, %broadcast_in_dim3A_501], %gather3A_499 : memref<32x128xf32, #tpu.memory_space<vmem>>[vector<16xi32>, vector<16xi32>], vector<16xf32>,
        %broadcast_in_dim3A_502 = arith.constant 49 : i32
        %broadcast_in_dim3A_503 = vector.broadcast %broadcast_in_dim3A_502 : i32 to vector<16xi32>
        %gather3A_504 = tpu.vector_load_idx %arg10[%broadcast_in_dim3A_503, %select_n3A_249] : memref<64x512xf32, #tpu.memory_space<vmem>>[vector<16xi32>, vector<16xi32>], vector<16xf32>,
        %broadcast_in_dim3A_505 = arith.constant 49 : i32
        %broadcast_in_dim3A_506 = vector.broadcast %broadcast_in_dim3A_505 : i32 to vector<16xi32>
        tpu.vector_store_idx %arg11[%add3A_257, %broadcast_in_dim3A_506], %gather3A_504 : memref<32x128xf32, #tpu.memory_space<vmem>>[vector<16xi32>, vector<16xi32>], vector<16xf32>,
        %broadcast_in_dim3A_507 = arith.constant 50 : i32
        %broadcast_in_dim3A_508 = vector.broadcast %broadcast_in_dim3A_507 : i32 to vector<16xi32>
        %gather3A_509 = tpu.vector_load_idx %arg10[%broadcast_in_dim3A_508, %select_n3A_249] : memref<64x512xf32, #tpu.memory_space<vmem>>[vector<16xi32>, vector<16xi32>], vector<16xf32>,
        %broadcast_in_dim3A_510 = arith.constant 50 : i32
        %broadcast_in_dim3A_511 = vector.broadcast %broadcast_in_dim3A_510 : i32 to vector<16xi32>
        tpu.vector_store_idx %arg11[%add3A_257, %broadcast_in_dim3A_511], %gather3A_509 : memref<32x128xf32, #tpu.memory_space<vmem>>[vector<16xi32>, vector<16xi32>], vector<16xf32>,
        %broadcast_in_dim3A_512 = arith.constant 51 : i32
        %broadcast_in_dim3A_513 = vector.broadcast %broadcast_in_dim3A_512 : i32 to vector<16xi32>
        %gather3A_514 = tpu.vector_load_idx %arg10[%broadcast_in_dim3A_513, %select_n3A_249] : memref<64x512xf32, #tpu.memory_space<vmem>>[vector<16xi32>, vector<16xi32>], vector<16xf32>,
        %broadcast_in_dim3A_515 = arith.constant 51 : i32
        %broadcast_in_dim3A_516 = vector.broadcast %broadcast_in_dim3A_515 : i32 to vector<16xi32>
        tpu.vector_store_idx %arg11[%add3A_257, %broadcast_in_dim3A_516], %gather3A_514 : memref<32x128xf32, #tpu.memory_space<vmem>>[vector<16xi32>, vector<16xi32>], vector<16xf32>,
        %broadcast_in_dim3A_517 = arith.constant 52 : i32
        %broadcast_in_dim3A_518 = vector.broadcast %broadcast_in_dim3A_517 : i32 to vector<16xi32>
        %gather3A_519 = tpu.vector_load_idx %arg10[%broadcast_in_dim3A_518, %select_n3A_249] : memref<64x512xf32, #tpu.memory_space<vmem>>[vector<16xi32>, vector<16xi32>], vector<16xf32>,
        %broadcast_in_dim3A_520 = arith.constant 52 : i32
        %broadcast_in_dim3A_521 = vector.broadcast %broadcast_in_dim3A_520 : i32 to vector<16xi32>
        tpu.vector_store_idx %arg11[%add3A_257, %broadcast_in_dim3A_521], %gather3A_519 : memref<32x128xf32, #tpu.memory_space<vmem>>[vector<16xi32>, vector<16xi32>], vector<16xf32>,
        %broadcast_in_dim3A_522 = arith.constant 53 : i32
        %broadcast_in_dim3A_523 = vector.broadcast %broadcast_in_dim3A_522 : i32 to vector<16xi32>
        %gather3A_524 = tpu.vector_load_idx %arg10[%broadcast_in_dim3A_523, %select_n3A_249] : memref<64x512xf32, #tpu.memory_space<vmem>>[vector<16xi32>, vector<16xi32>], vector<16xf32>,
        %broadcast_in_dim3A_525 = arith.constant 53 : i32
        %broadcast_in_dim3A_526 = vector.broadcast %broadcast_in_dim3A_525 : i32 to vector<16xi32>
        tpu.vector_store_idx %arg11[%add3A_257, %broadcast_in_dim3A_526], %gather3A_524 : memref<32x128xf32, #tpu.memory_space<vmem>>[vector<16xi32>, vector<16xi32>], vector<16xf32>,
        %broadcast_in_dim3A_527 = arith.constant 54 : i32
        %broadcast_in_dim3A_528 = vector.broadcast %broadcast_in_dim3A_527 : i32 to vector<16xi32>
        %gather3A_529 = tpu.vector_load_idx %arg10[%broadcast_in_dim3A_528, %select_n3A_249] : memref<64x512xf32, #tpu.memory_space<vmem>>[vector<16xi32>, vector<16xi32>], vector<16xf32>,
        %broadcast_in_dim3A_530 = arith.constant 54 : i32
        %broadcast_in_dim3A_531 = vector.broadcast %broadcast_in_dim3A_530 : i32 to vector<16xi32>
        tpu.vector_store_idx %arg11[%add3A_257, %broadcast_in_dim3A_531], %gather3A_529 : memref<32x128xf32, #tpu.memory_space<vmem>>[vector<16xi32>, vector<16xi32>], vector<16xf32>,
        %broadcast_in_dim3A_532 = arith.constant 55 : i32
        %broadcast_in_dim3A_533 = vector.broadcast %broadcast_in_dim3A_532 : i32 to vector<16xi32>
        %gather3A_534 = tpu.vector_load_idx %arg10[%broadcast_in_dim3A_533, %select_n3A_249] : memref<64x512xf32, #tpu.memory_space<vmem>>[vector<16xi32>, vector<16xi32>], vector<16xf32>,
        %broadcast_in_dim3A_535 = arith.constant 55 : i32
        %broadcast_in_dim3A_536 = vector.broadcast %broadcast_in_dim3A_535 : i32 to vector<16xi32>
        tpu.vector_store_idx %arg11[%add3A_257, %broadcast_in_dim3A_536], %gather3A_534 : memref<32x128xf32, #tpu.memory_space<vmem>>[vector<16xi32>, vector<16xi32>], vector<16xf32>,
        %broadcast_in_dim3A_537 = arith.constant 56 : i32
        %broadcast_in_dim3A_538 = vector.broadcast %broadcast_in_dim3A_537 : i32 to vector<16xi32>
        %gather3A_539 = tpu.vector_load_idx %arg10[%broadcast_in_dim3A_538, %select_n3A_249] : memref<64x512xf32, #tpu.memory_space<vmem>>[vector<16xi32>, vector<16xi32>], vector<16xf32>,
        %broadcast_in_dim3A_540 = arith.constant 56 : i32
        %broadcast_in_dim3A_541 = vector.broadcast %broadcast_in_dim3A_540 : i32 to vector<16xi32>
        tpu.vector_store_idx %arg11[%add3A_257, %broadcast_in_dim3A_541], %gather3A_539 : memref<32x128xf32, #tpu.memory_space<vmem>>[vector<16xi32>, vector<16xi32>], vector<16xf32>,
        %broadcast_in_dim3A_542 = arith.constant 57 : i32
        %broadcast_in_dim3A_543 = vector.broadcast %broadcast_in_dim3A_542 : i32 to vector<16xi32>
        %gather3A_544 = tpu.vector_load_idx %arg10[%broadcast_in_dim3A_543, %select_n3A_249] : memref<64x512xf32, #tpu.memory_space<vmem>>[vector<16xi32>, vector<16xi32>], vector<16xf32>,
        %broadcast_in_dim3A_545 = arith.constant 57 : i32
        %broadcast_in_dim3A_546 = vector.broadcast %broadcast_in_dim3A_545 : i32 to vector<16xi32>
        tpu.vector_store_idx %arg11[%add3A_257, %broadcast_in_dim3A_546], %gather3A_544 : memref<32x128xf32, #tpu.memory_space<vmem>>[vector<16xi32>, vector<16xi32>], vector<16xf32>,
        %broadcast_in_dim3A_547 = arith.constant 58 : i32
        %broadcast_in_dim3A_548 = vector.broadcast %broadcast_in_dim3A_547 : i32 to vector<16xi32>
        %gather3A_549 = tpu.vector_load_idx %arg10[%broadcast_in_dim3A_548, %select_n3A_249] : memref<64x512xf32, #tpu.memory_space<vmem>>[vector<16xi32>, vector<16xi32>], vector<16xf32>,
        %broadcast_in_dim3A_550 = arith.constant 58 : i32
        %broadcast_in_dim3A_551 = vector.broadcast %broadcast_in_dim3A_550 : i32 to vector<16xi32>
        tpu.vector_store_idx %arg11[%add3A_257, %broadcast_in_dim3A_551], %gather3A_549 : memref<32x128xf32, #tpu.memory_space<vmem>>[vector<16xi32>, vector<16xi32>], vector<16xf32>,
        %broadcast_in_dim3A_552 = arith.constant 59 : i32
        %broadcast_in_dim3A_553 = vector.broadcast %broadcast_in_dim3A_552 : i32 to vector<16xi32>
        %gather3A_554 = tpu.vector_load_idx %arg10[%broadcast_in_dim3A_553, %select_n3A_249] : memref<64x512xf32, #tpu.memory_space<vmem>>[vector<16xi32>, vector<16xi32>], vector<16xf32>,
        %broadcast_in_dim3A_555 = arith.constant 59 : i32
        %broadcast_in_dim3A_556 = vector.broadcast %broadcast_in_dim3A_555 : i32 to vector<16xi32>
        tpu.vector_store_idx %arg11[%add3A_257, %broadcast_in_dim3A_556], %gather3A_554 : memref<32x128xf32, #tpu.memory_space<vmem>>[vector<16xi32>, vector<16xi32>], vector<16xf32>,
        %broadcast_in_dim3A_557 = arith.constant 60 : i32
        %broadcast_in_dim3A_558 = vector.broadcast %broadcast_in_dim3A_557 : i32 to vector<16xi32>
        %gather3A_559 = tpu.vector_load_idx %arg10[%broadcast_in_dim3A_558, %select_n3A_249] : memref<64x512xf32, #tpu.memory_space<vmem>>[vector<16xi32>, vector<16xi32>], vector<16xf32>,
        %broadcast_in_dim3A_560 = arith.constant 60 : i32
        %broadcast_in_dim3A_561 = vector.broadcast %broadcast_in_dim3A_560 : i32 to vector<16xi32>
        tpu.vector_store_idx %arg11[%add3A_257, %broadcast_in_dim3A_561], %gather3A_559 : memref<32x128xf32, #tpu.memory_space<vmem>>[vector<16xi32>, vector<16xi32>], vector<16xf32>,
        %broadcast_in_dim3A_562 = arith.constant 61 : i32
        %broadcast_in_dim3A_563 = vector.broadcast %broadcast_in_dim3A_562 : i32 to vector<16xi32>
        %gather3A_564 = tpu.vector_load_idx %arg10[%broadcast_in_dim3A_563, %select_n3A_249] : memref<64x512xf32, #tpu.memory_space<vmem>>[vector<16xi32>, vector<16xi32>], vector<16xf32>,
        %broadcast_in_dim3A_565 = arith.constant 61 : i32
        %broadcast_in_dim3A_566 = vector.broadcast %broadcast_in_dim3A_565 : i32 to vector<16xi32>
        tpu.vector_store_idx %arg11[%add3A_257, %broadcast_in_dim3A_566], %gather3A_564 : memref<32x128xf32, #tpu.memory_space<vmem>>[vector<16xi32>, vector<16xi32>], vector<16xf32>,
        %broadcast_in_dim3A_567 = arith.constant 62 : i32
        %broadcast_in_dim3A_568 = vector.broadcast %broadcast_in_dim3A_567 : i32 to vector<16xi32>
        %gather3A_569 = tpu.vector_load_idx %arg10[%broadcast_in_dim3A_568, %select_n3A_249] : memref<64x512xf32, #tpu.memory_space<vmem>>[vector<16xi32>, vector<16xi32>], vector<16xf32>,
        %broadcast_in_dim3A_570 = arith.constant 62 : i32
        %broadcast_in_dim3A_571 = vector.broadcast %broadcast_in_dim3A_570 : i32 to vector<16xi32>
        tpu.vector_store_idx %arg11[%add3A_257, %broadcast_in_dim3A_571], %gather3A_569 : memref<32x128xf32, #tpu.memory_space<vmem>>[vector<16xi32>, vector<16xi32>], vector<16xf32>,
        %broadcast_in_dim3A_572 = arith.constant 63 : i32
        %broadcast_in_dim3A_573 = vector.broadcast %broadcast_in_dim3A_572 : i32 to vector<16xi32>
        %gather3A_574 = tpu.vector_load_idx %arg10[%broadcast_in_dim3A_573, %select_n3A_249] : memref<64x512xf32, #tpu.memory_space<vmem>>[vector<16xi32>, vector<16xi32>], vector<16xf32>,
        %broadcast_in_dim3A_575 = arith.constant 63 : i32
        %broadcast_in_dim3A_576 = vector.broadcast %broadcast_in_dim3A_575 : i32 to vector<16xi32>
        tpu.vector_store_idx %arg11[%add3A_257, %broadcast_in_dim3A_576], %gather3A_574 : memref<32x128xf32, #tpu.memory_space<vmem>>[vector<16xi32>, vector<16xi32>], vector<16xf32>,
        %swap3A = arith.index_cast %select_n3A_230 : i32 to index
        %swap3A_577 = arith.constant 0 : index
        %swap3A_578 = tpu.vector_load %arg12[%swap3A, %swap3A_577] {strides = array<i32>} : memref<2x16xi32, #tpu.memory_space<vmem>>, vector<16xi32>,
        tpu.vector_store %arg12[%swap3A, %swap3A_577], %select_n3A_253 {strides = array<i32>} : memref<2x16xi32, #tpu.memory_space<vmem>>, vector<16xi32>,
        %mul3A_579 = arith.constant 16 : i32
        %mul3A_580 = arith.muli %select_n3A_230, %mul3A_579 : i32
        %dma_start3A_581 = arith.constant 0 : i32
        %dma_start3A_582 = tpu.memref_slice %arg11[%mul3A_580, %dma_start3A_581] : memref<32x128xf32, #tpu.memory_space<vmem>> -> memref<16x128xf32, #tpu.memory_space<vmem>>
        %dma_start3A_583 = arith.constant 0 : i32
        %dma_start3A_584 = tpu.memref_slice %arg12[%select_n3A_230, %dma_start3A_583] : memref<2x16xi32, #tpu.memory_space<vmem>> -> memref<1x16xi32, #tpu.memory_space<vmem>>
        %dma_start3A_585 = tpu.memref_squeeze %dma_start3A_584 : memref<1x16xi32, #tpu.memory_space<vmem>> -> memref<16xi32, #tpu.memory_space<vmem>>
        %dma_start3A_586 = arith.constant 0 : i32
        %dma_start3A_587 = arith.constant 0 : i32
        %dma_start3A_588 = tpu.memref_slice %arg4[%dma_start3A_586, %dma_start3A_587] : memref<8192x128xf32, #tpu.memory_space<hbm>> -> memref<8192x128xf32, #tpu.memory_space<hbm>>
        tpu.enqueue_indirect_dma source(%dma_start3A_582 : memref<16x128xf32, #tpu.memory_space<vmem>>) target(%dma_start3A_588 : memref<8192x128xf32, #tpu.memory_space<hbm>>) offsets(%dma_start3A_585 : memref<16xi32, #tpu.memory_space<vmem>>) semaphore(%arg15 : memref<!tpu.dma_semaphore, #tpu.memory_space<semaphore_mem>>)
        %add3A_589 = arith.constant 1 : i32
        %add3A_590 = arith.addi %while3A_215, %add3A_589 : i32
        scf.yield %add3A_590 : i32
      }
      %mul3A_205 = arith.constant 2 : i32
      %mul3A_206 = arith.muli %mul3A_205, %scan3A_64 : i32
      %add3A_207 = arith.constant 3 : i32
      %add3A_208 = arith.addi %mul3A_206, %add3A_207 : i32
      %lt3A_209 = arith.constant 62 : i32
      %lt3A_210 = arith.cmpi slt, %add3A_208, %lt3A_209 : i32
      %convert_element_type3A_211 = arith.extui %lt3A_210 : i1 to i32
      %cond3A_212 = arith.constant 0 : i32
      %cond3A_213 = arith.cmpi ne, %convert_element_type3A_211, %cond3A_212 : i32
      scf.if %cond3A_213 {
        %mul3A_214 = arith.constant 2 : i32
        %mul3A_215 = arith.muli %mul3A_214, %scan3A_64 : i32
        %add3A_216 = arith.constant 3 : i32
        %add3A_217 = arith.addi %mul3A_215, %add3A_216 : i32
        %mul3A_218 = arith.constant 32 : i32
        %mul3A_219 = arith.muli %mul3A_218, %add3A_217 : i32
        %add3A_220 = arith.addi %add3A, %mul3A_219 : i32
        %mul3A_221 = arith.constant 512 : i32
        %mul3A_222 = arith.muli %add3A_220, %mul3A_221 : i32
        %min3A_223 = arith.constant 999552 : i32
        %min3A_224 = arith.minsi %mul3A_222, %min3A_223 : i32
        %multiple_of3A_225 = tpu.assume_multiple %min3A_224, 128 : i32
        %dma_start3A_226 = arith.constant 0 : i32
        %dma_start3A_227 = tpu.memref_slice %arg2[%dma_start3A_226, %multiple_of3A_225] : memref<64x1000000xf32, #tpu.memory_space<hbm>> -> memref<64x512xf32, #tpu.memory_space<hbm>>
        %dma_start3A_228 = arith.constant 0 : i32
        %dma_start3A_229 = tpu.memref_slice %arg2[%dma_start3A_228, %multiple_of3A_225] : memref<64x1000000xf32, #tpu.memory_space<hbm>> -> memref<64x512xf32, #tpu.memory_space<hbm>>
        tpu.enqueue_dma source(%dma_start3A_229 : memref<64x512xf32, #tpu.memory_space<hbm>>) target(%arg10 : memref<64x512xf32, #tpu.memory_space<vmem>>) target_semaphore(%arg14 : memref<!tpu.dma_semaphore, #tpu.memory_space<semaphore_mem>>)
      } else {
      }
      scf.yield %while3A_204 : i32
    }
    %scan3A_52 = arith.constant 31 : i32
    %min3A_53 = arith.constant 2 : i32
    %min3A_54 = arith.minsi %scan3A_51, %min3A_53 : i32
    %while3A = arith.constant 0 : i32
    %while3A_55 = arith.constant 0 : i32
    %while3A_56 = arith.subi %min3A_54, %while3A_55 : i32
    %while3A_57 = arith.addi %while3A_55, %while3A_56 : i32
    %while3A_58 = arith.constant 1 : i32
    %while3A_59 = arith.divsi %while3A_56, %while3A_58 : i32
    %while3A_60 = arith.muli %while3A_59, %while3A_58 : i32
    %while3A_61 = arith.addi %while3A_55, %while3A_60 : i32
    %while3A_62 = arith.constant 1 : i32
    scf.for %while3A_64 = %while3A_55 to %while3A_61 step %while3A_62  : i32 {
      %dma_wait3A = arith.constant 0 : i32
      %dma_wait3A_65 = arith.constant 0 : i32
      %dma_wait3A_66 = tpu.memref_slice %arg11[%dma_wait3A, %dma_wait3A_65] : memref<32x128xf32, #tpu.memory_space<vmem>> -> memref<16x128xf32, #tpu.memory_space<vmem>>
      %dma_wait3A_67 = arith.constant 0 : i32
      %dma_wait3A_68 = arith.constant 0 : i32
      %dma_wait3A_69 = tpu.memref_slice %arg4[%dma_wait3A_67, %dma_wait3A_68] : memref<8192x128xf32, #tpu.memory_space<hbm>> -> memref<16x128xf32, #tpu.memory_space<hbm>>
      %dma_wait3A_70 = arith.constant 0 : i32
      %dma_wait3A_71 = arith.constant 0 : i32
      %dma_wait3A_72 = tpu.memref_slice %arg11[%dma_wait3A_70, %dma_wait3A_71] : memref<32x128xf32, #tpu.memory_space<vmem>> -> memref<16x128xf32, #tpu.memory_space<vmem>>
      %dma_wait3A_73 = arith.constant 0 : i32
      %dma_wait3A_74 = arith.constant 0 : i32
      %dma_wait3A_75 = tpu.memref_slice %arg4[%dma_wait3A_73, %dma_wait3A_74] : memref<8192x128xf32, #tpu.memory_space<hbm>> -> memref<16x128xf32, #tpu.memory_space<hbm>>
      tpu.wait_dma2 semaphore(%arg15 : memref<!tpu.dma_semaphore, #tpu.memory_space<semaphore_mem>>) src(%dma_wait3A_75 : memref<16x128xf32, #tpu.memory_space<hbm>>) dst(%dma_wait3A_72 : memref<16x128xf32, #tpu.memory_space<vmem>>)
    }
    %while3A_63 = arith.constant 1 : i32
    scf.for %while3A_64 = %while3A_61 to %while3A_57 step %while3A_63  : i32 {
      %dma_wait3A = arith.constant 0 : i32
      %dma_wait3A_65 = arith.constant 0 : i32
      %dma_wait3A_66 = tpu.memref_slice %arg11[%dma_wait3A, %dma_wait3A_65] : memref<32x128xf32, #tpu.memory_space<vmem>> -> memref<16x128xf32, #tpu.memory_space<vmem>>
      %dma_wait3A_67 = arith.constant 0 : i32
      %dma_wait3A_68 = arith.constant 0 : i32
      %dma_wait3A_69 = tpu.memref_slice %arg4[%dma_wait3A_67, %dma_wait3A_68] : memref<8192x128xf32, #tpu.memory_space<hbm>> -> memref<16x128xf32, #tpu.memory_space<hbm>>
      %dma_wait3A_70 = arith.constant 0 : i32
      %dma_wait3A_71 = arith.constant 0 : i32
      %dma_wait3A_72 = tpu.memref_slice %arg11[%dma_wait3A_70, %dma_wait3A_71] : memref<32x128xf32, #tpu.memory_space<vmem>> -> memref<16x128xf32, #tpu.memory_space<vmem>>
      %dma_wait3A_73 = arith.constant 0 : i32
      %dma_wait3A_74 = arith.constant 0 : i32
      %dma_wait3A_75 = tpu.memref_slice %arg4[%dma_wait3A_73, %dma_wait3A_74] : memref<8192x128xf32, #tpu.memory_space<hbm>> -> memref<16x128xf32, #tpu.memory_space<hbm>>
      tpu.wait_dma2 semaphore(%arg15 : memref<!tpu.dma_semaphore, #tpu.memory_space<semaphore_mem>>) src(%dma_wait3A_75 : memref<16x128xf32, #tpu.memory_space<hbm>>) dst(%dma_wait3A_72 : memref<16x128xf32, #tpu.memory_space<vmem>>)
    }
    return
  }
}

module attributes {stable_mosaic.version = 14 : i64} {
  func.func @_epilogue_body(%arg0: i32, %arg1: memref<256x128xf32, #tpu.memory_space<vmem>>, %arg2: memref<1x1x256xi32, #tpu.memory_space<vmem>>, %arg3: memref<256x64xf32, #tpu.memory_space<vmem>>, %arg4: memref<1x64x256xf32, #tpu.memory_space<vmem>>) attributes {dimension_semantics = [#tpu.dimension_semantics<arbitrary>], iteration_bounds = array<i64: 32>, scalar_prefetch = 0 : i64, scratch_operands = 0 : i64, tpu.core_type = #tpu.core_type<tc>, window_params = [{transform_indices = @transform_0, window_bounds = array<i64: 256, 128>}, {transform_indices = @transform_1, window_bounds = array<i64: 1, 1, 256>}, {transform_indices = @transform_2, window_bounds = array<i64: 256, 64>}, {transform_indices = @transform_3, window_bounds = array<i64: 1, 64, 256>}]} {
    %get3A = arith.constant 0 : index
    %get3A_0 = arith.constant 0 : index
    %get3A_1 = vector.load %arg1[%get3A, %get3A_0] : memref<256x128xf32, #tpu.memory_space<vmem>>, vector<256x64xf32>
    %get3A_2 = arith.constant 0 : index
    %get3A_3 = arith.constant 0 : index
    %get3A_4 = arith.constant 0 : index
    %get3A_5 = vector.load %arg2[%get3A_2, %get3A_3, %get3A_4] : memref<1x1x256xi32, #tpu.memory_space<vmem>>, vector<1x1x256xi32>
    %get3A_6 = vector.shape_cast %get3A_5 : vector<1x1x256xi32> to vector<256xi32>
    %ne3A = arith.constant 0 : i32
    %ne3A_7 = vector.broadcast %ne3A : i32 to vector<256xi32>
    %ne3A_8 = arith.cmpi ne, %get3A_6, %ne3A_7 : vector<256xi32>
    %convert_element_type3A = arith.extui %ne3A_8 : vector<256xi1> to vector<256xi32>
    %convert_element_type3A_9 = arith.sitofp %convert_element_type3A : vector<256xi32> to vector<256xf32>
    %reshape3A = vector.shape_cast %convert_element_type3A_9 : vector<256xf32> to vector<256x1xf32>
    %mul3A = vector.broadcast %reshape3A : vector<256x1xf32> to vector<256x64xf32>
    %mul3A_10 = arith.mulf %get3A_1, %mul3A : vector<256x64xf32>
    %get3A_11 = arith.constant 0 : index
    %get3A_12 = arith.constant 0 : index
    %get3A_13 = vector.load %arg3[%get3A_11, %get3A_12] : memref<256x64xf32, #tpu.memory_space<vmem>>, vector<256x64xf32>
    %add3A = arith.addf %mul3A_10, %get3A_13 : vector<256x64xf32>
    %transpose3A = tpu.transpose %add3A, [1, 0] : vector<256x64xf32> -> vector<64x256xf32>
    %swap3A = arith.constant 0 : index
    %swap3A_14 = arith.constant 0 : index
    %swap3A_15 = arith.constant 0 : index
    %swap3A_16 = vector.load %arg4[%swap3A, %swap3A_14, %swap3A_15] : memref<1x64x256xf32, #tpu.memory_space<vmem>>, vector<1x64x256xf32>
    %swap3A_17 = vector.shape_cast %swap3A_16 : vector<1x64x256xf32> to vector<64x256xf32>
    %swap3A_18 = vector.shape_cast %transpose3A : vector<64x256xf32> to vector<1x64x256xf32>
    tpu.vector_store %arg4[%swap3A, %swap3A_14, %swap3A_15], %swap3A_18 {strides = array<i32>} : memref<1x64x256xf32, #tpu.memory_space<vmem>>, vector<1x64x256xf32>,
    return
  }
  func.func @transform_0(%arg0: i32) -> (i32, i32) {
    %c0_i32 = arith.constant 0 : i32
    %c0_i32_0 = arith.constant 0 : i32
    return %arg0, %c0_i32 : i32, i32
  }
  func.func @transform_1(%arg0: i32) -> (i32, i32, i32) {
    %c0_i32 = arith.constant 0 : i32
    %c0_i32_0 = arith.constant 0 : i32
    %c0_i32_1 = arith.constant 0 : i32
    return %arg0, %c0_i32, %c0_i32_0 : i32, i32, i32
  }
  func.func @transform_2(%arg0: i32) -> (i32, i32) {
    %jit3A = arith.constant 8 : i32
    %eq3A = arith.constant 0 : i32
    %eq3A_0 = arith.cmpi eq, %jit3A, %eq3A : i32
    %jit3A_1 = arith.constant 1 : i32
    %select_n3A = arith.select %eq3A_0, %jit3A_1, %jit3A : i32
    %rem3A = arith.remsi %arg0, %select_n3A : i32
    %ne3A = arith.constant 0 : i32
    %ne3A_2 = arith.cmpi ne, %rem3A, %ne3A : i32
    %lt3A = arith.constant 0 : i32
    %lt3A_3 = arith.cmpi slt, %rem3A, %lt3A : i32
    %lt3A_4 = arith.constant 0 : i32
    %lt3A_5 = arith.cmpi slt, %select_n3A, %lt3A_4 : i32
    %ne3A_6 = arith.xori %lt3A_3, %lt3A_5 : i1
    %and3A = arith.andi %ne3A_6, %ne3A_2 : i1
    %add3A = arith.addi %rem3A, %select_n3A : i32
    %select_n3A_7 = arith.select %and3A, %add3A, %rem3A : i32
    %c0_i32 = arith.constant 0 : i32
    %c0_i32_8 = arith.constant 0 : i32
    return %select_n3A_7, %c0_i32 : i32, i32
  }
  func.func @transform_3(%arg0: i32) -> (i32, i32, i32) {
    %jit3A = arith.constant 8 : i32
    %div3A = arith.divsi %arg0, %jit3A : i32
    %sign3A = arith.constant 0 : i32
    %sign3A_0 = arith.cmpi sgt, %arg0, %sign3A : i32
    %sign3A_1 = arith.extui %sign3A_0 : i1 to i32
    %sign3A_2 = arith.constant 0 : i32
    %sign3A_3 = arith.cmpi slt, %arg0, %sign3A_2 : i32
    %sign3A_4 = arith.extui %sign3A_3 : i1 to i32
    %sign3A_5 = arith.subi %sign3A_1, %sign3A_4 : i32
    %sign3A_6 = arith.constant 0 : i32
    %sign3A_7 = arith.cmpi sgt, %jit3A, %sign3A_6 : i32
    %sign3A_8 = arith.extui %sign3A_7 : i1 to i32
    %sign3A_9 = arith.constant 0 : i32
    %sign3A_10 = arith.cmpi slt, %jit3A, %sign3A_9 : i32
    %sign3A_11 = arith.extui %sign3A_10 : i1 to i32
    %sign3A_12 = arith.subi %sign3A_8, %sign3A_11 : i32
    %ne3A = arith.cmpi ne, %sign3A_5, %sign3A_12 : i32
    %rem3A = arith.remsi %arg0, %jit3A : i32
    %ne3A_13 = arith.constant 0 : i32
    %ne3A_14 = arith.cmpi ne, %rem3A, %ne3A_13 : i32
    %and3A = arith.andi %ne3A, %ne3A_14 : i1
    %sub3A = arith.constant 1 : i32
    %sub3A_15 = arith.subi %div3A, %sub3A : i32
    %select_n3A = arith.select %and3A, %sub3A_15, %div3A : i32
    %jit3A_16 = arith.constant 8 : i32
    %eq3A = arith.constant 0 : i32
    %eq3A_17 = arith.cmpi eq, %jit3A_16, %eq3A : i32
    %jit3A_18 = arith.constant 1 : i32
    %select_n3A_19 = arith.select %eq3A_17, %jit3A_18, %jit3A_16 : i32
    %rem3A_20 = arith.remsi %arg0, %select_n3A_19 : i32
    %ne3A_21 = arith.constant 0 : i32
    %ne3A_22 = arith.cmpi ne, %rem3A_20, %ne3A_21 : i32
    %lt3A = arith.constant 0 : i32
    %lt3A_23 = arith.cmpi slt, %rem3A_20, %lt3A : i32
    %lt3A_24 = arith.constant 0 : i32
    %lt3A_25 = arith.cmpi slt, %select_n3A_19, %lt3A_24 : i32
    %ne3A_26 = arith.xori %lt3A_23, %lt3A_25 : i1
    %and3A_27 = arith.andi %ne3A_26, %ne3A_22 : i1
    %add3A = arith.addi %rem3A_20, %select_n3A_19 : i32
    %select_n3A_28 = arith.select %and3A_27, %add3A, %rem3A_20 : i32
    %c0_i32 = arith.constant 0 : i32
    %c0_i32_29 = arith.constant 0 : i32
    return %select_n3A, %c0_i32, %select_n3A_28 : i32, i32, i32
  }
}

</mosaic_0001>

<sc_bundles>
// kernel: kernel.4.cloned.1.call-start
scs
__scs_entry_jumppad:
0x0: {  	(pc) =	sbr.rel $0x88, $3  }
0x1: {  	(tag) =	ssettag $0x0;
	lr =	simm.s32 $0x1  }
0x2: {  	[smem:$0x3F9F] =	sst lr;
	_ =	strace $0xD0000000  }
0x3: {  	_ = 	snop  }
0x4: {  	_ = 	snop  }
0x5: {  	_ = 	snop  }
0x6: {  	_ = 	snop  }
0x7: {  	_ = 	snop  }
__scs_overlays_trampoline_lowered:
0x8: {  	[smem:$0x3FAE] =	sst s0  }
0x9: {  	[smem:$0x3FAF] =	sst s1  }
0xa: {  	[smem:$0x3FB0] =	sst s2  }
0xb: {  	[smem:$0x3FB1] =	sst s3  }
0xc: {  	[smem:$0x3FB2] =	sst s4  }
0xd: {  	[smem:$0x3FB3] =	sst s5  }
0xe: {  	[smem:$0x3FB4] =	sst s6  }
0xf: {  	[smem:$0x3FB5] =	sst s7  }
0x10: {  	[smem:$0x3FB6] =	sst s8  }
0x11: {  	[smem:$0x3FB7] =	sst s9;
	s0 =	simm.s32 @!p0 $0x0  }
0x12: {  	s1 =	sld [smem:$0x3F9D];
	s0 =	simm.s32 @p0 $0x1  }
0x13: {  	[smem:$0x3FB8] =	sst s0;
	s0 =	simm.s32 @!p1 $0x0  }
0x14: {  	s2 =	sld [smem:$0x3F9C];
	s0 =	simm.s32 @p1 $0x1  }
0x15: {  	[smem:$0x3FB9] =	sst s0;
	s0 =	simm.s32 @!p2 $0x0  }
0x16: {  	s3 =	sld [smem:$0x3FDB];
	s0 =	simm.s32 @p2 $0x1  }
0x17: {  	s4 =	simm.s32 $0x1BF5;
	[smem:$0x3FBB] =	sst s0  }
0x18: {  	s0 =	sld [smem:$0x3F9E];
	_ =	swait.ge [sflag:s4], $0x0  }
0x19: {  	s7 =	sld [smem:$0x3F9F]  }
0x1a: {  	s8 =	sadd.s32 $0xFFFFE003, lr  }
0x1b: {  	s9 =	sadd.s32 $0xFFFFFEF7, lr;
	s5 =	simm.s32 $0xFFFFFFFF;
	p2 =	slt.u32 s8, $0xFFFFF086  }
0x1c: {  	p1 =	slt.u32 s9, $0xF7A;
	s5 =	simm.s32 @!p2 $0x0  }
0x1d: {  	s5 =	simm.s32 @p1 $0x1;
	p0 =	seq.s32 s7, s2  }
0x1e: {  	s7 =	smul.u32 @!p0 $0xF7A, s2;
	p2 =	seq.s32 @!p0 s5, $0x0  }
0x1f: {  	s9 =	smul.u32 $0xF7A, s1;
	s8 =	simm.s32 @!p0 $0x1BF5;
	p2 =	por !p2, p0  }
0x20: {  	[sflag:s8] =	ssyncset.s32 @!p0 $0xFFFFF086;
	s6 =	sadd.s32 @!p0 s3, s7;
	s7 =	simm.s32 @!p0 $0x108  }
0x21: {  	s3 =	sadd.s32 s3, s9;
	s6 =	sadd.s32 @!p0 $0x88, s6;
	s7 =	simm.s32 @p2 $0x1082  }
0x22: {  	[simem:s7], [sflag:s8] =	dma.local @!p0 [hbm:s6], $0xF7A  }
0x23: {  	s9 =	sor.u32 $0xD0000000, s2;
	s6 =	simm.s32 $0x108;
	_ =	swait.ge @!p0 [sflag:s8], $0x0  }
0x24: {  	s3 =	sadd.s32 $0x88, s3;
	s6 =	simm.s32 @!p1 $0x1082;
	[sflag:s4] =	ssyncset.s32 $0xFFFFF086  }
0x25: {  	[simem:s6], [sflag:s4] =	dma.local [hbm:s3], $0xF7A  }
0x26: {  	[smem:$0x3F9F] =	sst s1;
	(tag) =	ssettag s2;
	_ =	strace s9  }
0x27: {  	s1 =	sld [smem:$0x3FAF]  }
0x28: {  	s2 =	sld [smem:$0x3FB0]  }
0x29: {  	s4 =	sld [smem:$0x3FB2]  }
0x2a: {  	p0 =	seq.s32 s5, $0x0;
	s5 =	sld [smem:$0x3FB3]  }
0x2b: {  	s6 =	sld [smem:$0x3FB4]  }
0x2c: {  	s7 =	sld [smem:$0x3FB5]  }
0x2d: {  	s3 =	simm.s32 $0x108;
	s8 =	sld [smem:$0x3FB6]  }
0x2e: {  	s3 =	simm.s32 @!p0 $0x1082;
	s9 =	sld [smem:$0x3FB7]  }
0x2f: {  	lr =	sadd.s32 s0, s3;
	s0 =	sld [smem:$0x3FAE]  }
0x30: {  	s3 =	sld [smem:$0x3FB1]  }
0x31: {  	[smem:$0x3FBA] =	sst s10  }
0x32: {  	s10 =	sld [smem:$0x3FB8];
	_ =	sdelay $0x3  }
0x33: {  	p0 =	seq.s32 s10, $0x1;
	s10 =	sld [smem:$0x3FBA];
	_ =	sdelay $0x3  }
0x34: {  	[smem:$0x3FBA] =	sst s10  }
0x35: {  	s10 =	sld [smem:$0x3FB9];
	_ =	sdelay $0x3  }
0x36: {  	p1 =	seq.s32 s10, $0x1;
	s10 =	sld [smem:$0x3FBA];
	_ =	sdelay $0x3  }
0x37: {  	[smem:$0x3FBA] =	sst s10  }
0x38: {  	s10 =	sld [smem:$0x3FBB]  }
0x39: {  	_ = 	snop;
	(pc) =	sbr.ind lr, $3  }
0x3a: {  	_ = 	snop  }
0x3b: {  	_ = 	snop  }
0x3c: {  	p2 =	seq.s32 s10, $0x1;
	s10 =	sld [smem:$0x3FBA]  }
0x3d: {  	_ =	shalt  }
0x3e: {  	_ =	shalt  }
0x3f: {  	_ =	shalt  }
0x40: {  	_ =	shalt  }
0x41: {  	_ =	shalt  }
0x42: {  	_ =	shalt  }
0x43: {  	_ =	shalt  }
0x44: {  	_ =	shalt  }
0x45: {  	_ =	shalt  }
0x46: {  	_ =	shalt  }
0x47: {  	_ =	shalt  }
0x48: {  	_ =	shalt  }
0x49: {  	_ =	shalt  }
0x4a: {  	_ =	shalt  }
0x4b: {  	_ =	shalt  }
0x4c: {  	_ =	shalt  }
0x4d: {  	_ =	shalt  }
0x4e: {  	_ =	shalt  }
0x4f: {  	_ =	shalt  }
0x50: {  	_ =	shalt  }
0x51: {  	_ =	shalt  }
0x52: {  	_ =	shalt  }
0x53: {  	_ =	shalt  }
0x54: {  	_ =	shalt  }
0x55: {  	_ =	shalt  }
0x56: {  	_ =	shalt  }
0x57: {  	_ =	shalt  }
0x58: {  	_ =	shalt  }
0x59: {  	_ =	shalt  }
0x5a: {  	_ =	shalt  }
0x5b: {  	_ =	shalt  }
0x5c: {  	_ =	shalt  }
0x5d: {  	_ =	shalt  }
0x5e: {  	_ =	shalt  }
0x5f: {  	_ =	shalt  }
0x60: {  	_ =	shalt  }
0x61: {  	_ =	shalt  }
0x62: {  	_ =	shalt  }
0x63: {  	_ =	shalt  }
0x64: {  	_ =	shalt  }
0x65: {  	_ =	shalt  }
0x66: {  	_ =	shalt  }
0x67: {  	_ =	shalt  }
0x68: {  	_ =	shalt  }
0x69: {  	_ =	shalt  }
0x6a: {  	_ =	shalt  }
0x6b: {  	_ =	shalt  }
0x6c: {  	_ =	shalt  }
0x6d: {  	_ =	shalt  }
0x6e: {  	_ =	shalt  }
0x6f: {  	_ =	shalt  }
0x70: {  	_ =	shalt  }
0x71: {  	_ =	shalt  }
0x72: {  	_ =	shalt  }
0x73: {  	_ =	shalt  }
0x74: {  	_ =	shalt  }
0x75: {  	_ =	shalt  }
0x76: {  	_ =	shalt  }
0x77: {  	_ =	shalt  }
0x78: {  	_ =	shalt  }
0x79: {  	_ =	shalt  }
0x7a: {  	_ =	shalt  }
0x7b: {  	_ =	shalt  }
0x7c: {  	_ =	shalt  }
0x7d: {  	_ =	shalt  }
0x7e: {  	_ =	shalt  }
0x7f: {  	_ =	shalt  }
0x80: {  	_ =	shalt  }
0x81: {  	_ =	shalt  }
0x82: {  	_ =	shalt  }
0x83: {  	_ =	shalt  }
0x84: {  	_ =	shalt  }
0x85: {  	_ =	shalt  }
0x86: {  	_ =	shalt  }
0x87: {  	_ =	shalt  }
.Lfunc_end0:
.L_simem_size_0:
called_computation_lowered:
.L_overlay_start_0:
0x88: {  	s2 =	sld [smem:$0x3FD9]  }
0x89: {  	s3 =	sld [smem:$0x3FFE];
	_ =	sdelay $0x1  }
0x8a: {  	s1 =	srdreg.scid  }
0x8b: {  	s0 =	sand.u32 $0x1, s1  }
0x8c: {  	s17 =	sshll.u32 s0, $0xA;
	s2 =	sadd.s32 s3, s2  }
0x8d: {  	s2 =	sadd.s32 s2, s17  }
0x8e: {  	[smem:$0x3FC6] =	sst s2  }
0x8f: {  	_ = 	snop  }
0x90: {  	s2 =	sld [smem:$0x3FC8]  }
0x91: {  	s18 =	sld [smem:$0x3FD0];
	(tm) =	ssettm $0x1  }
0x92: {  	s4 =	sld [smem:$0x3FFB];
	_ =	sdelay $0x3  }
0x93: {  	_ =	strace s4  }
0x94: {  	s4 =	sld [smem:$0x3FFC];
	_ =	sdelay $0x3  }
0x95: {  	_ =	strace s4  }
0x96: {  	s4 =	sld [smem:$0x3FFD];
	_ =	sdelay $0x3  }
0x97: {  	_ =	strace s4  }
0x98: {  	_ =	strace $0x8FFFFFFF  }
0x99: {  	s19 =	sld [smem:$0x3FDB];
	_ =	sdelay $0x1  }
0x9a: {  	s5 =	simm.s32 $_scs_section_size  }
0x9b: {  	s6 =	simm.s32 $_size__tile_overlayer_lowered;
	s7 =	simm.s32 $_tile_overlayer_lowered  }
0x9c: {  	s22 =	simm.s32 $0x1BFF;
	s21 =	sshll.u32 s7, $0x1;
	s4 =	sadd.s32 s5, s19  }
0x9d: {  	s8 =	simm.s32 $0x0;
	s20 =	sshll.u32 s6, $0x1;
	s6 =	sadd.s32 s21, s4  }
0x9e: {  	[timem:s8], [sflag:s22] =	dma.local [hbm:s6], s20  }
0x9f: {  	_ =	swait.ge [sflag:s22], s20  }
0xa0: {  	s5 =	ssub.s32 $0x0, s20;
	[sflag:s22] =	ssyncset.done $0x0  }
0xa1: {  	[sflag:s22] =	ssyncadd.s32 s5;
	_ =	sdelay $0x1  }
0xa2: {  	s23 =	simm.s32 $0x1B8B  }
0xa3: {  	_ =	swait.ge [sflag:s23], $0x1  }
0xa4: {  	[sflag:s23] =	ssyncset.done $0x0  }
0xa5: {  	s25 =	simm.s32 $0x1B8E;
	s24 =	sld [smem:$0x3FFE];
	[sflag:s23] =	ssyncadd.s32 $0xFFFFFFFF  }
0xa6: {  	s26 =	simm.s32 $execute0_lowered;
	[smem:$0x3FD2] =	sst s25  }
0xa7: {  	s6 =	sshll.u32 s26, $0x1;
	_ =	strace $0x80000046;
	[dreg:$0x1] =	wrdreg $0xFFFFFFFF  }
0xa8: {  	s28 =	simm.s32 $_size_execute0_lowered;
	s4 =	sadd.s32 s4, s6;
	[dreg:$0x0] =	wrdreg $0x0  }
0xa9: {  	s6 =	sshll.u32 s28, $0x1;
	[dreg:$0x2] =	wrdreg s4  }
0xaa: {  	[dreg:$0x3] =	wrdreg s6  }
0xab: {  	[dreg:$0x4] =	wrdreg $0xC0  }
0xac: {  	_ =	task [dreg:s8], $0x5FFFF  }
0xad: {  	[dreg:$0x1] =	wrdreg $0xFFFFFFFF  }
0xae: {  	[dreg:$0x0] =	wrdreg $0x60  }
0xaf: {  	[dreg:$0x2] =	wrdreg s2  }
0xb0: {  	[dreg:$0x3] =	wrdreg s18  }
0xb1: {  	[dreg:$0x4] =	wrdreg s24  }
0xb2: {  	[dreg:$0x5] =	wrdreg $0x9  }
0xb3: {  	_ =	task.clear_ibuf [dreg:s8], $0x6FFFF;
	_ =	strace $0x90000046  }
0xb4: {  	s29 =	simm.s32 $0x9;
	_ =	strace $0x80000048  }
0xb5: {  	_ =	swait.ge [sflag:s29], $0x1  }
0xb6: {  	[sflag:s29] =	ssyncadd.s32 $0xFFFFFFFF  }
0xb7: {  	_ =	strace $0x90000048  }
0xb8: {  	_ =	sfence  }
0xb9: {  	s30 =	sld [smem:$0x0];
	_ =	sdelay $0x2  }
0xba: {  	s31 =	sshll.u32 s1, $0xD;
	s1 =	sshrl.u32 s1, $0x2  }
0xbb: {  	s3 =	sand.u32 $0x4000, s31;
	s1 =	sadd.s32 s1, s30  }
0xbc: {  	s0 =	sor.u32 s3, s0;
	s1 =	sshll.u32 s1, $0x11  }
0xbd: {  	s0 =	sor.u32 s1, s0  }
0xbe: {  	s0 =	sadd.s32 $0x8F2B, s0  }
0xbf: {  	[sflag:s0] =	ssyncadd.remote.s32 $0x1  }
0xc0: {  	_ =	sfence.sel $0xFFFF  }
0xc1: {  	[dreg:$0x0] =	wrdreg $0xFFFFFFFF;
	(pc) =	sbr.abs _section_cstart, $3  }
0xc2: {  	[dreg:$0x1] =	wrdreg $0xFFFFFFFF  }
0xc3: {  	_ =	task.clear_ibuf [dreg:s8], $0x2FFFF;
	_ =	strace $0x9FFFFFFF  }
0xc4: {  	(tm) =	ssettm $0x7FFFFFFF  }
0xc5: {  	_ =	shalt  }
tec
execute0_lowered:
.L_overlay_start_1:
0x0: {  	(tag) =	ssettag $0x1  }
0x1: {  	s1 =	rddreg [dreg:$0x0];
	s0 =	srdreg.scid  }
0x2: {  	s3 =	stileid.u32;
	s2 =	rddreg [dreg:$0x2];
	s4 =	simm.s32 $0x0  }
0x3: {  	s13 =	simm.s32 $0x1000;
	s14 =	simm.s32 $0x7A1400;
	s15 =	simm.s32 $0x8000  }
0x4: {  	s16 =	simm.s32 $0x10000;
	s17 =	simm.s32 $0x4;
	s18 =	simm.s32 $0x1  }
0x5: {  	s19 =	simm.s32 $0x18000;
	s20 =	simm.s32 $0x10;
	s21 =	simm.s32 $0x2  }
0x6: {  	s22 =	simm.s32 $0x3;
	s0 =	sand.u32 $0x1, s0;
	s3 =	sshll.u32 s3, $0x1  }
0x7: {  	s23 =	simm.s32 $0x0;
	[smem:$0x7FF] =	sst s4;
	s5 =	sor.u32 s0, s3  }
.Ltmp0:
0x8: {  	s0 =	ssub.s32 $0x2, s0;
	s3 =	sshll.u32 s5, $0x9;
	(pc) =	sbr.rel .LBB2_1-.Ltmp0, $4  }
0x9: {  	s7 =	sadd.s32 $0xA00, s2;
	s8 =	sshrl.u32 s0, $0x1;
	s6 =	sadd.s32 s1, s3  }
0xa: {  	_ =	strace $0x80000047;
	s0 =	ssub.s32 s0, s8;
	s31 =	sadd.s32 $0x4000, s6  }
0xb: {  	v0 =	vlaneseq.u32;
	s12 =	sor.u32 $0x20, s5;
	s0 =	smax.u32 s0, $0x1;
	[dreg:$0x4] =	wrdreg s31  }
0xc: {  	v2 =	vmul.u32 $0x80, v0;
	v1 =	vmov s5;
	s9 =	sor.u32 $0x8000, s3;
	s10 =	sor.u32 $0xC000, s3;
	[dreg:$0x5] =	wrdreg s0  }
.LBB2_30:
0xd: {  	[sflag:s22] =	ssyncadd.s32 $0xFFFFF800  }
.LBB2_31:
0xe: {  	s23 =	sadd.s32 $0x1, s23;
	s0 =	rddreg [dreg:$0x5]  }
0xf: {  	p0 =	sne.s32 s23, s0  }
.Ltmp1:
0x10: {  	_ = 	snop;
	(pc) =	sbr.rel @!p0 .LBB2_32-.Ltmp1, $1  }
0x11: {  	_ =	sdelay $0x3  }
.LBB2_1:
0x12: {  	[tilespmem:s15], [sflag:$0x1] =	stream.strided.gather [hbm4b:s6+s13], $0x8000, s14, s13, $0x38;
	[tilespmem:$0x19100] =	vst v63  }
0x13: {  	s0 =	rddreg [dreg:$0x4]  }
0x14: {  	[tilespmem:s16], [sflag:$0x2] =	stream.strided.gather [hbm4b:s0+s13], $0x8000, s14, s13, $0x38;
	[tilespmem:$0x19100] =	vst v63  }
0x15: {  	s31 =	rddreg [dreg:$0x1]  }
0x16: {  	[tilespmem:s4], [sflag:$0x4] =	stream.linear.gather [hbm4b:s31+s4], $0x2000, $0x38;
	[tilespmem:$0x19100] =	vst v63  }
0x17: {  	_ =	swait.ge [sflag:s17], $0x2000  }
0x18: {  	[sflag:s17] =	ssyncset.done $0x0  }
0x19: {  	[sflag:s17] =	ssyncadd.s32 $0xFFFFE000  }
0x1a: {  	v3 =	vld [tilespmem:s4+$0x0];
	_ =	sdelay $0x4  }
0x1b: {  	v4 =	vshrl.u32 v3, $0x9  }
0x1c: {  	v4 =	vand.u32 $0x1F, v4  }
0x1d: {  	vm0 =	veq.s32 v4, v1  }
0x1e: {  	v4 =	vmpcnt.ones.xlane vm0;
	_ =	sdelay $0x1  }
0x1f: {  	(v2sf) =	vpush v4, $0x0;
	_ =	sdelay $0x3  }
0x20: {  	[tilespmem:s4+$0x2000] =	vst.msk vm0, v3;
	v3 =	vor.u32 s4, v0  }
0x21: {  	s2 =	simm.s32 $0x10;
	[tilespmem:s4+$0x4000] =	vst.msk vm0, v3  }
0x22: {  	s3 =	simm.s32 $0x20;
	s8 =	simm.s32 $0x10;
	s0 =	simm.s32 $0x0;
	v3 =	vld [tilespmem:s2+$0x0]  }
.LBB2_2:
0x23: {  	p0 =	sne.s32 s3, $0x1FF0;
	_ =	sdelay $0x3  }
0x24: {  	v4 =	vshrl.u32 v3, $0x9  }
0x25: {  	v4 =	vand.u32 $0x1F, v4  }
0x26: {  	vm0 =	veq.s32 v4, v1  }
0x27: {  	v4 =	vmpcnt.ones.xlane vm0  }
0x28: {  	s24 =	spop (v2sf)  }
0x29: {  	(v2sf) =	vpush v4, $0x0;
	s0 =	sadd.s32 s0, s24  }
0x2a: {  	[tilespmem:s0+$0x2000] =	vst.msk vm0, v3;
	v3 =	vor.u32 s2, v0;
	s2 =	smov.u32 s3  }
.Ltmp2:
0x2b: {  	[tilespmem:s0+$0x4000] =	vst.msk vm0, v3;
	(pc) =	sbr.rel @p0 .LBB2_2-.Ltmp2, $3  }
0x2c: {  	_ =	sdelay $0x1  }
0x2d: {  	s8 =	sadd.s32 $0x10, s8  }
0x2e: {  	s3 =	sadd.s32 $0x10, s3;
	v3 =	vld [tilespmem:s8+$0x0]  }
0x2f: {  	_ =	sdelay $0x3  }
0x30: {  	v4 =	vshrl.u32 v3, $0x9  }
0x31: {  	v4 =	vand.u32 $0x1F, v4  }
0x32: {  	vm0 =	veq.s32 v4, v1  }
0x33: {  	v4 =	vmpcnt.ones.xlane vm0;
	_ =	sdelay $0x1  }
0x34: {  	(v2sf) =	vpush v4, $0x0;
	_ =	sdelay $0xd  }
0x35: {  	s3 =	spop (v2sf)  }
0x36: {  	s0 =	sadd.s32 s0, s3;
	s30 =	spop (v2sf)  }
0x37: {  	s3 =	sadd.s32 s0, s30  }
0x38: {  	s8 =	sadd.s32 $0xF, s3  }
0x39: {  	s24 =	sand.u32 $0xF, s8  }
0x3a: {  	s31 =	sshra.s32 s8, $0x1F;
	p1 =	slt.s32 s8, $0x1;
	p0 =	sne.s32 s24, $0x0  }
0x3b: {  	s24 =	sshrl.u32 s31, $0x1C;
	p0 =	por !p1, !p0  }
0x3c: {  	s8 =	sadd.s32 s24, s8;
	s24 =	simm.s32 $0x1;
	p0 =	por !p0, !p0  }
0x3d: {  	s8 =	sshra.s32 s8, $0x4;
	s24 =	simm.s32 @!p0 $0x0  }
0x3e: {  	v4 =	vor.u32 s2, v0;
	[tilespmem:s0+$0x2000] =	vst.msk vm0, v3;
	s25 =	ssub.s32 s8, s24  }
0x3f: {  	s26 =	simm.s32 $0x0;
	[tilespmem:s0+$0x4000] =	vst.msk vm0, v4;
	v3 =	vmov s3;
	s24 =	simm.s32 $0x0;
	p0 =	slt.s32 s25, $0x1  }
.LBB2_4:
.Ltmp3:
0x40: {  	(pc) =	sbr.rel @p0 .LBB2_11-.Ltmp3, $4  }
0x41: {  	_ = 	snop  }
0x42: {  	_ =	swait.ge [sflag:s18], $0x8000  }
0x43: {  	[sflag:s18] =	ssyncset.done $0x0  }
0x44: {  	s29 =	sshll.u32 s26, $0x6;
	s0 =	simm.s32 $0x0;
	[sflag:s18] =	ssyncadd.s32 $0xFFFF8000  }
0x45: {  	p2 =	sne.s32 s25, $0x1  }
.Ltmp4:
0x46: {  	_ = 	snop;
	(pc) =	sbr.rel @!p2 .LBB2_6-.Ltmp4, $4  }
0x47: {  	_ = 	snop  }
0x48: {  	s0 =	sor.u32 s5, s29  }
0x49: {  	s3 =	simm.s32 $0x2000;
	s28 =	simm.s32 $0x4000;
	s2 =	sshll.u32 s0, $0x9  }
0x4a: {  	p1 =	por $0x0, $0x0;
	v5 =	vmov s0;
	v6 =	vld [tilespmem:s3+$0x0];
	s0 =	sadd.s32 $0xFFFFFFFF, s25;
	v4 =	vmov s2;
	s2 =	simm.s32 $0x0  }
0x4b: {  	_ =	sdelay $0x3  }
0x4c: {  	v8 =	vor.u32 s2, v0;
	v9 =	vshra.s32 v6, $0x9  }
0x4d: {  	vm0 =	vlt.s32 v8, v3;
	vm1 =	veq.s32 v9, v5  }
0x4e: {  	vm0 =	vmand vm0, vm1  }
0x4f: {  	v7 =	vld [tilespmem:s28+$0x0];
	v8 =	vmpcnt.ones.xlane vm0;
	_ =	sdelay $0x1  }
0x50: {  	(v2sf) =	vpush v8, $0x0  }
0x51: {  	p2 =	sne.s32 s0, $0x1  }
.Ltmp5:
0x52: {  	_ = 	snop;
	(pc) =	sbr.rel @!p2 .LBB2_8-.Ltmp5, $4  }
0x53: {  	v6 =	vsub.s32 v6, v4;
	v7 =	vshll.u32 v7, $0xA  }
0x54: {  	v6 =	vor.u32 v6, v7  }
0x55: {  	s3 =	simm.s32 $0x2010;
	s8 =	sadd.s32 $0xFFFFFFFF, s0;
	p1 =	por $0x1, $0x1;
	[tilespmem:s2+$0x6000] =	vst.msk vm0, v6  }
0x56: {  	s30 =	simm.s32 $0x4000;
	s0 =	simm.s32 $0x0;
	s31 =	simm.s32 $0x0;
	v6 =	vld [tilespmem:s3+$0x0]  }
.LBB2_9:
0x57: {  	p2 =	sne.s32 s8, $0x1;
	_ =	sdelay $0x1  }
0x58: {  	s30 =	sadd.s32 $0x10, s30  }
0x59: {  	s0 =	sadd.s32 $0x10, s0;
	v7 =	vld [tilespmem:s30+$0x0]  }
0x5a: {  	v8 =	vor.u32 s0, v0;
	v9 =	vshra.s32 v6, $0x9;
	v6 =	vsub.s32 v6, v4  }
0x5b: {  	vm0 =	vlt.s32 v8, v3;
	vm1 =	veq.s32 v9, v5  }
0x5c: {  	vm0 =	vmand vm0, vm1  }
0x5d: {  	v8 =	vmpcnt.ones.xlane vm0  }
0x5e: {  	v7 =	vshll.u32 v7, $0xA;
	s11 =	spop (v2sf)  }
0x5f: {  	v6 =	vor.u32 v6, v7;
	(v2sf) =	vpush v8, $0x0;
	s31 =	sadd.s32 s31, s11  }
0x60: {  	[tilespmem:s31+$0x6000] =	vst.msk vm0, v6  }
.Ltmp6:
0x61: {  	(pc) =	sbr.rel @p2 .LBB2_9-.Ltmp6, $3  }
0x62: {  	_ =	sdelay $0x1  }
0x63: {  	s3 =	sadd.s32 $0x10, s3  }
0x64: {  	s8 =	sadd.s32 $0xFFFFFFFF, s8;
	v6 =	vld [tilespmem:s3+$0x0]  }
.LBB2_10:
0x65: {  	_ =	sdelay $0x1  }
0x66: {  	s0 =	sadd.s32 @p1 $0x10, s0;
	s3 =	simm.s32 $0x0  }
0x67: {  	s3 =	smov.u32 @p1 s0  }
0x68: {  	v7 =	vor.u32 s3, v0;
	v8 =	vshra.s32 v6, $0x9  }
0x69: {  	vm0 =	vlt.s32 v7, v3;
	vm1 =	veq.s32 v8, v5  }
0x6a: {  	vm0 =	vmand vm0, vm1  }
0x6b: {  	v5 =	vmpcnt.ones.xlane vm0;
	_ =	sdelay $0x1  }
0x6c: {  	(v2sf) =	vpush v5, $0x0;
	_ =	sdelay $0x6  }
0x6d: {  	s0 =	sadd.s32 @p1 $0x10, s30  }
0x6e: {  	s28 =	smov.u32 @p1 s0  }
0x6f: {  	v5 =	vld [tilespmem:s28+$0x0];
	_ =	sdelay $0x3  }
0x70: {  	s0 =	spop @p1 (v2sf)  }
0x71: {  	v4 =	vsub.s32 v6, v4;
	s0 =	sadd.s32 @p1 s31, s0;
	v5 =	vshll.u32 v5, $0xA  }
0x72: {  	s2 =	smov.u32 @p1 s0;
	v4 =	vor.u32 v4, v5;
	s31 =	spop (v2sf)  }
0x73: {  	[tilespmem:s2+$0x6000] =	vst.msk vm0, v4;
	s0 =	sadd.s32 s2, s31  }
.LBB2_11:
0x74: {  	s2 =	sadd.s32 $0xF, s0  }
0x75: {  	s3 =	sand.u32 $0xF, s2  }
0x76: {  	s8 =	sshra.s32 s2, $0x1F;
	p1 =	slt.s32 s2, $0x1;
	p2 =	sne.s32 s3, $0x0  }
0x77: {  	s31 =	sshrl.u32 s8, $0x1C;
	p1 =	por !p1, !p2  }
0x78: {  	s3 =	simm.s32 $0x1;
	s2 =	sadd.s32 s31, s2;
	p1 =	por !p1, !p1  }
0x79: {  	s2 =	sshra.s32 s2, $0x4;
	s3 =	simm.s32 @!p1 $0x0  }
0x7a: {  	s28 =	ssub.s32 s2, s3  }
0x7b: {  	p1 =	slt.s32 s28, $0x1  }
.Ltmp7:
0x7c: {  	_ = 	snop;
	(pc) =	sbr.rel @p1 .LBB2_14-.Ltmp7, $1  }
0x7d: {  	_ =	sdelay $0x3  }
0x7e: {  	v4 =	vmov s0;
	s30 =	simm.s32 $0x6000;
	s31 =	simm.s32 $0x0  }
.LBB2_13:
0x7f: {  	p1 =	slt.s32 s24, $0x2  }
0x80: {  	s0 =	simm.s32 @!p1 $0x3  }
0x81: {  	_ =	swait.ge @!p1 [sflag:s0], $0x800  }
0x82: {  	[sflag:s0] =	ssyncset.done @!p1 $0x0  }
0x83: {  	[sflag:s0] =	ssyncadd.s32 @!p1 $0xFFFFF800  }
0x84: {  	v5 =	vld [tilespmem:s30+$0x0];
	_ =	sdelay $0x4  }
0x85: {  	v6 =	vand.u32 $0x3FF, v5  }
0x86: {  	v7 =	vor.u32 s31, v0;
	v8 =	vbroadcast v6, $0x0  }
0x87: {  	vm0 =	vlt.s32 v7, v4  }
0x88: {  	v8 =	vsel vm0, v6, v8  }
0x89: {  	v6 =	vshll.u32 v8, $0x3  }
0x8a: {  	v7 =	vand.u32 $0x7F, v8;
	v9 =	vand.u32 $0x1C00, v6  }
0x8b: {  	v6 =	vor.u32 v7, v9  }
0x8c: {  	s2 =	sand.u32 $0x1, s24  }
0x8d: {  	s3 =	sshll.u32 s2, $0x4  }
0x8e: {  	v7 =	vmov s3  }
0x8f: {  	v7 =	vshll.u32 v7, $0x7  }
0x90: {  	v7 =	vor.u32 v2, v7;
	v10 =	vld.idx.msk [tilespmem:v6+s15+$0x0], $0xffff  }
0x91: {  	v11 =	vor.u32 $0x80, v6;
	_ =	sdelay $0x3  }
0x92: {  	[tilespmem:v7+s19+$0x0] =	vst.idx.msk $0xffff, v10  }
0x93: {  	v47 =	vor.u32 $0x1, v7;
	v10 =	vld.idx.msk [tilespmem:v11+s15+$0x0], $0xffff  }
0x94: {  	v12 =	vor.u32 $0x100, v6;
	_ =	sdelay $0x3  }
0x95: {  	[tilespmem:v47+s19+$0x0] =	vst.idx.msk $0xffff, v10  }
0x96: {  	v48 =	vor.u32 $0x2, v7;
	v10 =	vld.idx.msk [tilespmem:v12+s15+$0x0], $0xffff  }
0x97: {  	v49 =	vor.u32 $0x180, v6;
	_ =	sdelay $0x3  }
0x98: {  	[tilespmem:v48+s19+$0x0] =	vst.idx.msk $0xffff, v10  }
0x99: {  	v50 =	vor.u32 $0x3, v7;
	v10 =	vld.idx.msk [tilespmem:v49+s15+$0x0], $0xffff  }
0x9a: {  	v51 =	vor.u32 $0x200, v6;
	_ =	sdelay $0x3  }
0x9b: {  	[tilespmem:v50+s19+$0x0] =	vst.idx.msk $0xffff, v10  }
0x9c: {  	v52 =	vor.u32 $0x4, v7;
	v10 =	vld.idx.msk [tilespmem:v51+s15+$0x0], $0xffff  }
0x9d: {  	v53 =	vor.u32 $0x280, v6;
	_ =	sdelay $0x3  }
0x9e: {  	[tilespmem:v52+s19+$0x0] =	vst.idx.msk $0xffff, v10  }
0x9f: {  	v54 =	vor.u32 $0x5, v7;
	v10 =	vld.idx.msk [tilespmem:v53+s15+$0x0], $0xffff  }
0xa0: {  	v55 =	vor.u32 $0x300, v6;
	_ =	sdelay $0x3  }
0xa1: {  	[tilespmem:v54+s19+$0x0] =	vst.idx.msk $0xffff, v10  }
0xa2: {  	v8 =	vor.u32 v8, v9;
	v56 =	vor.u32 $0x6, v7;
	v10 =	vld.idx.msk [tilespmem:v55+s15+$0x0], $0xffff  }
0xa3: {  	v9 =	vor.u32 $0x380, v8;
	_ =	sdelay $0x3  }
0xa4: {  	[tilespmem:v56+s19+$0x0] =	vst.idx.msk $0xffff, v10  }
0xa5: {  	v57 =	vor.u32 $0x7, v7;
	v9 =	vld.idx.msk [tilespmem:v9+s15+$0x0], $0xffff  }
0xa6: {  	v58 =	vadd.s32 $0x1000, v6;
	_ =	sdelay $0x3  }
0xa7: {  	[tilespmem:v57+s19+$0x0] =	vst.idx.msk $0xffff, v9  }
0xa8: {  	v59 =	vor.u32 $0x8, v7;
	v9 =	vld.idx.msk [tilespmem:v58+s15+$0x0], $0xffff  }
0xa9: {  	v60 =	vadd.s32 $0x1080, v6;
	_ =	sdelay $0x3  }
0xaa: {  	[tilespmem:v59+s19+$0x0] =	vst.idx.msk $0xffff, v9  }
0xab: {  	v61 =	vor.u32 $0x9, v7;
	v9 =	vld.idx.msk [tilespmem:v60+s15+$0x0], $0xffff  }
0xac: {  	v62 =	vadd.s32 $0x1100, v6;
	_ =	sdelay $0x3  }
0xad: {  	[tilespmem:v61+s19+$0x0] =	vst.idx.msk $0xffff, v9  }
0xae: {  	v63 =	vor.u32 $0xA, v7;
	v9 =	vld.idx.msk [tilespmem:v62+s15+$0x0], $0xffff  }
0xaf: {  	v12 =	vadd.s32 $0x1180, v6;
	_ =	sdelay $0x3  }
0xb0: {  	[tilespmem:v63+s19+$0x0] =	vst.idx.msk $0xffff, v9  }
0xb1: {  	v13 =	vor.u32 $0xB, v7;
	v9 =	vld.idx.msk [tilespmem:v12+s15+$0x0], $0xffff  }
0xb2: {  	v14 =	vadd.s32 $0x1200, v6;
	_ =	sdelay $0x3  }
0xb3: {  	[tilespmem:v13+s19+$0x0] =	vst.idx.msk $0xffff, v9  }
0xb4: {  	v15 =	vor.u32 $0xC, v7;
	v9 =	vld.idx.msk [tilespmem:v14+s15+$0x0], $0xffff  }
0xb5: {  	v16 =	vadd.s32 $0x1280, v6;
	_ =	sdelay $0x3  }
0xb6: {  	[tilespmem:v15+s19+$0x0] =	vst.idx.msk $0xffff, v9  }
0xb7: {  	v17 =	vor.u32 $0xD, v7;
	v9 =	vld.idx.msk [tilespmem:v16+s15+$0x0], $0xffff  }
0xb8: {  	v18 =	vadd.s32 $0x1300, v6;
	_ =	sdelay $0x3  }
0xb9: {  	[tilespmem:v17+s19+$0x0] =	vst.idx.msk $0xffff, v9  }
0xba: {  	v19 =	vor.u32 $0xE, v7;
	v9 =	vld.idx.msk [tilespmem:v18+s15+$0x0], $0xffff  }
0xbb: {  	v20 =	vadd.s32 $0x1380, v6;
	_ =	sdelay $0x3  }
0xbc: {  	[tilespmem:v19+s19+$0x0] =	vst.idx.msk $0xffff, v9  }
0xbd: {  	v21 =	vor.u32 $0xF, v7;
	v9 =	vld.idx.msk [tilespmem:v20+s15+$0x0], $0xffff  }
0xbe: {  	v22 =	vor.u32 $0x2000, v6;
	_ =	sdelay $0x3  }
0xbf: {  	[tilespmem:v21+s19+$0x0] =	vst.idx.msk $0xffff, v9  }
0xc0: {  	v23 =	vor.u32 $0x10, v7;
	v9 =	vld.idx.msk [tilespmem:v22+s15+$0x0], $0xffff  }
0xc1: {  	v24 =	vor.u32 $0x2080, v6;
	_ =	sdelay $0x3  }
0xc2: {  	[tilespmem:v23+s19+$0x0] =	vst.idx.msk $0xffff, v9  }
0xc3: {  	v25 =	vor.u32 $0x11, v7;
	v9 =	vld.idx.msk [tilespmem:v24+s15+$0x0], $0xffff  }
0xc4: {  	v26 =	vor.u32 $0x2100, v6;
	_ =	sdelay $0x3  }
0xc5: {  	[tilespmem:v25+s19+$0x0] =	vst.idx.msk $0xffff, v9  }
0xc6: {  	v27 =	vor.u32 $0x12, v7;
	v9 =	vld.idx.msk [tilespmem:v26+s15+$0x0], $0xffff  }
0xc7: {  	v28 =	vor.u32 $0x2180, v6;
	_ =	sdelay $0x3  }
0xc8: {  	[tilespmem:v27+s19+$0x0] =	vst.idx.msk $0xffff, v9  }
0xc9: {  	v29 =	vor.u32 $0x13, v7;
	v9 =	vld.idx.msk [tilespmem:v28+s15+$0x0], $0xffff  }
0xca: {  	v30 =	vor.u32 $0x2200, v6;
	_ =	sdelay $0x3  }
0xcb: {  	[tilespmem:v29+s19+$0x0] =	vst.idx.msk $0xffff, v9  }
0xcc: {  	v31 =	vor.u32 $0x14, v7;
	v9 =	vld.idx.msk [tilespmem:v30+s15+$0x0], $0xffff  }
0xcd: {  	v32 =	vor.u32 $0x2280, v6;
	_ =	sdelay $0x3  }
0xce: {  	[tilespmem:v31+s19+$0x0] =	vst.idx.msk $0xffff, v9  }
0xcf: {  	v33 =	vor.u32 $0x15, v7;
	v9 =	vld.idx.msk [tilespmem:v32+s15+$0x0], $0xffff  }
0xd0: {  	v34 =	vor.u32 $0x2300, v6;
	_ =	sdelay $0x3  }
0xd1: {  	[tilespmem:v33+s19+$0x0] =	vst.idx.msk $0xffff, v9  }
0xd2: {  	v35 =	vor.u32 $0x16, v7;
	v9 =	vld.idx.msk [tilespmem:v34+s15+$0x0], $0xffff  }
0xd3: {  	v36 =	vor.u32 $0x2380, v8;
	_ =	sdelay $0x3  }
0xd4: {  	[tilespmem:v35+s19+$0x0] =	vst.idx.msk $0xffff, v9  }
0xd5: {  	v37 =	vor.u32 $0x17, v7;
	v9 =	vld.idx.msk [tilespmem:v36+s15+$0x0], $0xffff  }
0xd6: {  	v38 =	vadd.s32 $0x3000, v6;
	_ =	sdelay $0x3  }
0xd7: {  	[tilespmem:v37+s19+$0x0] =	vst.idx.msk $0xffff, v9  }
0xd8: {  	v39 =	vor.u32 $0x18, v7;
	v9 =	vld.idx.msk [tilespmem:v38+s15+$0x0], $0xffff  }
0xd9: {  	v40 =	vadd.s32 $0x3080, v6;
	_ =	sdelay $0x3  }
0xda: {  	[tilespmem:v39+s19+$0x0] =	vst.idx.msk $0xffff, v9  }
0xdb: {  	v41 =	vor.u32 $0x19, v7;
	v9 =	vld.idx.msk [tilespmem:v40+s15+$0x0], $0xffff  }
0xdc: {  	v42 =	vadd.s32 $0x3100, v6;
	_ =	sdelay $0x3  }
0xdd: {  	[tilespmem:v41+s19+$0x0] =	vst.idx.msk $0xffff, v9  }
0xde: {  	v43 =	vor.u32 $0x1A, v7;
	v9 =	vld.idx.msk [tilespmem:v42+s15+$0x0], $0xffff  }
0xdf: {  	v44 =	vadd.s32 $0x3180, v6;
	_ =	sdelay $0x3  }
0xe0: {  	[tilespmem:v43+s19+$0x0] =	vst.idx.msk $0xffff, v9  }
0xe1: {  	v45 =	vor.u32 $0x1B, v7;
	v9 =	vld.idx.msk [tilespmem:v44+s15+$0x0], $0xffff  }
0xe2: {  	v46 =	vadd.s32 $0x3200, v6;
	_ =	sdelay $0x3  }
0xe3: {  	[tilespmem:v45+s19+$0x0] =	vst.idx.msk $0xffff, v9  }
0xe4: {  	v47 =	vor.u32 $0x1C, v7;
	v9 =	vld.idx.msk [tilespmem:v46+s15+$0x0], $0xffff  }
0xe5: {  	v48 =	vadd.s32 $0x3280, v6;
	_ =	sdelay $0x3  }
0xe6: {  	[tilespmem:v47+s19+$0x0] =	vst.idx.msk $0xffff, v9  }
0xe7: {  	v49 =	vor.u32 $0x1D, v7;
	v9 =	vld.idx.msk [tilespmem:v48+s15+$0x0], $0xffff  }
0xe8: {  	v50 =	vadd.s32 $0x3300, v6;
	_ =	sdelay $0x3  }
0xe9: {  	[tilespmem:v49+s19+$0x0] =	vst.idx.msk $0xffff, v9  }
0xea: {  	v51 =	vor.u32 $0x1E, v7;
	v9 =	vld.idx.msk [tilespmem:v50+s15+$0x0], $0xffff  }
0xeb: {  	v52 =	vadd.s32 $0x3380, v6;
	_ =	sdelay $0x3  }
0xec: {  	[tilespmem:v51+s19+$0x0] =	vst.idx.msk $0xffff, v9  }
0xed: {  	v53 =	vor.u32 $0x1F, v7;
	v9 =	vld.idx.msk [tilespmem:v52+s15+$0x0], $0xffff  }
0xee: {  	v54 =	vor.u32 $0x4000, v6;
	_ =	sdelay $0x3  }
0xef: {  	[tilespmem:v53+s19+$0x0] =	vst.idx.msk $0xffff, v9  }
0xf0: {  	v55 =	vor.u32 $0x20, v7;
	v9 =	vld.idx.msk [tilespmem:v54+s15+$0x0], $0xffff  }
0xf1: {  	v56 =	vor.u32 $0x4080, v6;
	_ =	sdelay $0x3  }
0xf2: {  	[tilespmem:v55+s19+$0x0] =	vst.idx.msk $0xffff, v9  }
0xf3: {  	v57 =	vor.u32 $0x21, v7;
	v9 =	vld.idx.msk [tilespmem:v56+s15+$0x0], $0xffff  }
0xf4: {  	v58 =	vor.u32 $0x4100, v6;
	_ =	sdelay $0x3  }
0xf5: {  	[tilespmem:v57+s19+$0x0] =	vst.idx.msk $0xffff, v9  }
0xf6: {  	v59 =	vor.u32 $0x22, v7;
	v9 =	vld.idx.msk [tilespmem:v58+s15+$0x0], $0xffff  }
0xf7: {  	v60 =	vor.u32 $0x4180, v6;
	_ =	sdelay $0x3  }
0xf8: {  	[tilespmem:v59+s19+$0x0] =	vst.idx.msk $0xffff, v9  }
0xf9: {  	v61 =	vor.u32 $0x23, v7;
	v9 =	vld.idx.msk [tilespmem:v60+s15+$0x0], $0xffff  }
0xfa: {  	v62 =	vor.u32 $0x4200, v6;
	_ =	sdelay $0x3  }
0xfb: {  	[tilespmem:v61+s19+$0x0] =	vst.idx.msk $0xffff, v9  }
0xfc: {  	v63 =	vor.u32 $0x24, v7;
	v9 =	vld.idx.msk [tilespmem:v62+s15+$0x0], $0xffff  }
0xfd: {  	v12 =	vor.u32 $0x4280, v6;
	_ =	sdelay $0x3  }
0xfe: {  	[tilespmem:v63+s19+$0x0] =	vst.idx.msk $0xffff, v9  }
0xff: {  	v13 =	vor.u32 $0x25, v7;
	v9 =	vld.idx.msk [tilespmem:v12+s15+$0x0], $0xffff  }
0x100: {  	v14 =	vor.u32 $0x4300, v6;
	_ =	sdelay $0x3  }
0x101: {  	[tilespmem:v13+s19+$0x0] =	vst.idx.msk $0xffff, v9  }
0x102: {  	v15 =	vor.u32 $0x26, v7;
	v9 =	vld.idx.msk [tilespmem:v14+s15+$0x0], $0xffff  }
0x103: {  	v16 =	vor.u32 $0x4380, v8;
	_ =	sdelay $0x3  }
0x104: {  	[tilespmem:v15+s19+$0x0] =	vst.idx.msk $0xffff, v9  }
0x105: {  	v17 =	vor.u32 $0x27, v7;
	v9 =	vld.idx.msk [tilespmem:v16+s15+$0x0], $0xffff  }
0x106: {  	v18 =	vadd.s32 $0x5000, v6;
	_ =	sdelay $0x3  }
0x107: {  	[tilespmem:v17+s19+$0x0] =	vst.idx.msk $0xffff, v9  }
0x108: {  	v19 =	vor.u32 $0x28, v7;
	v9 =	vld.idx.msk [tilespmem:v18+s15+$0x0], $0xffff  }
0x109: {  	v20 =	vadd.s32 $0x5080, v6;
	_ =	sdelay $0x3  }
0x10a: {  	[tilespmem:v19+s19+$0x0] =	vst.idx.msk $0xffff, v9  }
0x10b: {  	v21 =	vor.u32 $0x29, v7;
	v9 =	vld.idx.msk [tilespmem:v20+s15+$0x0], $0xffff  }
0x10c: {  	v22 =	vadd.s32 $0x5100, v6;
	_ =	sdelay $0x3  }
0x10d: {  	[tilespmem:v21+s19+$0x0] =	vst.idx.msk $0xffff, v9  }
0x10e: {  	v23 =	vor.u32 $0x2A, v7;
	v9 =	vld.idx.msk [tilespmem:v22+s15+$0x0], $0xffff  }
0x10f: {  	v24 =	vadd.s32 $0x5180, v6;
	_ =	sdelay $0x3  }
0x110: {  	[tilespmem:v23+s19+$0x0] =	vst.idx.msk $0xffff, v9  }
0x111: {  	v25 =	vor.u32 $0x2B, v7;
	v9 =	vld.idx.msk [tilespmem:v24+s15+$0x0], $0xffff  }
0x112: {  	v26 =	vadd.s32 $0x5200, v6;
	_ =	sdelay $0x3  }
0x113: {  	[tilespmem:v25+s19+$0x0] =	vst.idx.msk $0xffff, v9  }
0x114: {  	v27 =	vor.u32 $0x2C, v7;
	v9 =	vld.idx.msk [tilespmem:v26+s15+$0x0], $0xffff  }
0x115: {  	v28 =	vadd.s32 $0x5280, v6;
	_ =	sdelay $0x3  }
0x116: {  	[tilespmem:v27+s19+$0x0] =	vst.idx.msk $0xffff, v9  }
0x117: {  	v29 =	vor.u32 $0x2D, v7;
	v9 =	vld.idx.msk [tilespmem:v28+s15+$0x0], $0xffff  }
0x118: {  	v30 =	vadd.s32 $0x5300, v6;
	_ =	sdelay $0x3  }
0x119: {  	[tilespmem:v29+s19+$0x0] =	vst.idx.msk $0xffff, v9  }
0x11a: {  	v31 =	vor.u32 $0x2E, v7;
	v9 =	vld.idx.msk [tilespmem:v30+s15+$0x0], $0xffff  }
0x11b: {  	v32 =	vadd.s32 $0x5380, v6;
	_ =	sdelay $0x3  }
0x11c: {  	[tilespmem:v31+s19+$0x0] =	vst.idx.msk $0xffff, v9  }
0x11d: {  	v33 =	vor.u32 $0x2F, v7;
	v9 =	vld.idx.msk [tilespmem:v32+s15+$0x0], $0xffff  }
0x11e: {  	v34 =	vor.u32 $0x6000, v6;
	_ =	sdelay $0x3  }
0x11f: {  	[tilespmem:v33+s19+$0x0] =	vst.idx.msk $0xffff, v9  }
0x120: {  	v35 =	vor.u32 $0x30, v7;
	v9 =	vld.idx.msk [tilespmem:v34+s15+$0x0], $0xffff  }
0x121: {  	v36 =	vor.u32 $0x6080, v6;
	_ =	sdelay $0x3  }
0x122: {  	[tilespmem:v35+s19+$0x0] =	vst.idx.msk $0xffff, v9  }
0x123: {  	v37 =	vor.u32 $0x31, v7;
	v9 =	vld.idx.msk [tilespmem:v36+s15+$0x0], $0xffff  }
0x124: {  	v38 =	vor.u32 $0x6100, v6;
	_ =	sdelay $0x3  }
0x125: {  	[tilespmem:v37+s19+$0x0] =	vst.idx.msk $0xffff, v9  }
0x126: {  	v39 =	vor.u32 $0x32, v7;
	v9 =	vld.idx.msk [tilespmem:v38+s15+$0x0], $0xffff  }
0x127: {  	v40 =	vor.u32 $0x6180, v6;
	_ =	sdelay $0x3  }
0x128: {  	[tilespmem:v39+s19+$0x0] =	vst.idx.msk $0xffff, v9  }
0x129: {  	v41 =	vor.u32 $0x33, v7;
	v9 =	vld.idx.msk [tilespmem:v40+s15+$0x0], $0xffff  }
0x12a: {  	v42 =	vor.u32 $0x6200, v6;
	_ =	sdelay $0x3  }
0x12b: {  	[tilespmem:v41+s19+$0x0] =	vst.idx.msk $0xffff, v9  }
0x12c: {  	v43 =	vor.u32 $0x34, v7;
	v9 =	vld.idx.msk [tilespmem:v42+s15+$0x0], $0xffff  }
0x12d: {  	v44 =	vor.u32 $0x6280, v6;
	_ =	sdelay $0x3  }
0x12e: {  	[tilespmem:v43+s19+$0x0] =	vst.idx.msk $0xffff, v9  }
0x12f: {  	v45 =	vor.u32 $0x35, v7;
	v9 =	vld.idx.msk [tilespmem:v44+s15+$0x0], $0xffff  }
0x130: {  	v46 =	vor.u32 $0x6300, v6;
	_ =	sdelay $0x3  }
0x131: {  	[tilespmem:v45+s19+$0x0] =	vst.idx.msk $0xffff, v9  }
0x132: {  	v47 =	vor.u32 $0x36, v7;
	v9 =	vld.idx.msk [tilespmem:v46+s15+$0x0], $0xffff  }
0x133: {  	v8 =	vor.u32 $0x6380, v8;
	_ =	sdelay $0x3  }
0x134: {  	[tilespmem:v47+s19+$0x0] =	vst.idx.msk $0xffff, v9  }
0x135: {  	v48 =	vor.u32 $0x37, v7;
	v8 =	vld.idx.msk [tilespmem:v8+s15+$0x0], $0xffff  }
0x136: {  	v49 =	vadd.s32 $0x7000, v6;
	_ =	sdelay $0x3  }
0x137: {  	[tilespmem:v48+s19+$0x0] =	vst.idx.msk $0xffff, v8  }
0x138: {  	v50 =	vor.u32 $0x38, v7;
	v8 =	vld.idx.msk [tilespmem:v49+s15+$0x0], $0xffff  }
0x139: {  	v51 =	vadd.s32 $0x7080, v6;
	_ =	sdelay $0x3  }
0x13a: {  	[tilespmem:v50+s19+$0x0] =	vst.idx.msk $0xffff, v8  }
0x13b: {  	v52 =	vor.u32 $0x39, v7;
	v8 =	vld.idx.msk [tilespmem:v51+s15+$0x0], $0xffff  }
0x13c: {  	v53 =	vadd.s32 $0x7100, v6;
	_ =	sdelay $0x3  }
0x13d: {  	[tilespmem:v52+s19+$0x0] =	vst.idx.msk $0xffff, v8  }
0x13e: {  	v54 =	vor.u32 $0x3A, v7;
	v8 =	vld.idx.msk [tilespmem:v53+s15+$0x0], $0xffff  }
0x13f: {  	v55 =	vadd.s32 $0x7180, v6;
	_ =	sdelay $0x3  }
0x140: {  	[tilespmem:v54+s19+$0x0] =	vst.idx.msk $0xffff, v8  }
0x141: {  	v56 =	vor.u32 $0x3B, v7;
	v8 =	vld.idx.msk [tilespmem:v55+s15+$0x0], $0xffff  }
0x142: {  	v57 =	vadd.s32 $0x7200, v6;
	_ =	sdelay $0x3  }
0x143: {  	[tilespmem:v56+s19+$0x0] =	vst.idx.msk $0xffff, v8  }
0x144: {  	v58 =	vor.u32 $0x3C, v7;
	v8 =	vld.idx.msk [tilespmem:v57+s15+$0x0], $0xffff  }
0x145: {  	v59 =	vadd.s32 $0x7280, v6;
	_ =	sdelay $0x3  }
0x146: {  	[tilespmem:v58+s19+$0x0] =	vst.idx.msk $0xffff, v8  }
0x147: {  	v60 =	vor.u32 $0x3D, v7;
	v8 =	vld.idx.msk [tilespmem:v59+s15+$0x0], $0xffff  }
0x148: {  	v61 =	vadd.s32 $0x7300, v6;
	_ =	sdelay $0x3  }
0x149: {  	[tilespmem:v60+s19+$0x0] =	vst.idx.msk $0xffff, v8  }
0x14a: {  	v62 =	vor.u32 $0x3E, v7;
	v8 =	vld.idx.msk [tilespmem:v61+s15+$0x0], $0xffff  }
0x14b: {  	v6 =	vadd.s32 $0x7380, v6;
	_ =	sdelay $0x3  }
0x14c: {  	[tilespmem:v62+s19+$0x0] =	vst.idx.msk $0xffff, v8  }
0x14d: {  	v7 =	vor.u32 $0x3F, v7;
	v6 =	vld.idx.msk [tilespmem:v6+s15+$0x0], $0xffff  }
0x14e: {  	s28 =	sadd.s32 $0xFFFFFFFF, s28  }
0x14f: {  	p1 =	sne.s32 s28, $0x0;
	v5 =	vshra.s32 v5, $0xA  }
.Ltmp8:
0x150: {  	v63 =	vbroadcast v5, $0x0;
	(pc) =	sbr.rel @p1 .LBB2_13-.Ltmp8, $4  }
0x151: {  	s24 =	sadd.s32 $0x1, s24  }
0x152: {  	s31 =	sadd.s32 $0x10, s31;
	s8 =	sshll.u32 s2, $0x7;
	s2 =	sshll.u32 s2, $0xB;
	v5 =	vsel vm0, v5, v63;
	[tilespmem:v7+s19+$0x0] =	vst.idx.msk $0xffff, v6  }
0x153: {  	s11 =	sor.u32 $0x18000, s2;
	s30 =	sadd.s32 $0x10, s30;
	s3 =	sor.u32 $0x19000, s8;
	[tilespmem:s8+$0x19000] =	vst v5  }
0x154: {  	[hbm4b:s7+s20] =	stream.indirect.scatter [tilespmem:s11], [sflag:$0x3], $0x80, s3, s20, $0xb8;
	[tilespmem:$0x19100] =	vst v63  }
.LBB2_14:
0x155: {  	s28 =	sshll.u32 s26, $0xF;
	p1 =	seq.s32 s26, $0x1E  }
0x156: {  	s0 =	sadd.s32 @!p1 s9, s28  }
0x157: {  	s2 =	simm.s32 @!p1 $0x1000;
	s3 =	simm.s32 @!p1 $0x7A1400;
	s0 =	smin.u32 @!p1 s0, $0xF4080  }
.Ltmp9:
0x158: {  	s8 =	simm.s32 @!p1 $0x8000;
	s0 =	sadd.s32 @!p1 s1, s0;
	(pc) =	sbr.rel @p0 .LBB2_15-.Ltmp9, $4  }
0x159: {  	[tilespmem:s8], [sflag:$0x1] =	stream.strided.gather @!p1 [hbm4b:s0+s2], $0x8000, s3, s2, $0x38;
	[tilespmem:$0x19100] =	vst v63  }
0x15a: {  	_ =	swait.ge [sflag:s21], $0x8000  }
0x15b: {  	[sflag:s21] =	ssyncset.done $0x0  }
0x15c: {  	[sflag:s21] =	ssyncadd.s32 $0xFFFF8000  }
0x15d: {  	p3 =	sne.s32 s25, $0x1  }
.Ltmp10:
0x15e: {  	_ = 	snop;
	(pc) =	sbr.rel @!p3 .LBB2_17-.Ltmp10, $4  }
0x15f: {  	s0 =	sor.u32 s12, s29  }
0x160: {  	s2 =	sshll.u32 s0, $0x9  }
0x161: {  	s3 =	simm.s32 $0x2000;
	s29 =	simm.s32 $0x4000;
	s2 =	smin.u32 s2, $0xF4080  }
0x162: {  	p2 =	por $0x0, $0x0;
	v5 =	vmov s0;
	v6 =	vld [tilespmem:s3+$0x0];
	s0 =	sadd.s32 $0xFFFFFFFF, s25;
	v4 =	vmov s2;
	s2 =	simm.s32 $0x0  }
0x163: {  	_ =	sdelay $0x3  }
0x164: {  	v8 =	vor.u32 s2, v0;
	v9 =	vshra.s32 v6, $0x9  }
0x165: {  	vm0 =	vlt.s32 v8, v3;
	vm1 =	veq.s32 v9, v5  }
0x166: {  	vm0 =	vmand vm0, vm1  }
0x167: {  	v7 =	vld [tilespmem:s29+$0x0];
	v8 =	vmpcnt.ones.xlane vm0;
	_ =	sdelay $0x1  }
0x168: {  	(v2sf) =	vpush v8, $0x0  }
0x169: {  	p3 =	sne.s32 s0, $0x1  }
.Ltmp11:
0x16a: {  	_ = 	snop;
	(pc) =	sbr.rel @!p3 .LBB2_19-.Ltmp11, $4  }
0x16b: {  	v6 =	vsub.s32 v6, v4;
	v7 =	vshll.u32 v7, $0xA  }
0x16c: {  	v6 =	vor.u32 v6, v7  }
0x16d: {  	s3 =	simm.s32 $0x2010;
	s8 =	sadd.s32 $0xFFFFFFFF, s0;
	p2 =	por $0x1, $0x1;
	[tilespmem:s2+$0x6000] =	vst.msk vm0, v6  }
0x16e: {  	s30 =	simm.s32 $0x4000;
	s0 =	simm.s32 $0x0;
	s31 =	simm.s32 $0x0;
	v6 =	vld [tilespmem:s3+$0x0]  }
.LBB2_20:
0x16f: {  	p3 =	sne.s32 s8, $0x1;
	_ =	sdelay $0x1  }
0x170: {  	s30 =	sadd.s32 $0x10, s30  }
0x171: {  	s0 =	sadd.s32 $0x10, s0;
	v7 =	vld [tilespmem:s30+$0x0]  }
0x172: {  	v8 =	vor.u32 s0, v0;
	v9 =	vshra.s32 v6, $0x9;
	v6 =	vsub.s32 v6, v4  }
0x173: {  	vm0 =	vlt.s32 v8, v3;
	vm1 =	veq.s32 v9, v5  }
0x174: {  	vm0 =	vmand vm0, vm1  }
0x175: {  	v8 =	vmpcnt.ones.xlane vm0  }
0x176: {  	v7 =	vshll.u32 v7, $0xA;
	s11 =	spop (v2sf)  }
0x177: {  	v6 =	vor.u32 v6, v7;
	(v2sf) =	vpush v8, $0x0;
	s31 =	sadd.s32 s31, s11  }
0x178: {  	[tilespmem:s31+$0x6000] =	vst.msk vm0, v6  }
.Ltmp12:
0x179: {  	(pc) =	sbr.rel @p3 .LBB2_20-.Ltmp12, $3  }
0x17a: {  	_ =	sdelay $0x1  }
0x17b: {  	s3 =	sadd.s32 $0x10, s3  }
0x17c: {  	s8 =	sadd.s32 $0xFFFFFFFF, s8;
	v6 =	vld [tilespmem:s3+$0x0]  }
.LBB2_21:
0x17d: {  	_ =	sdelay $0x1  }
0x17e: {  	s0 =	sadd.s32 @p2 $0x10, s0;
	s3 =	simm.s32 $0x0  }
0x17f: {  	s3 =	smov.u32 @p2 s0  }
0x180: {  	v7 =	vor.u32 s3, v0;
	v8 =	vshra.s32 v6, $0x9  }
0x181: {  	vm0 =	vlt.s32 v7, v3;
	vm1 =	veq.s32 v8, v5  }
0x182: {  	vm0 =	vmand vm0, vm1  }
0x183: {  	v5 =	vmpcnt.ones.xlane vm0;
	_ =	sdelay $0x1  }
0x184: {  	(v2sf) =	vpush v5, $0x0;
	_ =	sdelay $0x6  }
0x185: {  	s0 =	sadd.s32 @p2 $0x10, s30  }
0x186: {  	s29 =	smov.u32 @p2 s0  }
0x187: {  	v5 =	vld [tilespmem:s29+$0x0];
	_ =	sdelay $0x2  }
.Ltmp13:
0x188: {  	_ = 	snop;
	(pc) =	sbr.rel .LBB2_22-.Ltmp13, $4  }
0x189: {  	s0 =	spop @p2 (v2sf)  }
0x18a: {  	v4 =	vsub.s32 v6, v4;
	s0 =	sadd.s32 @p2 s31, s0;
	v5 =	vshll.u32 v5, $0xA  }
0x18b: {  	s2 =	smov.u32 @p2 s0;
	v4 =	vor.u32 v4, v5;
	s31 =	spop (v2sf)  }
0x18c: {  	[tilespmem:s2+$0x6000] =	vst.msk vm0, v4;
	s0 =	sadd.s32 s2, s31  }
.LBB2_15:
0x18d: {  	s0 =	simm.s32 $0x0  }
.LBB2_22:
0x18e: {  	s2 =	sadd.s32 $0xF, s0  }
0x18f: {  	s3 =	sand.u32 $0xF, s2  }
0x190: {  	s8 =	sshra.s32 s2, $0x1F;
	p2 =	slt.s32 s2, $0x1;
	p3 =	sne.s32 s3, $0x0  }
0x191: {  	s31 =	sshrl.u32 s8, $0x1C;
	p2 =	por !p2, !p3  }
0x192: {  	s3 =	simm.s32 $0x1;
	s2 =	sadd.s32 s31, s2;
	p2 =	por !p2, !p2  }
0x193: {  	s2 =	sshra.s32 s2, $0x4;
	s3 =	simm.s32 @!p2 $0x0  }
0x194: {  	s29 =	ssub.s32 s2, s3  }
0x195: {  	p2 =	slt.s32 s29, $0x1  }
.Ltmp14:
0x196: {  	_ = 	snop;
	(pc) =	sbr.rel @p2 .LBB2_25-.Ltmp14, $1  }
0x197: {  	_ =	sdelay $0x3  }
0x198: {  	v4 =	vmov s0;
	s30 =	simm.s32 $0x6000;
	s31 =	simm.s32 $0x0  }
.LBB2_24:
0x199: {  	p2 =	slt.s32 s24, $0x2  }
0x19a: {  	s0 =	simm.s32 @!p2 $0x3  }
0x19b: {  	_ =	swait.ge @!p2 [sflag:s0], $0x800  }
0x19c: {  	[sflag:s0] =	ssyncset.done @!p2 $0x0  }
0x19d: {  	[sflag:s0] =	ssyncadd.s32 @!p2 $0xFFFFF800  }
0x19e: {  	v5 =	vld [tilespmem:s30+$0x0];
	_ =	sdelay $0x4  }
0x19f: {  	v6 =	vand.u32 $0x3FF, v5  }
0x1a0: {  	v7 =	vor.u32 s31, v0;
	v8 =	vbroadcast v6, $0x0  }
0x1a1: {  	vm0 =	vlt.s32 v7, v4  }
0x1a2: {  	v8 =	vsel vm0, v6, v8  }
0x1a3: {  	v6 =	vshll.u32 v8, $0x3  }
0x1a4: {  	v7 =	vand.u32 $0x7F, v8;
	v9 =	vand.u32 $0x1C00, v6  }
0x1a5: {  	v6 =	vor.u32 v7, v9  }
0x1a6: {  	s2 =	sand.u32 $0x1, s24  }
0x1a7: {  	s3 =	sshll.u32 s2, $0x4  }
0x1a8: {  	v7 =	vmov s3  }
0x1a9: {  	v7 =	vshll.u32 v7, $0x7  }
0x1aa: {  	v7 =	vor.u32 v2, v7;
	v10 =	vld.idx.msk [tilespmem:v6+s16+$0x0], $0xffff  }
0x1ab: {  	v11 =	vor.u32 $0x80, v6;
	_ =	sdelay $0x3  }
0x1ac: {  	[tilespmem:v7+s19+$0x0] =	vst.idx.msk $0xffff, v10  }
0x1ad: {  	v47 =	vor.u32 $0x1, v7;
	v10 =	vld.idx.msk [tilespmem:v11+s16+$0x0], $0xffff  }
0x1ae: {  	v12 =	vor.u32 $0x100, v6;
	_ =	sdelay $0x3  }
0x1af: {  	[tilespmem:v47+s19+$0x0] =	vst.idx.msk $0xffff, v10  }
0x1b0: {  	v48 =	vor.u32 $0x2, v7;
	v10 =	vld.idx.msk [tilespmem:v12+s16+$0x0], $0xffff  }
0x1b1: {  	v49 =	vor.u32 $0x180, v6;
	_ =	sdelay $0x3  }
0x1b2: {  	[tilespmem:v48+s19+$0x0] =	vst.idx.msk $0xffff, v10  }
0x1b3: {  	v50 =	vor.u32 $0x3, v7;
	v10 =	vld.idx.msk [tilespmem:v49+s16+$0x0], $0xffff  }
0x1b4: {  	v51 =	vor.u32 $0x200, v6;
	_ =	sdelay $0x3  }
0x1b5: {  	[tilespmem:v50+s19+$0x0] =	vst.idx.msk $0xffff, v10  }
0x1b6: {  	v52 =	vor.u32 $0x4, v7;
	v10 =	vld.idx.msk [tilespmem:v51+s16+$0x0], $0xffff  }
0x1b7: {  	v53 =	vor.u32 $0x280, v6;
	_ =	sdelay $0x3  }
0x1b8: {  	[tilespmem:v52+s19+$0x0] =	vst.idx.msk $0xffff, v10  }
0x1b9: {  	v54 =	vor.u32 $0x5, v7;
	v10 =	vld.idx.msk [tilespmem:v53+s16+$0x0], $0xffff  }
0x1ba: {  	v55 =	vor.u32 $0x300, v6;
	_ =	sdelay $0x3  }
0x1bb: {  	[tilespmem:v54+s19+$0x0] =	vst.idx.msk $0xffff, v10  }
0x1bc: {  	v8 =	vor.u32 v8, v9;
	v56 =	vor.u32 $0x6, v7;
	v10 =	vld.idx.msk [tilespmem:v55+s16+$0x0], $0xffff  }
0x1bd: {  	v9 =	vor.u32 $0x380, v8;
	_ =	sdelay $0x3  }
0x1be: {  	[tilespmem:v56+s19+$0x0] =	vst.idx.msk $0xffff, v10  }
0x1bf: {  	v57 =	vor.u32 $0x7, v7;
	v9 =	vld.idx.msk [tilespmem:v9+s16+$0x0], $0xffff  }
0x1c0: {  	v58 =	vadd.s32 $0x1000, v6;
	_ =	sdelay $0x3  }
0x1c1: {  	[tilespmem:v57+s19+$0x0] =	vst.idx.msk $0xffff, v9  }
0x1c2: {  	v59 =	vor.u32 $0x8, v7;
	v9 =	vld.idx.msk [tilespmem:v58+s16+$0x0], $0xffff  }
0x1c3: {  	v60 =	vadd.s32 $0x1080, v6;
	_ =	sdelay $0x3  }
0x1c4: {  	[tilespmem:v59+s19+$0x0] =	vst.idx.msk $0xffff, v9  }
0x1c5: {  	v61 =	vor.u32 $0x9, v7;
	v9 =	vld.idx.msk [tilespmem:v60+s16+$0x0], $0xffff  }
0x1c6: {  	v62 =	vadd.s32 $0x1100, v6;
	_ =	sdelay $0x3  }
0x1c7: {  	[tilespmem:v61+s19+$0x0] =	vst.idx.msk $0xffff, v9  }
0x1c8: {  	v63 =	vor.u32 $0xA, v7;
	v9 =	vld.idx.msk [tilespmem:v62+s16+$0x0], $0xffff  }
0x1c9: {  	v12 =	vadd.s32 $0x1180, v6;
	_ =	sdelay $0x3  }
0x1ca: {  	[tilespmem:v63+s19+$0x0] =	vst.idx.msk $0xffff, v9  }
0x1cb: {  	v13 =	vor.u32 $0xB, v7;
	v9 =	vld.idx.msk [tilespmem:v12+s16+$0x0], $0xffff  }
0x1cc: {  	v14 =	vadd.s32 $0x1200, v6;
	_ =	sdelay $0x3  }
0x1cd: {  	[tilespmem:v13+s19+$0x0] =	vst.idx.msk $0xffff, v9  }
0x1ce: {  	v15 =	vor.u32 $0xC, v7;
	v9 =	vld.idx.msk [tilespmem:v14+s16+$0x0], $0xffff  }
0x1cf: {  	v16 =	vadd.s32 $0x1280, v6;
	_ =	sdelay $0x3  }
0x1d0: {  	[tilespmem:v15+s19+$0x0] =	vst.idx.msk $0xffff, v9  }
0x1d1: {  	v17 =	vor.u32 $0xD, v7;
	v9 =	vld.idx.msk [tilespmem:v16+s16+$0x0], $0xffff  }
0x1d2: {  	v18 =	vadd.s32 $0x1300, v6;
	_ =	sdelay $0x3  }
0x1d3: {  	[tilespmem:v17+s19+$0x0] =	vst.idx.msk $0xffff, v9  }
0x1d4: {  	v19 =	vor.u32 $0xE, v7;
	v9 =	vld.idx.msk [tilespmem:v18+s16+$0x0], $0xffff  }
0x1d5: {  	v20 =	vadd.s32 $0x1380, v6;
	_ =	sdelay $0x3  }
0x1d6: {  	[tilespmem:v19+s19+$0x0] =	vst.idx.msk $0xffff, v9  }
0x1d7: {  	v21 =	vor.u32 $0xF, v7;
	v9 =	vld.idx.msk [tilespmem:v20+s16+$0x0], $0xffff  }
0x1d8: {  	v22 =	vor.u32 $0x2000, v6;
	_ =	sdelay $0x3  }
0x1d9: {  	[tilespmem:v21+s19+$0x0] =	vst.idx.msk $0xffff, v9  }
0x1da: {  	v23 =	vor.u32 $0x10, v7;
	v9 =	vld.idx.msk [tilespmem:v22+s16+$0x0], $0xffff  }
0x1db: {  	v24 =	vor.u32 $0x2080, v6;
	_ =	sdelay $0x3  }
0x1dc: {  	[tilespmem:v23+s19+$0x0] =	vst.idx.msk $0xffff, v9  }
0x1dd: {  	v25 =	vor.u32 $0x11, v7;
	v9 =	vld.idx.msk [tilespmem:v24+s16+$0x0], $0xffff  }
0x1de: {  	v26 =	vor.u32 $0x2100, v6;
	_ =	sdelay $0x3  }
0x1df: {  	[tilespmem:v25+s19+$0x0] =	vst.idx.msk $0xffff, v9  }
0x1e0: {  	v27 =	vor.u32 $0x12, v7;
	v9 =	vld.idx.msk [tilespmem:v26+s16+$0x0], $0xffff  }
0x1e1: {  	v28 =	vor.u32 $0x2180, v6;
	_ =	sdelay $0x3  }
0x1e2: {  	[tilespmem:v27+s19+$0x0] =	vst.idx.msk $0xffff, v9  }
0x1e3: {  	v29 =	vor.u32 $0x13, v7;
	v9 =	vld.idx.msk [tilespmem:v28+s16+$0x0], $0xffff  }
0x1e4: {  	v30 =	vor.u32 $0x2200, v6;
	_ =	sdelay $0x3  }
0x1e5: {  	[tilespmem:v29+s19+$0x0] =	vst.idx.msk $0xffff, v9  }
0x1e6: {  	v31 =	vor.u32 $0x14, v7;
	v9 =	vld.idx.msk [tilespmem:v30+s16+$0x0], $0xffff  }
0x1e7: {  	v32 =	vor.u32 $0x2280, v6;
	_ =	sdelay $0x3  }
0x1e8: {  	[tilespmem:v31+s19+$0x0] =	vst.idx.msk $0xffff, v9  }
0x1e9: {  	v33 =	vor.u32 $0x15, v7;
	v9 =	vld.idx.msk [tilespmem:v32+s16+$0x0], $0xffff  }
0x1ea: {  	v34 =	vor.u32 $0x2300, v6;
	_ =	sdelay $0x3  }
0x1eb: {  	[tilespmem:v33+s19+$0x0] =	vst.idx.msk $0xffff, v9  }
0x1ec: {  	v35 =	vor.u32 $0x16, v7;
	v9 =	vld.idx.msk [tilespmem:v34+s16+$0x0], $0xffff  }
0x1ed: {  	v36 =	vor.u32 $0x2380, v8;
	_ =	sdelay $0x3  }
0x1ee: {  	[tilespmem:v35+s19+$0x0] =	vst.idx.msk $0xffff, v9  }
0x1ef: {  	v37 =	vor.u32 $0x17, v7;
	v9 =	vld.idx.msk [tilespmem:v36+s16+$0x0], $0xffff  }
0x1f0: {  	v38 =	vadd.s32 $0x3000, v6;
	_ =	sdelay $0x3  }
0x1f1: {  	[tilespmem:v37+s19+$0x0] =	vst.idx.msk $0xffff, v9  }
0x1f2: {  	v39 =	vor.u32 $0x18, v7;
	v9 =	vld.idx.msk [tilespmem:v38+s16+$0x0], $0xffff  }
0x1f3: {  	v40 =	vadd.s32 $0x3080, v6;
	_ =	sdelay $0x3  }
0x1f4: {  	[tilespmem:v39+s19+$0x0] =	vst.idx.msk $0xffff, v9  }
0x1f5: {  	v41 =	vor.u32 $0x19, v7;
	v9 =	vld.idx.msk [tilespmem:v40+s16+$0x0], $0xffff  }
0x1f6: {  	v42 =	vadd.s32 $0x3100, v6;
	_ =	sdelay $0x3  }
0x1f7: {  	[tilespmem:v41+s19+$0x0] =	vst.idx.msk $0xffff, v9  }
0x1f8: {  	v43 =	vor.u32 $0x1A, v7;
	v9 =	vld.idx.msk [tilespmem:v42+s16+$0x0], $0xffff  }
0x1f9: {  	v44 =	vadd.s32 $0x3180, v6;
	_ =	sdelay $0x3  }
0x1fa: {  	[tilespmem:v43+s19+$0x0] =	vst.idx.msk $0xffff, v9  }
0x1fb: {  	v45 =	vor.u32 $0x1B, v7;
	v9 =	vld.idx.msk [tilespmem:v44+s16+$0x0], $0xffff  }
0x1fc: {  	v46 =	vadd.s32 $0x3200, v6;
	_ =	sdelay $0x3  }
0x1fd: {  	[tilespmem:v45+s19+$0x0] =	vst.idx.msk $0xffff, v9  }
0x1fe: {  	v47 =	vor.u32 $0x1C, v7;
	v9 =	vld.idx.msk [tilespmem:v46+s16+$0x0], $0xffff  }
0x1ff: {  	v48 =	vadd.s32 $0x3280, v6;
	_ =	sdelay $0x3  }
0x200: {  	[tilespmem:v47+s19+$0x0] =	vst.idx.msk $0xffff, v9  }
0x201: {  	v49 =	vor.u32 $0x1D, v7;
	v9 =	vld.idx.msk [tilespmem:v48+s16+$0x0], $0xffff  }
0x202: {  	v50 =	vadd.s32 $0x3300, v6;
	_ =	sdelay $0x3  }
0x203: {  	[tilespmem:v49+s19+$0x0] =	vst.idx.msk $0xffff, v9  }
0x204: {  	v51 =	vor.u32 $0x1E, v7;
	v9 =	vld.idx.msk [tilespmem:v50+s16+$0x0], $0xffff  }
0x205: {  	v52 =	vadd.s32 $0x3380, v6;
	_ =	sdelay $0x3  }
0x206: {  	[tilespmem:v51+s19+$0x0] =	vst.idx.msk $0xffff, v9  }
0x207: {  	v53 =	vor.u32 $0x1F, v7;
	v9 =	vld.idx.msk [tilespmem:v52+s16+$0x0], $0xffff  }
0x208: {  	v54 =	vor.u32 $0x4000, v6;
	_ =	sdelay $0x3  }
0x209: {  	[tilespmem:v53+s19+$0x0] =	vst.idx.msk $0xffff, v9  }
0x20a: {  	v55 =	vor.u32 $0x20, v7;
	v9 =	vld.idx.msk [tilespmem:v54+s16+$0x0], $0xffff  }
0x20b: {  	v56 =	vor.u32 $0x4080, v6;
	_ =	sdelay $0x3  }
0x20c: {  	[tilespmem:v55+s19+$0x0] =	vst.idx.msk $0xffff, v9  }
0x20d: {  	v57 =	vor.u32 $0x21, v7;
	v9 =	vld.idx.msk [tilespmem:v56+s16+$0x0], $0xffff  }
0x20e: {  	v58 =	vor.u32 $0x4100, v6;
	_ =	sdelay $0x3  }
0x20f: {  	[tilespmem:v57+s19+$0x0] =	vst.idx.msk $0xffff, v9  }
0x210: {  	v59 =	vor.u32 $0x22, v7;
	v9 =	vld.idx.msk [tilespmem:v58+s16+$0x0], $0xffff  }
0x211: {  	v60 =	vor.u32 $0x4180, v6;
	_ =	sdelay $0x3  }
0x212: {  	[tilespmem:v59+s19+$0x0] =	vst.idx.msk $0xffff, v9  }
0x213: {  	v61 =	vor.u32 $0x23, v7;
	v9 =	vld.idx.msk [tilespmem:v60+s16+$0x0], $0xffff  }
0x214: {  	v62 =	vor.u32 $0x4200, v6;
	_ =	sdelay $0x3  }
0x215: {  	[tilespmem:v61+s19+$0x0] =	vst.idx.msk $0xffff, v9  }
0x216: {  	v63 =	vor.u32 $0x24, v7;
	v9 =	vld.idx.msk [tilespmem:v62+s16+$0x0], $0xffff  }
0x217: {  	v12 =	vor.u32 $0x4280, v6;
	_ =	sdelay $0x3  }
0x218: {  	[tilespmem:v63+s19+$0x0] =	vst.idx.msk $0xffff, v9  }
0x219: {  	v13 =	vor.u32 $0x25, v7;
	v9 =	vld.idx.msk [tilespmem:v12+s16+$0x0], $0xffff  }
0x21a: {  	v14 =	vor.u32 $0x4300, v6;
	_ =	sdelay $0x3  }
0x21b: {  	[tilespmem:v13+s19+$0x0] =	vst.idx.msk $0xffff, v9  }
0x21c: {  	v15 =	vor.u32 $0x26, v7;
	v9 =	vld.idx.msk [tilespmem:v14+s16+$0x0], $0xffff  }
0x21d: {  	v16 =	vor.u32 $0x4380, v8;
	_ =	sdelay $0x3  }
0x21e: {  	[tilespmem:v15+s19+$0x0] =	vst.idx.msk $0xffff, v9  }
0x21f: {  	v17 =	vor.u32 $0x27, v7;
	v9 =	vld.idx.msk [tilespmem:v16+s16+$0x0], $0xffff  }
0x220: {  	v18 =	vadd.s32 $0x5000, v6;
	_ =	sdelay $0x3  }
0x221: {  	[tilespmem:v17+s19+$0x0] =	vst.idx.msk $0xffff, v9  }
0x222: {  	v19 =	vor.u32 $0x28, v7;
	v9 =	vld.idx.msk [tilespmem:v18+s16+$0x0], $0xffff  }
0x223: {  	v20 =	vadd.s32 $0x5080, v6;
	_ =	sdelay $0x3  }
0x224: {  	[tilespmem:v19+s19+$0x0] =	vst.idx.msk $0xffff, v9  }
0x225: {  	v21 =	vor.u32 $0x29, v7;
	v9 =	vld.idx.msk [tilespmem:v20+s16+$0x0], $0xffff  }
0x226: {  	v22 =	vadd.s32 $0x5100, v6;
	_ =	sdelay $0x3  }
0x227: {  	[tilespmem:v21+s19+$0x0] =	vst.idx.msk $0xffff, v9  }
0x228: {  	v23 =	vor.u32 $0x2A, v7;
	v9 =	vld.idx.msk [tilespmem:v22+s16+$0x0], $0xffff  }
0x229: {  	v24 =	vadd.s32 $0x5180, v6;
	_ =	sdelay $0x3  }
0x22a: {  	[tilespmem:v23+s19+$0x0] =	vst.idx.msk $0xffff, v9  }
0x22b: {  	v25 =	vor.u32 $0x2B, v7;
	v9 =	vld.idx.msk [tilespmem:v24+s16+$0x0], $0xffff  }
0x22c: {  	v26 =	vadd.s32 $0x5200, v6;
	_ =	sdelay $0x3  }
0x22d: {  	[tilespmem:v25+s19+$0x0] =	vst.idx.msk $0xffff, v9  }
0x22e: {  	v27 =	vor.u32 $0x2C, v7;
	v9 =	vld.idx.msk [tilespmem:v26+s16+$0x0], $0xffff  }
0x22f: {  	v28 =	vadd.s32 $0x5280, v6;
	_ =	sdelay $0x3  }
0x230: {  	[tilespmem:v27+s19+$0x0] =	vst.idx.msk $0xffff, v9  }
0x231: {  	v29 =	vor.u32 $0x2D, v7;
	v9 =	vld.idx.msk [tilespmem:v28+s16+$0x0], $0xffff  }
0x232: {  	v30 =	vadd.s32 $0x5300, v6;
	_ =	sdelay $0x3  }
0x233: {  	[tilespmem:v29+s19+$0x0] =	vst.idx.msk $0xffff, v9  }
0x234: {  	v31 =	vor.u32 $0x2E, v7;
	v9 =	vld.idx.msk [tilespmem:v30+s16+$0x0], $0xffff  }
0x235: {  	v32 =	vadd.s32 $0x5380, v6;
	_ =	sdelay $0x3  }
0x236: {  	[tilespmem:v31+s19+$0x0] =	vst.idx.msk $0xffff, v9  }
0x237: {  	v33 =	vor.u32 $0x2F, v7;
	v9 =	vld.idx.msk [tilespmem:v32+s16+$0x0], $0xffff  }
0x238: {  	v34 =	vor.u32 $0x6000, v6;
	_ =	sdelay $0x3  }
0x239: {  	[tilespmem:v33+s19+$0x0] =	vst.idx.msk $0xffff, v9  }
0x23a: {  	v35 =	vor.u32 $0x30, v7;
	v9 =	vld.idx.msk [tilespmem:v34+s16+$0x0], $0xffff  }
0x23b: {  	v36 =	vor.u32 $0x6080, v6;
	_ =	sdelay $0x3  }
0x23c: {  	[tilespmem:v35+s19+$0x0] =	vst.idx.msk $0xffff, v9  }
0x23d: {  	v37 =	vor.u32 $0x31, v7;
	v9 =	vld.idx.msk [tilespmem:v36+s16+$0x0], $0xffff  }
0x23e: {  	v38 =	vor.u32 $0x6100, v6;
	_ =	sdelay $0x3  }
0x23f: {  	[tilespmem:v37+s19+$0x0] =	vst.idx.msk $0xffff, v9  }
0x240: {  	v39 =	vor.u32 $0x32, v7;
	v9 =	vld.idx.msk [tilespmem:v38+s16+$0x0], $0xffff  }
0x241: {  	v40 =	vor.u32 $0x6180, v6;
	_ =	sdelay $0x3  }
0x242: {  	[tilespmem:v39+s19+$0x0] =	vst.idx.msk $0xffff, v9  }
0x243: {  	v41 =	vor.u32 $0x33, v7;
	v9 =	vld.idx.msk [tilespmem:v40+s16+$0x0], $0xffff  }
0x244: {  	v42 =	vor.u32 $0x6200, v6;
	_ =	sdelay $0x3  }
0x245: {  	[tilespmem:v41+s19+$0x0] =	vst.idx.msk $0xffff, v9  }
0x246: {  	v43 =	vor.u32 $0x34, v7;
	v9 =	vld.idx.msk [tilespmem:v42+s16+$0x0], $0xffff  }
0x247: {  	v44 =	vor.u32 $0x6280, v6;
	_ =	sdelay $0x3  }
0x248: {  	[tilespmem:v43+s19+$0x0] =	vst.idx.msk $0xffff, v9  }
0x249: {  	v45 =	vor.u32 $0x35, v7;
	v9 =	vld.idx.msk [tilespmem:v44+s16+$0x0], $0xffff  }
0x24a: {  	v46 =	vor.u32 $0x6300, v6;
	_ =	sdelay $0x3  }
0x24b: {  	[tilespmem:v45+s19+$0x0] =	vst.idx.msk $0xffff, v9  }
0x24c: {  	v47 =	vor.u32 $0x36, v7;
	v9 =	vld.idx.msk [tilespmem:v46+s16+$0x0], $0xffff  }
0x24d: {  	v8 =	vor.u32 $0x6380, v8;
	_ =	sdelay $0x3  }
0x24e: {  	[tilespmem:v47+s19+$0x0] =	vst.idx.msk $0xffff, v9  }
0x24f: {  	v48 =	vor.u32 $0x37, v7;
	v8 =	vld.idx.msk [tilespmem:v8+s16+$0x0], $0xffff  }
0x250: {  	v49 =	vadd.s32 $0x7000, v6;
	_ =	sdelay $0x3  }
0x251: {  	[tilespmem:v48+s19+$0x0] =	vst.idx.msk $0xffff, v8  }
0x252: {  	v50 =	vor.u32 $0x38, v7;
	v8 =	vld.idx.msk [tilespmem:v49+s16+$0x0], $0xffff  }
0x253: {  	v51 =	vadd.s32 $0x7080, v6;
	_ =	sdelay $0x3  }
0x254: {  	[tilespmem:v50+s19+$0x0] =	vst.idx.msk $0xffff, v8  }
0x255: {  	v52 =	vor.u32 $0x39, v7;
	v8 =	vld.idx.msk [tilespmem:v51+s16+$0x0], $0xffff  }
0x256: {  	v53 =	vadd.s32 $0x7100, v6;
	_ =	sdelay $0x3  }
0x257: {  	[tilespmem:v52+s19+$0x0] =	vst.idx.msk $0xffff, v8  }
0x258: {  	v54 =	vor.u32 $0x3A, v7;
	v8 =	vld.idx.msk [tilespmem:v53+s16+$0x0], $0xffff  }
0x259: {  	v55 =	vadd.s32 $0x7180, v6;
	_ =	sdelay $0x3  }
0x25a: {  	[tilespmem:v54+s19+$0x0] =	vst.idx.msk $0xffff, v8  }
0x25b: {  	v56 =	vor.u32 $0x3B, v7;
	v8 =	vld.idx.msk [tilespmem:v55+s16+$0x0], $0xffff  }
0x25c: {  	v57 =	vadd.s32 $0x7200, v6;
	_ =	sdelay $0x3  }
0x25d: {  	[tilespmem:v56+s19+$0x0] =	vst.idx.msk $0xffff, v8  }
0x25e: {  	v58 =	vor.u32 $0x3C, v7;
	v8 =	vld.idx.msk [tilespmem:v57+s16+$0x0], $0xffff  }
0x25f: {  	v59 =	vadd.s32 $0x7280, v6;
	_ =	sdelay $0x3  }
0x260: {  	[tilespmem:v58+s19+$0x0] =	vst.idx.msk $0xffff, v8  }
0x261: {  	v60 =	vor.u32 $0x3D, v7;
	v8 =	vld.idx.msk [tilespmem:v59+s16+$0x0], $0xffff  }
0x262: {  	v61 =	vadd.s32 $0x7300, v6;
	_ =	sdelay $0x3  }
0x263: {  	[tilespmem:v60+s19+$0x0] =	vst.idx.msk $0xffff, v8  }
0x264: {  	v62 =	vor.u32 $0x3E, v7;
	v8 =	vld.idx.msk [tilespmem:v61+s16+$0x0], $0xffff  }
0x265: {  	v6 =	vadd.s32 $0x7380, v6;
	_ =	sdelay $0x3  }
0x266: {  	[tilespmem:v62+s19+$0x0] =	vst.idx.msk $0xffff, v8  }
0x267: {  	v7 =	vor.u32 $0x3F, v7;
	v6 =	vld.idx.msk [tilespmem:v6+s16+$0x0], $0xffff  }
0x268: {  	s29 =	sadd.s32 $0xFFFFFFFF, s29  }
0x269: {  	p2 =	sne.s32 s29, $0x0;
	v5 =	vshra.s32 v5, $0xA  }
.Ltmp15:
0x26a: {  	v63 =	vbroadcast v5, $0x0;
	(pc) =	sbr.rel @p2 .LBB2_24-.Ltmp15, $4  }
0x26b: {  	s24 =	sadd.s32 $0x1, s24  }
0x26c: {  	s31 =	sadd.s32 $0x10, s31;
	s8 =	sshll.u32 s2, $0x7;
	s2 =	sshll.u32 s2, $0xB;
	v5 =	vsel vm0, v5, v63;
	[tilespmem:v7+s19+$0x0] =	vst.idx.msk $0xffff, v6  }
0x26d: {  	s11 =	sor.u32 $0x18000, s2;
	s30 =	sadd.s32 $0x10, s30;
	s3 =	sor.u32 $0x19000, s8;
	[tilespmem:s8+$0x19000] =	vst v5  }
0x26e: {  	[hbm4b:s7+s20] =	stream.indirect.scatter [tilespmem:s11], [sflag:$0x3], $0x80, s3, s20, $0xb8;
	[tilespmem:$0x19100] =	vst v63  }
.LBB2_25:
.Ltmp16:
0x26f: {  	(pc) =	sbr.rel @p1 .LBB2_27-.Ltmp16, $1  }
0x270: {  	_ =	sdelay $0x3  }
.Ltmp17:
0x271: {  	(pc) =	sbr.rel .LBB2_4-.Ltmp17, $4  }
0x272: {  	s0 =	sadd.s32 s10, s28  }
0x273: {  	s0 =	smin.u32 s0, $0xF4080  }
0x274: {  	s26 =	sadd.s32 $0x1, s26;
	s0 =	sadd.s32 s1, s0  }
0x275: {  	[tilespmem:s16], [sflag:$0x2] =	stream.strided.gather [hbm4b:s0+s13], $0x8000, s14, s13, $0x38;
	[tilespmem:$0x19100] =	vst v63  }
.LBB2_6:
.Ltmp18:
0x276: {  	(pc) =	sbr.rel .LBB2_10-.Ltmp18, $2  }
0x277: {  	_ =	sdelay $0x2  }
0x278: {  	s30 =	simm.s32 $0x4000;
	s0 =	simm.s32 $0x0;
	s31 =	simm.s32 $0x0  }
.LBB2_17:
.Ltmp19:
0x279: {  	(pc) =	sbr.rel .LBB2_21-.Ltmp19, $2  }
0x27a: {  	_ =	sdelay $0x2  }
0x27b: {  	s30 =	simm.s32 $0x4000;
	s0 =	simm.s32 $0x0;
	s31 =	simm.s32 $0x0  }
.LBB2_8:
.Ltmp20:
0x27c: {  	(pc) =	sbr.rel .LBB2_10-.Ltmp20, $2  }
0x27d: {  	_ =	sdelay $0x2  }
0x27e: {  	s30 =	simm.s32 $0x4000;
	s0 =	simm.s32 $0x0;
	s31 =	simm.s32 $0x0  }
.LBB2_19:
.Ltmp21:
0x27f: {  	(pc) =	sbr.rel .LBB2_21-.Ltmp21, $2  }
0x280: {  	_ =	sdelay $0x2  }
0x281: {  	s30 =	simm.s32 $0x4000;
	s0 =	simm.s32 $0x0;
	s31 =	simm.s32 $0x0  }
.LBB2_27:
0x282: {  	p0 =	slt.s32 s24, $0x1  }
.Ltmp22:
0x283: {  	_ = 	snop;
	(pc) =	sbr.rel @p0 .LBB2_31-.Ltmp22, $1  }
0x284: {  	_ =	sdelay $0x3  }
0x285: {  	p0 =	slt.s32 s24, $0x2  }
0x286: {  	s24 =	simm.s32 @!p0 $0x2  }
0x287: {  	p0 =	sne.s32 s24, $0x1  }
.Ltmp23:
0x288: {  	_ = 	snop;
	(pc) =	sbr.rel @!p0 .LBB2_30-.Ltmp23, $3  }
0x289: {  	_ =	sdelay $0x1  }
0x28a: {  	_ =	swait.ge [sflag:s22], $0x800  }
0x28b: {  	[sflag:s22] =	ssyncset.done $0x0;
	s0 =	sadd.s32 $0xFFFFFFFF, s24  }
.LBB2_29:
0x28c: {  	p0 =	sne.s32 s0, $0x1;
	s0 =	sadd.s32 $0xFFFFFFFF, s0;
	[sflag:s22] =	ssyncadd.s32 $0xFFFFF800  }
.Ltmp24:
0x28d: {  	(pc) =	sbr.rel @p0 .LBB2_29-.Ltmp24, $3  }
0x28e: {  	_ =	sdelay $0x1  }
0x28f: {  	_ =	swait.ge [sflag:s22], $0x800  }
0x290: {  	[sflag:s22] =	ssyncset.done $0x0  }
.Ltmp25:
0x291: {  	_ = 	snop;
	(pc) =	sbr.rel .LBB2_30-.Ltmp25, $1  }
0x292: {  	_ =	sdelay $0x3  }
.LBB2_32:
0x293: {  	_ =	sfence.sel $0x180000  }
0x294: {  	[bflag:$0x0] =	sbarrier.arrive $0xFFFF  }
0x295: {  	_ =	strace $0x90000047  }
0x296: {  	s0 =	stileid.u32;
	[bflag:$0x2] =	sbarrier.arrive $0xFFFF  }
0x297: {  	p0 =	sne.s32 s0, $0x0;
	s0 =	rddreg [dreg:$0x3]  }
0x298: {  	s0 =	sadd.s32 @!p0 $0x100000, s0  }
0x299: {  	[sflag:s0] =	ssyncadd.tile.s32 @!p0 $0x1;
	_ =	shalt  }
.Lfunc_end2:
_tile_overlayer_lowered:
.L_overlay_start_2:
0x29a: {  	(tag) =	ssettag $0x2  }
0x29b: {  	s0 =	rddreg [dreg:$0x0];
	s2 =	stileid.u32  }
0x29c: {  	s1 =	rddreg [dreg:$0x1];
	p0 =	sne.s32 s2, $0x0  }
0x29d: {  	s3 =	rddreg [dreg:$0x2];
	[bflag:$0x3] =	sbarrier.arrive $0xFFFF;
	s2 =	simm.s32 @!p0 $0x1C04  }
0x29e: {  	[timem:s3], [sflag:s2] =	dma.local @!p0 [hbm:s0], s1  }
0x29f: {  	s0 =	simm.s32 @!p0 $0x4  }
0x2a0: {  	_ =	swait.ge @!p0 [sflag:s0], s1  }
0x2a1: {  	s1 =	ssub.s32 @!p0 $0x0, s1;
	[sflag:s0] =	ssyncset.done @!p0 $0x0  }
0x2a2: {  	[sflag:s0] =	ssyncadd.s32 @!p0 s1  }
0x2a3: {  	[bflag:$0x3] =	sbarrier.arrive $0xFFFF  }
0x2a4: {  	_ =	shalt  }

</sc_bundles>
